<compile_context>
chip_gen: v7x
topology: tpu7x:2x2x1
jax: 0.10.2.dev20260603
libtpu: 0.0.44.dev20260713+nightly
codegen_flags: <defaults>
</compile_context>

<pallas_src>
import functools

import jax
import jax.numpy as jnp
from jax import lax
from jax.experimental import pallas as pl
from jax.experimental.pallas import tpu as pltpu
from jax.experimental.pallas import tpu_sc as plsc

NC = 2
NS = 16
NW = NC * NS
L = 16
BS = 128


def _sc_body(J, VCH, verts_hbm, faces_hbm, out_hbm,
             ia, ib, ic, nx, ny, nz,
             g00, g01, g02, g03, g04, g05, g06, g07, g08,
             g10, g11, g12, g13, g14, g15, g16, g17, g18,
             zbuf, vtx, vty, vtz, accx, accy, accz, semga, semgb, sems):
    c = lax.axis_index("c")
    s = lax.axis_index("s")
    w = c * NS + s
    VACC = VCH * NS
    base_v = s * VCH
    sl = pl.ds(base_v, VCH)

    lanes = lax.iota(jnp.int32, L)
    zv = jnp.zeros((L,), jnp.float32)

    def _zfill(k, _):
        zbuf[pl.ds(k * L, L)] = zv
        return _

    lax.fori_loop(0, VCH // L, _zfill, None)
    pltpu.sync_copy(zbuf, accx.at[sl])
    pltpu.sync_copy(zbuf, accy.at[sl])
    pltpu.sync_copy(zbuf, accz.at[sl])

    pltpu.sync_copy(verts_hbm.at[pl.ds(0 * VACC + base_v, VCH)], vtx.at[sl])
    pltpu.sync_copy(verts_hbm.at[pl.ds(1 * VACC + base_v, VCH)], vty.at[sl])
    pltpu.sync_copy(verts_hbm.at[pl.ds(2 * VACC + base_v, VCH)], vtz.at[sl])

    pltpu.sync_copy(faces_hbm.at[0, w], ia)
    pltpu.sync_copy(faces_hbm.at[1, w], ib)
    pltpu.sync_copy(faces_hbm.at[2, w], ic)

    plsc.subcore_barrier()

    def _fire_gathers(row_a, row_b, row_c, bufs, sem):
        return [
            pltpu.async_copy(vtx.at[row_a], bufs[0][0], sem),
            pltpu.async_copy(vty.at[row_a], bufs[0][1], sem),
            pltpu.async_copy(vtz.at[row_a], bufs[0][2], sem),
            pltpu.async_copy(vtx.at[row_b], bufs[1][0], sem),
            pltpu.async_copy(vty.at[row_b], bufs[1][1], sem),
            pltpu.async_copy(vtz.at[row_b], bufs[1][2], sem),
            pltpu.async_copy(vtx.at[row_c], bufs[2][0], sem),
            pltpu.async_copy(vty.at[row_c], bufs[2][1], sem),
            pltpu.async_copy(vtz.at[row_c], bufs[2][2], sem),
        ]

    def _compute(j, bufs):
        jv = jnp.full((L,), j, jnp.int32)
        for i in range(BS // L):
            col = i * L + lanes
            ii = pl.ds(i * L, L)
            ax, ay, az = bufs[0][0][ii], bufs[0][1][ii], bufs[0][2][ii]
            bx, by, bz = bufs[1][0][ii], bufs[1][1][ii], bufs[1][2][ii]
            cx, cy, cz = bufs[2][0][ii], bufs[2][1][ii], bufs[2][2][ii]
            ux, uy, uz = cx - bx, cy - by, cz - bz
            vx, vy, vz = ax - bx, ay - by, az - bz
            plsc.store_scatter(nx, [jv, col], uy * vz - uz * vy)
            plsc.store_scatter(ny, [jv, col], uz * vx - ux * vz)
            plsc.store_scatter(nz, [jv, col], ux * vy - uy * vx)

    def _fire_scatters(j, row_a, row_b, row_c):
        for row in (row_a, row_b, row_c):
            pltpu.async_copy(nx.at[j], accx.at[row], sems, add=True)
            pltpu.async_copy(ny.at[j], accy.at[row], sems, add=True)
            pltpu.async_copy(nz.at[j], accz.at[row], sems, add=True)

    def _wait_scatters(j):
        for row in (ia.at[j], ib.at[j], ic.at[j]):
            pltpu.make_async_copy(nx.at[j], accx.at[row], sems).wait()
            pltpu.make_async_copy(ny.at[j], accy.at[row], sems).wait()
            pltpu.make_async_copy(nz.at[j], accz.at[row], sems).wait()

    bufs0 = ((g00, g01, g02), (g03, g04, g05), (g06, g07, g08))
    bufs1 = ((g10, g11, g12), (g13, g14, g15), (g16, g17, g18))

    def _wait_gathers(j, bufs, sem):
        rows = (ia.at[j], ib.at[j], ic.at[j])
        for corner in range(3):
            pltpu.make_async_copy(vtx.at[rows[corner]], bufs[corner][0], sem).wait()
            pltpu.make_async_copy(vty.at[rows[corner]], bufs[corner][1], sem).wait()
            pltpu.make_async_copy(vtz.at[rows[corner]], bufs[corner][2], sem).wait()

    _fire_gathers(ia.at[0], ib.at[0], ic.at[0], bufs0, semga)

    def _pair(t, _):
        j0 = 2 * t
        j1 = 2 * t + 1
        ra0, rb0, rc0 = ia.at[j0], ib.at[j0], ic.at[j0]
        ra1, rb1, rc1 = ia.at[j1], ib.at[j1], ic.at[j1]
        _fire_gathers(ra1, rb1, rc1, bufs1, semgb)
        _wait_gathers(j0, bufs0, semga)
        _compute(j0, bufs0)

        @pl.when(t + 1 < J // 2)
        def _prefetch_next():
            _fire_gathers(ia.at[j0 + 2], ib.at[j0 + 2], ic.at[j0 + 2],
                          bufs0, semga)

        _fire_scatters(j0, ra0, rb0, rc0)
        _wait_gathers(j1, bufs1, semgb)
        _compute(j1, bufs1)
        _fire_scatters(j1, ra1, rb1, rc1)

        @pl.when(t >= 1)
        def _drain_prev():
            _wait_scatters(2 * t - 2)
            _wait_scatters(2 * t - 1)

        return _

    lax.fori_loop(0, J // 2, _pair, None)
    _wait_scatters(J - 2)
    _wait_scatters(J - 1)

    plsc.subcore_barrier()

    pltpu.sync_copy(accx.at[sl], out_hbm.at[pl.ds((c * 3 + 0) * VACC + base_v, VCH)])
    pltpu.sync_copy(accy.at[sl], out_hbm.at[pl.ds((c * 3 + 1) * VACC + base_v, VCH)])
    pltpu.sync_copy(accz.at[sl], out_hbm.at[pl.ds((c * 3 + 2) * VACC + base_v, VCH)])


def _tc_norm(V, q_ref, o_ref):
    p = q_ref[0] + q_ref[1]
    ss = jnp.sum(p * p, axis=0, keepdims=True)
    scale = 1.0 / jnp.maximum(jnp.sqrt(ss), 1e-6)
    o_ref[...] = (p * scale)[:, :V]


def kernel(verts, faces):
    V = verts.shape[0]
    F = faces.shape[0]
    J = -(-F // (NW * BS))
    J = -(-J // 4) * 4
    Fp = NW * J * BS
    VCH = (-(-V // (NS * BS))) * BS
    if VCH * NS == V:
        VCH += BS
    VACC = VCH * NS

    faces = faces.astype(jnp.int32)
    pad_idx = V + (jnp.arange(Fp - F, dtype=jnp.int32) % (VACC - V))
    f_pad = jnp.concatenate(
        [faces, jnp.broadcast_to(pad_idx[:, None], (Fp - F, 3))], axis=0)
    f_soa = f_pad.T.reshape(3, NW, J, BS)
    v_soa = jnp.zeros((3, VACC), jnp.float32).at[:, :V].set(verts.T)

    mesh = plsc.VectorSubcoreMesh(
        core_axis_name="c", subcore_axis_name="s",
        num_cores=NC, num_subcores=NS)
    sc = pl.kernel(
        functools.partial(_sc_body, J, VCH),
        out_type=jax.ShapeDtypeStruct((NC * 3 * VACC,), jnp.float32),
        mesh=mesh,
        compiler_params=pltpu.CompilerParams(needs_layout_passes=False),
        scratch_types=[
            pltpu.VMEM((J, BS), jnp.int32),
            pltpu.VMEM((J, BS), jnp.int32),
            pltpu.VMEM((J, BS), jnp.int32),
            pltpu.VMEM((J, BS), jnp.float32),
            pltpu.VMEM((J, BS), jnp.float32),
            pltpu.VMEM((J, BS), jnp.float32),
        ] + [pltpu.VMEM((BS,), jnp.float32)] * 18
        + [
            pltpu.VMEM((VCH,), jnp.float32),
            pltpu.VMEM_SHARED((VACC,), jnp.float32),
            pltpu.VMEM_SHARED((VACC,), jnp.float32),
            pltpu.VMEM_SHARED((VACC,), jnp.float32),
            pltpu.VMEM_SHARED((VACC,), jnp.float32),
            pltpu.VMEM_SHARED((VACC,), jnp.float32),
            pltpu.VMEM_SHARED((VACC,), jnp.float32),
            pltpu.SemaphoreType.DMA,
            pltpu.SemaphoreType.DMA,
            pltpu.SemaphoreType.DMA,
        ],
    )
    partials = sc(v_soa.reshape(-1), f_soa).reshape(NC, 3, VACC)

    out = pl.pallas_call(
        functools.partial(_tc_norm, V),
        out_shape=jax.ShapeDtypeStruct((3, V), jnp.float32),
    )(partials)
    return out.T

# --- scband reference (transcript-rebuilt; emitter-appended) ---
"""Pipeline reference for scband-meshes-36146444763461 (READ-ONLY COPY).

The authoritative reference and input builder live on the scoring server;
editing this copy changes nothing except your own understanding.
"""

import jax, jax.numpy as jnp
import numpy as np


def setup_inputs(seed: int = 0) -> dict:
    key = jax.random.key(seed)
    k1, k2 = jax.random.split(key)
    verts = jax.random.normal(k1, (100000, 3), dtype=jnp.float32)
    faces = jax.random.randint(k2, (200000, 3), 0, 100000, dtype=jnp.int64)
    return {"verts": verts, "faces": faces}


def reference(verts, faces):
    # Faithful translation of Meshes.vertex_normals:
    # gather face vertices, compute per-face (area-weighted) normals via cross
    # product, scatter-add them to each incident vertex, then normalize.
    vertices_faces = verts[faces]  # (F, 3, 3)
    faces_normals = jnp.cross(
        vertices_faces[:, 2] - vertices_faces[:, 1],
        vertices_faces[:, 0] - vertices_faces[:, 1],
    )  # (F, 3)
    verts_normals = jnp.zeros_like(verts)
    verts_normals = verts_normals.at[faces[:, 0]].add(faces_normals)
    verts_normals = verts_normals.at[faces[:, 1]].add(faces_normals)
    verts_normals = verts_normals.at[faces[:, 2]].add(faces_normals)
    # torch.nn.functional.normalize(x, eps=1e-6, dim=1): x / max(||x||_2, eps)
    norm = jnp.linalg.norm(verts_normals, axis=1, keepdims=True)
    return verts_normals / jnp.maximum(norm, 1e-6)

if __name__ == "__main__":
    import jax
    _d = setup_inputs()
    print(jax.jit(kernel)(*tuple(_d.values())))

</pallas_src>

<mosaic_0001>
#map = affine_map<(d0, d1) -> (0)>
#map1 = affine_map<(d0, d1) -> (0, 0, 0, 0)>
module attributes {stable_mosaic.version = 14 : i64} {
  func.func @_sc_body(%arg0: i32, %arg1: i32, %arg2: memref<301056xf32, #tpu.memory_space<hbm>>, %arg3: memref<3x32x52x128xi32, #tpu.memory_space<hbm>>, %arg4: memref<602112xf32, #tpu.memory_space<hbm>>, %arg5: memref<52x128xi32, #tpu.memory_space<vmem>>, %arg6: memref<52x128xi32, #tpu.memory_space<vmem>>, %arg7: memref<52x128xi32, #tpu.memory_space<vmem>>, %arg8: memref<52x128xf32, #tpu.memory_space<vmem>>, %arg9: memref<52x128xf32, #tpu.memory_space<vmem>>, %arg10: memref<52x128xf32, #tpu.memory_space<vmem>>, %arg11: memref<128xf32, #tpu.memory_space<vmem>>, %arg12: memref<128xf32, #tpu.memory_space<vmem>>, %arg13: memref<128xf32, #tpu.memory_space<vmem>>, %arg14: memref<128xf32, #tpu.memory_space<vmem>>, %arg15: memref<128xf32, #tpu.memory_space<vmem>>, %arg16: memref<128xf32, #tpu.memory_space<vmem>>, %arg17: memref<128xf32, #tpu.memory_space<vmem>>, %arg18: memref<128xf32, #tpu.memory_space<vmem>>, %arg19: memref<128xf32, #tpu.memory_space<vmem>>, %arg20: memref<128xf32, #tpu.memory_space<vmem>>, %arg21: memref<128xf32, #tpu.memory_space<vmem>>, %arg22: memref<128xf32, #tpu.memory_space<vmem>>, %arg23: memref<128xf32, #tpu.memory_space<vmem>>, %arg24: memref<128xf32, #tpu.memory_space<vmem>>, %arg25: memref<128xf32, #tpu.memory_space<vmem>>, %arg26: memref<128xf32, #tpu.memory_space<vmem>>, %arg27: memref<128xf32, #tpu.memory_space<vmem>>, %arg28: memref<128xf32, #tpu.memory_space<vmem>>, %arg29: memref<6272xf32, #tpu.memory_space<vmem>>, %arg30: memref<100352xf32, #tpu.memory_space<vmem_shared>>, %arg31: memref<100352xf32, #tpu.memory_space<vmem_shared>>, %arg32: memref<100352xf32, #tpu.memory_space<vmem_shared>>, %arg33: memref<100352xf32, #tpu.memory_space<vmem_shared>>, %arg34: memref<100352xf32, #tpu.memory_space<vmem_shared>>, %arg35: memref<100352xf32, #tpu.memory_space<vmem_shared>>, %arg36: memref<!tpu.dma_semaphore, #tpu.memory_space<semaphore_mem>>, %arg37: memref<!tpu.dma_semaphore, #tpu.memory_space<semaphore_mem>>, %arg38: memref<!tpu.dma_semaphore, #tpu.memory_space<semaphore_mem>>) attributes {dimension_semantics = [#tpu.dimension_semantics<core_parallel>, #tpu.dimension_semantics<subcore_parallel>], iteration_bounds = array<i64: 2, 16>, scalar_prefetch = 0 : i64, scratch_operands = 34 : i64, tpu.core_type = #tpu.core_type<sc_vector_subcore>, window_params = [{transform_indices = #map}, {transform_indices = #map1}, {transform_indices = #map}]} {
    %mul3A = arith.constant 16 : i32
    %mul3A_0 = arith.muli %arg0, %mul3A : i32
    %add3A = arith.addi %mul3A_0, %arg1 : i32
    %mul3A_1 = arith.constant 6272 : i32
    %mul3A_2 = arith.muli %arg1, %mul3A_1 : i32
    %iota3A = tpu.iota {dimensions = array<i32: 0>} : vector<16xi32>
    %broadcast_in_dim3A = arith.constant 0.000000e+00 : f32
    %broadcast_in_dim3A_3 = vector.broadcast %broadcast_in_dim3A : f32 to vector<16xf32>
    %scan3A = arith.constant 0 : i32
    %scan3A_4 = arith.constant 392 : i32
    %scan3A_5 = arith.addi %scan3A, %scan3A_4 : i32
    %scan3A_6 = arith.constant 1 : i32
    scf.for %scan3A_275 = %scan3A to %scan3A_5 step %scan3A_6  : i32 {
      %mul3A_276 = arith.constant 16 : i32
      %mul3A_277 = arith.muli %scan3A_275, %mul3A_276 : i32
      %swap3A = arith.index_cast %mul3A_277 : i32 to index
      %swap3A_278 = tpu.vector_load %arg29[%swap3A] {strides = array<i32>} : memref<6272xf32, #tpu.memory_space<vmem>>, vector<16xf32>,
      tpu.vector_store %arg29[%swap3A], %broadcast_in_dim3A_3 {strides = array<i32>} : memref<6272xf32, #tpu.memory_space<vmem>>, vector<16xf32>,
    }
    %scan3A_7 = arith.constant 392 : i32
    "tpu.region"() ({
      %run_scoped3A_275 = tpu.sem_alloc : memref<!tpu.dma_semaphore, #tpu.memory_space<semaphore_mem>>
      %dma_start3A_276 = tpu.memref_slice %arg33[%mul3A_2] : memref<100352xf32, #tpu.memory_space<vmem_shared>> -> memref<6272xf32, #tpu.memory_space<vmem_shared>>
      %dma_start3A_277 = tpu.memref_slice %arg33[%mul3A_2] : memref<100352xf32, #tpu.memory_space<vmem_shared>> -> memref<6272xf32, #tpu.memory_space<vmem_shared>>
      tpu.enqueue_dma source(%arg29 : memref<6272xf32, #tpu.memory_space<vmem>>) target(%dma_start3A_277 : memref<6272xf32, #tpu.memory_space<vmem_shared>>) target_semaphore(%run_scoped3A_275 : memref<!tpu.dma_semaphore, #tpu.memory_space<semaphore_mem>>)
      %dma_wait3A_278 = tpu.memref_slice %arg33[%mul3A_2] : memref<100352xf32, #tpu.memory_space<vmem_shared>> -> memref<6272xf32, #tpu.memory_space<vmem_shared>>
      %dma_wait3A_279 = tpu.memref_slice %arg33[%mul3A_2] : memref<100352xf32, #tpu.memory_space<vmem_shared>> -> memref<6272xf32, #tpu.memory_space<vmem_shared>>
      tpu.wait_dma2 semaphore(%run_scoped3A_275 : memref<!tpu.dma_semaphore, #tpu.memory_space<semaphore_mem>>) src(%arg29 : memref<6272xf32, #tpu.memory_space<vmem>>) dst(%dma_wait3A_279 : memref<6272xf32, #tpu.memory_space<vmem_shared>>)
      tpu.yield
    }) : () -> ()
    "tpu.region"() ({
      %run_scoped3A_275 = tpu.sem_alloc : memref<!tpu.dma_semaphore, #tpu.memory_space<semaphore_mem>>
      %dma_start3A_276 = tpu.memref_slice %arg34[%mul3A_2] : memref<100352xf32, #tpu.memory_space<vmem_shared>> -> memref<6272xf32, #tpu.memory_space<vmem_shared>>
      %dma_start3A_277 = tpu.memref_slice %arg34[%mul3A_2] : memref<100352xf32, #tpu.memory_space<vmem_shared>> -> memref<6272xf32, #tpu.memory_space<vmem_shared>>
      tpu.enqueue_dma source(%arg29 : memref<6272xf32, #tpu.memory_space<vmem>>) target(%dma_start3A_277 : memref<6272xf32, #tpu.memory_space<vmem_shared>>) target_semaphore(%run_scoped3A_275 : memref<!tpu.dma_semaphore, #tpu.memory_space<semaphore_mem>>)
      %dma_wait3A_278 = tpu.memref_slice %arg34[%mul3A_2] : memref<100352xf32, #tpu.memory_space<vmem_shared>> -> memref<6272xf32, #tpu.memory_space<vmem_shared>>
      %dma_wait3A_279 = tpu.memref_slice %arg34[%mul3A_2] : memref<100352xf32, #tpu.memory_space<vmem_shared>> -> memref<6272xf32, #tpu.memory_space<vmem_shared>>
      tpu.wait_dma2 semaphore(%run_scoped3A_275 : memref<!tpu.dma_semaphore, #tpu.memory_space<semaphore_mem>>) src(%arg29 : memref<6272xf32, #tpu.memory_space<vmem>>) dst(%dma_wait3A_279 : memref<6272xf32, #tpu.memory_space<vmem_shared>>)
      tpu.yield
    }) : () -> ()
    "tpu.region"() ({
      %run_scoped3A_275 = tpu.sem_alloc : memref<!tpu.dma_semaphore, #tpu.memory_space<semaphore_mem>>
      %dma_start3A_276 = tpu.memref_slice %arg35[%mul3A_2] : memref<100352xf32, #tpu.memory_space<vmem_shared>> -> memref<6272xf32, #tpu.memory_space<vmem_shared>>
      %dma_start3A_277 = tpu.memref_slice %arg35[%mul3A_2] : memref<100352xf32, #tpu.memory_space<vmem_shared>> -> memref<6272xf32, #tpu.memory_space<vmem_shared>>
      tpu.enqueue_dma source(%arg29 : memref<6272xf32, #tpu.memory_space<vmem>>) target(%dma_start3A_277 : memref<6272xf32, #tpu.memory_space<vmem_shared>>) target_semaphore(%run_scoped3A_275 : memref<!tpu.dma_semaphore, #tpu.memory_space<semaphore_mem>>)
      %dma_wait3A_278 = tpu.memref_slice %arg35[%mul3A_2] : memref<100352xf32, #tpu.memory_space<vmem_shared>> -> memref<6272xf32, #tpu.memory_space<vmem_shared>>
      %dma_wait3A_279 = tpu.memref_slice %arg35[%mul3A_2] : memref<100352xf32, #tpu.memory_space<vmem_shared>> -> memref<6272xf32, #tpu.memory_space<vmem_shared>>
      tpu.wait_dma2 semaphore(%run_scoped3A_275 : memref<!tpu.dma_semaphore, #tpu.memory_space<semaphore_mem>>) src(%arg29 : memref<6272xf32, #tpu.memory_space<vmem>>) dst(%dma_wait3A_279 : memref<6272xf32, #tpu.memory_space<vmem_shared>>)
      tpu.yield
    }) : () -> ()
    %add3A_8 = arith.constant 0 : i32
    %add3A_9 = arith.addi %add3A_8, %mul3A_2 : i32
    "tpu.region"() ({
      %run_scoped3A_275 = tpu.sem_alloc : memref<!tpu.dma_semaphore, #tpu.memory_space<semaphore_mem>>
      %dma_start3A_276 = tpu.memref_slice %arg30[%mul3A_2] : memref<100352xf32, #tpu.memory_space<vmem_shared>> -> memref<6272xf32, #tpu.memory_space<vmem_shared>>
      %dma_start3A_277 = tpu.memref_slice %arg2[%add3A_9] : memref<301056xf32, #tpu.memory_space<hbm>> -> memref<6272xf32, #tpu.memory_space<hbm>>
      tpu.enqueue_dma source(%dma_start3A_277 : memref<6272xf32, #tpu.memory_space<hbm>>) target(%dma_start3A_276 : memref<6272xf32, #tpu.memory_space<vmem_shared>>) target_semaphore(%run_scoped3A_275 : memref<!tpu.dma_semaphore, #tpu.memory_space<semaphore_mem>>)
      %dma_wait3A_278 = tpu.memref_slice %arg30[%mul3A_2] : memref<100352xf32, #tpu.memory_space<vmem_shared>> -> memref<6272xf32, #tpu.memory_space<vmem_shared>>
      %dma_wait3A_279 = tpu.memref_slice %arg2[%add3A_9] : memref<301056xf32, #tpu.memory_space<hbm>> -> memref<6272xf32, #tpu.memory_space<hbm>>
      tpu.wait_dma2 semaphore(%run_scoped3A_275 : memref<!tpu.dma_semaphore, #tpu.memory_space<semaphore_mem>>) src(%dma_wait3A_279 : memref<6272xf32, #tpu.memory_space<hbm>>) dst(%dma_wait3A_278 : memref<6272xf32, #tpu.memory_space<vmem_shared>>)
      tpu.yield
    }) : () -> ()
    %add3A_10 = arith.constant 100352 : i32
    %add3A_11 = arith.addi %add3A_10, %mul3A_2 : i32
    "tpu.region"() ({
      %run_scoped3A_275 = tpu.sem_alloc : memref<!tpu.dma_semaphore, #tpu.memory_space<semaphore_mem>>
      %dma_start3A_276 = tpu.memref_slice %arg31[%mul3A_2] : memref<100352xf32, #tpu.memory_space<vmem_shared>> -> memref<6272xf32, #tpu.memory_space<vmem_shared>>
      %dma_start3A_277 = tpu.memref_slice %arg2[%add3A_11] : memref<301056xf32, #tpu.memory_space<hbm>> -> memref<6272xf32, #tpu.memory_space<hbm>>
      tpu.enqueue_dma source(%dma_start3A_277 : memref<6272xf32, #tpu.memory_space<hbm>>) target(%dma_start3A_276 : memref<6272xf32, #tpu.memory_space<vmem_shared>>) target_semaphore(%run_scoped3A_275 : memref<!tpu.dma_semaphore, #tpu.memory_space<semaphore_mem>>)
      %dma_wait3A_278 = tpu.memref_slice %arg31[%mul3A_2] : memref<100352xf32, #tpu.memory_space<vmem_shared>> -> memref<6272xf32, #tpu.memory_space<vmem_shared>>
      %dma_wait3A_279 = tpu.memref_slice %arg2[%add3A_11] : memref<301056xf32, #tpu.memory_space<hbm>> -> memref<6272xf32, #tpu.memory_space<hbm>>
      tpu.wait_dma2 semaphore(%run_scoped3A_275 : memref<!tpu.dma_semaphore, #tpu.memory_space<semaphore_mem>>) src(%dma_wait3A_279 : memref<6272xf32, #tpu.memory_space<hbm>>) dst(%dma_wait3A_278 : memref<6272xf32, #tpu.memory_space<vmem_shared>>)
      tpu.yield
    }) : () -> ()
    %add3A_12 = arith.constant 200704 : i32
    %add3A_13 = arith.addi %add3A_12, %mul3A_2 : i32
    "tpu.region"() ({
      %run_scoped3A_275 = tpu.sem_alloc : memref<!tpu.dma_semaphore, #tpu.memory_space<semaphore_mem>>
      %dma_start3A_276 = tpu.memref_slice %arg32[%mul3A_2] : memref<100352xf32, #tpu.memory_space<vmem_shared>> -> memref<6272xf32, #tpu.memory_space<vmem_shared>>
      %dma_start3A_277 = tpu.memref_slice %arg2[%add3A_13] : memref<301056xf32, #tpu.memory_space<hbm>> -> memref<6272xf32, #tpu.memory_space<hbm>>
      tpu.enqueue_dma source(%dma_start3A_277 : memref<6272xf32, #tpu.memory_space<hbm>>) target(%dma_start3A_276 : memref<6272xf32, #tpu.memory_space<vmem_shared>>) target_semaphore(%run_scoped3A_275 : memref<!tpu.dma_semaphore, #tpu.memory_space<semaphore_mem>>)
      %dma_wait3A_278 = tpu.memref_slice %arg32[%mul3A_2] : memref<100352xf32, #tpu.memory_space<vmem_shared>> -> memref<6272xf32, #tpu.memory_space<vmem_shared>>
      %dma_wait3A_279 = tpu.memref_slice %arg2[%add3A_13] : memref<301056xf32, #tpu.memory_space<hbm>> -> memref<6272xf32, #tpu.memory_space<hbm>>
      tpu.wait_dma2 semaphore(%run_scoped3A_275 : memref<!tpu.dma_semaphore, #tpu.memory_space<semaphore_mem>>) src(%dma_wait3A_279 : memref<6272xf32, #tpu.memory_space<hbm>>) dst(%dma_wait3A_278 : memref<6272xf32, #tpu.memory_space<vmem_shared>>)
      tpu.yield
    }) : () -> ()
    %run_scoped3A = arith.constant 0 : i32
    "tpu.region"() ({
      %run_scoped3A_275 = tpu.sem_alloc : memref<!tpu.dma_semaphore, #tpu.memory_space<semaphore_mem>>
      %dma_start3A_276 = arith.constant 0 : i32
      %dma_start3A_277 = arith.constant 0 : i32
      %dma_start3A_278 = tpu.memref_slice %arg3[%run_scoped3A, %add3A, %dma_start3A_276, %dma_start3A_277] : memref<3x32x52x128xi32, #tpu.memory_space<hbm>> -> memref<1x1x52x128xi32, #tpu.memory_space<hbm>>
      %dma_start3A_279 = tpu.memref_squeeze %dma_start3A_278 : memref<1x1x52x128xi32, #tpu.memory_space<hbm>> -> memref<52x128xi32, #tpu.memory_space<hbm>>
      %dma_start3A_280 = arith.constant 0 : i32
      %dma_start3A_281 = arith.constant 0 : i32
      %dma_start3A_282 = tpu.memref_slice %arg3[%run_scoped3A, %add3A, %dma_start3A_280, %dma_start3A_281] : memref<3x32x52x128xi32, #tpu.memory_space<hbm>> -> memref<1x1x52x128xi32, #tpu.memory_space<hbm>>
      %dma_start3A_283 = tpu.memref_squeeze %dma_start3A_282 : memref<1x1x52x128xi32, #tpu.memory_space<hbm>> -> memref<52x128xi32, #tpu.memory_space<hbm>>
      tpu.enqueue_dma source(%dma_start3A_283 : memref<52x128xi32, #tpu.memory_space<hbm>>) target(%arg5 : memref<52x128xi32, #tpu.memory_space<vmem>>) target_semaphore(%run_scoped3A_275 : memref<!tpu.dma_semaphore, #tpu.memory_space<semaphore_mem>>)
      %dma_wait3A_284 = arith.constant 0 : i32
      %dma_wait3A_285 = arith.constant 0 : i32
      %dma_wait3A_286 = tpu.memref_slice %arg3[%run_scoped3A, %add3A, %dma_wait3A_284, %dma_wait3A_285] : memref<3x32x52x128xi32, #tpu.memory_space<hbm>> -> memref<1x1x52x128xi32, #tpu.memory_space<hbm>>
      %dma_wait3A_287 = tpu.memref_squeeze %dma_wait3A_286 : memref<1x1x52x128xi32, #tpu.memory_space<hbm>> -> memref<52x128xi32, #tpu.memory_space<hbm>>
      %dma_wait3A_288 = arith.constant 0 : i32
      %dma_wait3A_289 = arith.constant 0 : i32
      %dma_wait3A_290 = tpu.memref_slice %arg3[%run_scoped3A, %add3A, %dma_wait3A_288, %dma_wait3A_289] : memref<3x32x52x128xi32, #tpu.memory_space<hbm>> -> memref<1x1x52x128xi32, #tpu.memory_space<hbm>>
      %dma_wait3A_291 = tpu.memref_squeeze %dma_wait3A_290 : memref<1x1x52x128xi32, #tpu.memory_space<hbm>> -> memref<52x128xi32, #tpu.memory_space<hbm>>
      tpu.wait_dma2 semaphore(%run_scoped3A_275 : memref<!tpu.dma_semaphore, #tpu.memory_space<semaphore_mem>>) src(%dma_wait3A_291 : memref<52x128xi32, #tpu.memory_space<hbm>>) dst(%arg5 : memref<52x128xi32, #tpu.memory_space<vmem>>)
      tpu.yield
    }) : () -> ()
    %run_scoped3A_14 = arith.constant 1 : i32
    "tpu.region"() ({
      %run_scoped3A_275 = tpu.sem_alloc : memref<!tpu.dma_semaphore, #tpu.memory_space<semaphore_mem>>
      %dma_start3A_276 = arith.constant 0 : i32
      %dma_start3A_277 = arith.constant 0 : i32
      %dma_start3A_278 = tpu.memref_slice %arg3[%run_scoped3A_14, %add3A, %dma_start3A_276, %dma_start3A_277] : memref<3x32x52x128xi32, #tpu.memory_space<hbm>> -> memref<1x1x52x128xi32, #tpu.memory_space<hbm>>
      %dma_start3A_279 = tpu.memref_squeeze %dma_start3A_278 : memref<1x1x52x128xi32, #tpu.memory_space<hbm>> -> memref<52x128xi32, #tpu.memory_space<hbm>>
      %dma_start3A_280 = arith.constant 0 : i32
      %dma_start3A_281 = arith.constant 0 : i32
      %dma_start3A_282 = tpu.memref_slice %arg3[%run_scoped3A_14, %add3A, %dma_start3A_280, %dma_start3A_281] : memref<3x32x52x128xi32, #tpu.memory_space<hbm>> -> memref<1x1x52x128xi32, #tpu.memory_space<hbm>>
      %dma_start3A_283 = tpu.memref_squeeze %dma_start3A_282 : memref<1x1x52x128xi32, #tpu.memory_space<hbm>> -> memref<52x128xi32, #tpu.memory_space<hbm>>
      tpu.enqueue_dma source(%dma_start3A_283 : memref<52x128xi32, #tpu.memory_space<hbm>>) target(%arg6 : memref<52x128xi32, #tpu.memory_space<vmem>>) target_semaphore(%run_scoped3A_275 : memref<!tpu.dma_semaphore, #tpu.memory_space<semaphore_mem>>)
      %dma_wait3A_284 = arith.constant 0 : i32
      %dma_wait3A_285 = arith.constant 0 : i32
      %dma_wait3A_286 = tpu.memref_slice %arg3[%run_scoped3A_14, %add3A, %dma_wait3A_284, %dma_wait3A_285] : memref<3x32x52x128xi32, #tpu.memory_space<hbm>> -> memref<1x1x52x128xi32, #tpu.memory_space<hbm>>
      %dma_wait3A_287 = tpu.memref_squeeze %dma_wait3A_286 : memref<1x1x52x128xi32, #tpu.memory_space<hbm>> -> memref<52x128xi32, #tpu.memory_space<hbm>>
      %dma_wait3A_288 = arith.constant 0 : i32
      %dma_wait3A_289 = arith.constant 0 : i32
      %dma_wait3A_290 = tpu.memref_slice %arg3[%run_scoped3A_14, %add3A, %dma_wait3A_288, %dma_wait3A_289] : memref<3x32x52x128xi32, #tpu.memory_space<hbm>> -> memref<1x1x52x128xi32, #tpu.memory_space<hbm>>
      %dma_wait3A_291 = tpu.memref_squeeze %dma_wait3A_290 : memref<1x1x52x128xi32, #tpu.memory_space<hbm>> -> memref<52x128xi32, #tpu.memory_space<hbm>>
      tpu.wait_dma2 semaphore(%run_scoped3A_275 : memref<!tpu.dma_semaphore, #tpu.memory_space<semaphore_mem>>) src(%dma_wait3A_291 : memref<52x128xi32, #tpu.memory_space<hbm>>) dst(%arg6 : memref<52x128xi32, #tpu.memory_space<vmem>>)
      tpu.yield
    }) : () -> ()
    %run_scoped3A_15 = arith.constant 2 : i32
    "tpu.region"() ({
      %run_scoped3A_275 = tpu.sem_alloc : memref<!tpu.dma_semaphore, #tpu.memory_space<semaphore_mem>>
      %dma_start3A_276 = arith.constant 0 : i32
      %dma_start3A_277 = arith.constant 0 : i32
      %dma_start3A_278 = tpu.memref_slice %arg3[%run_scoped3A_15, %add3A, %dma_start3A_276, %dma_start3A_277] : memref<3x32x52x128xi32, #tpu.memory_space<hbm>> -> memref<1x1x52x128xi32, #tpu.memory_space<hbm>>
      %dma_start3A_279 = tpu.memref_squeeze %dma_start3A_278 : memref<1x1x52x128xi32, #tpu.memory_space<hbm>> -> memref<52x128xi32, #tpu.memory_space<hbm>>
      %dma_start3A_280 = arith.constant 0 : i32
      %dma_start3A_281 = arith.constant 0 : i32
      %dma_start3A_282 = tpu.memref_slice %arg3[%run_scoped3A_15, %add3A, %dma_start3A_280, %dma_start3A_281] : memref<3x32x52x128xi32, #tpu.memory_space<hbm>> -> memref<1x1x52x128xi32, #tpu.memory_space<hbm>>
      %dma_start3A_283 = tpu.memref_squeeze %dma_start3A_282 : memref<1x1x52x128xi32, #tpu.memory_space<hbm>> -> memref<52x128xi32, #tpu.memory_space<hbm>>
      tpu.enqueue_dma source(%dma_start3A_283 : memref<52x128xi32, #tpu.memory_space<hbm>>) target(%arg7 : memref<52x128xi32, #tpu.memory_space<vmem>>) target_semaphore(%run_scoped3A_275 : memref<!tpu.dma_semaphore, #tpu.memory_space<semaphore_mem>>)
      %dma_wait3A_284 = arith.constant 0 : i32
      %dma_wait3A_285 = arith.constant 0 : i32
      %dma_wait3A_286 = tpu.memref_slice %arg3[%run_scoped3A_15, %add3A, %dma_wait3A_284, %dma_wait3A_285] : memref<3x32x52x128xi32, #tpu.memory_space<hbm>> -> memref<1x1x52x128xi32, #tpu.memory_space<hbm>>
      %dma_wait3A_287 = tpu.memref_squeeze %dma_wait3A_286 : memref<1x1x52x128xi32, #tpu.memory_space<hbm>> -> memref<52x128xi32, #tpu.memory_space<hbm>>
      %dma_wait3A_288 = arith.constant 0 : i32
      %dma_wait3A_289 = arith.constant 0 : i32
      %dma_wait3A_290 = tpu.memref_slice %arg3[%run_scoped3A_15, %add3A, %dma_wait3A_288, %dma_wait3A_289] : memref<3x32x52x128xi32, #tpu.memory_space<hbm>> -> memref<1x1x52x128xi32, #tpu.memory_space<hbm>>
      %dma_wait3A_291 = tpu.memref_squeeze %dma_wait3A_290 : memref<1x1x52x128xi32, #tpu.memory_space<hbm>> -> memref<52x128xi32, #tpu.memory_space<hbm>>
      tpu.wait_dma2 semaphore(%run_scoped3A_275 : memref<!tpu.dma_semaphore, #tpu.memory_space<semaphore_mem>>) src(%dma_wait3A_291 : memref<52x128xi32, #tpu.memory_space<hbm>>) dst(%arg7 : memref<52x128xi32, #tpu.memory_space<vmem>>)
      tpu.yield
    }) : () -> ()
    %barrier3A = arith.constant 0 : index
    tpu.barrier barrier_id(%barrier3A)
    %dma_start3A = arith.constant 0 : i32
    %dma_start3A_16 = arith.constant 0 : i32
    %dma_start3A_17 = tpu.memref_slice %arg5[%dma_start3A, %dma_start3A_16] : memref<52x128xi32, #tpu.memory_space<vmem>> -> memref<1x128xi32, #tpu.memory_space<vmem>>
    %dma_start3A_18 = tpu.memref_squeeze %dma_start3A_17 : memref<1x128xi32, #tpu.memory_space<vmem>> -> memref<128xi32, #tpu.memory_space<vmem>>
    %dma_start3A_19 = arith.constant 0 : i32
    %dma_start3A_20 = tpu.memref_slice %arg30[%dma_start3A_19] : memref<100352xf32, #tpu.memory_space<vmem_shared>> -> memref<100352xf32, #tpu.memory_space<vmem_shared>>
    tpu.enqueue_indirect_dma source(%dma_start3A_20 : memref<100352xf32, #tpu.memory_space<vmem_shared>>) target(%arg11 : memref<128xf32, #tpu.memory_space<vmem>>) offsets(%dma_start3A_18 : memref<128xi32, #tpu.memory_space<vmem>>) semaphore(%arg36 : memref<!tpu.dma_semaphore, #tpu.memory_space<semaphore_mem>>)
    %dma_start3A_21 = arith.constant 0 : i32
    %dma_start3A_22 = arith.constant 0 : i32
    %dma_start3A_23 = tpu.memref_slice %arg5[%dma_start3A_21, %dma_start3A_22] : memref<52x128xi32, #tpu.memory_space<vmem>> -> memref<1x128xi32, #tpu.memory_space<vmem>>
    %dma_start3A_24 = tpu.memref_squeeze %dma_start3A_23 : memref<1x128xi32, #tpu.memory_space<vmem>> -> memref<128xi32, #tpu.memory_space<vmem>>
    %dma_start3A_25 = arith.constant 0 : i32
    %dma_start3A_26 = tpu.memref_slice %arg31[%dma_start3A_25] : memref<100352xf32, #tpu.memory_space<vmem_shared>> -> memref<100352xf32, #tpu.memory_space<vmem_shared>>
    tpu.enqueue_indirect_dma source(%dma_start3A_26 : memref<100352xf32, #tpu.memory_space<vmem_shared>>) target(%arg12 : memref<128xf32, #tpu.memory_space<vmem>>) offsets(%dma_start3A_24 : memref<128xi32, #tpu.memory_space<vmem>>) semaphore(%arg36 : memref<!tpu.dma_semaphore, #tpu.memory_space<semaphore_mem>>)
    %dma_start3A_27 = arith.constant 0 : i32
    %dma_start3A_28 = arith.constant 0 : i32
    %dma_start3A_29 = tpu.memref_slice %arg5[%dma_start3A_27, %dma_start3A_28] : memref<52x128xi32, #tpu.memory_space<vmem>> -> memref<1x128xi32, #tpu.memory_space<vmem>>
    %dma_start3A_30 = tpu.memref_squeeze %dma_start3A_29 : memref<1x128xi32, #tpu.memory_space<vmem>> -> memref<128xi32, #tpu.memory_space<vmem>>
    %dma_start3A_31 = arith.constant 0 : i32
    %dma_start3A_32 = tpu.memref_slice %arg32[%dma_start3A_31] : memref<100352xf32, #tpu.memory_space<vmem_shared>> -> memref<100352xf32, #tpu.memory_space<vmem_shared>>
    tpu.enqueue_indirect_dma source(%dma_start3A_32 : memref<100352xf32, #tpu.memory_space<vmem_shared>>) target(%arg13 : memref<128xf32, #tpu.memory_space<vmem>>) offsets(%dma_start3A_30 : memref<128xi32, #tpu.memory_space<vmem>>) semaphore(%arg36 : memref<!tpu.dma_semaphore, #tpu.memory_space<semaphore_mem>>)
    %dma_start3A_33 = arith.constant 0 : i32
    %dma_start3A_34 = arith.constant 0 : i32
    %dma_start3A_35 = tpu.memref_slice %arg6[%dma_start3A_33, %dma_start3A_34] : memref<52x128xi32, #tpu.memory_space<vmem>> -> memref<1x128xi32, #tpu.memory_space<vmem>>
    %dma_start3A_36 = tpu.memref_squeeze %dma_start3A_35 : memref<1x128xi32, #tpu.memory_space<vmem>> -> memref<128xi32, #tpu.memory_space<vmem>>
    %dma_start3A_37 = arith.constant 0 : i32
    %dma_start3A_38 = tpu.memref_slice %arg30[%dma_start3A_37] : memref<100352xf32, #tpu.memory_space<vmem_shared>> -> memref<100352xf32, #tpu.memory_space<vmem_shared>>
    tpu.enqueue_indirect_dma source(%dma_start3A_38 : memref<100352xf32, #tpu.memory_space<vmem_shared>>) target(%arg14 : memref<128xf32, #tpu.memory_space<vmem>>) offsets(%dma_start3A_36 : memref<128xi32, #tpu.memory_space<vmem>>) semaphore(%arg36 : memref<!tpu.dma_semaphore, #tpu.memory_space<semaphore_mem>>)
    %dma_start3A_39 = arith.constant 0 : i32
    %dma_start3A_40 = arith.constant 0 : i32
    %dma_start3A_41 = tpu.memref_slice %arg6[%dma_start3A_39, %dma_start3A_40] : memref<52x128xi32, #tpu.memory_space<vmem>> -> memref<1x128xi32, #tpu.memory_space<vmem>>
    %dma_start3A_42 = tpu.memref_squeeze %dma_start3A_41 : memref<1x128xi32, #tpu.memory_space<vmem>> -> memref<128xi32, #tpu.memory_space<vmem>>
    %dma_start3A_43 = arith.constant 0 : i32
    %dma_start3A_44 = tpu.memref_slice %arg31[%dma_start3A_43] : memref<100352xf32, #tpu.memory_space<vmem_shared>> -> memref<100352xf32, #tpu.memory_space<vmem_shared>>
    tpu.enqueue_indirect_dma source(%dma_start3A_44 : memref<100352xf32, #tpu.memory_space<vmem_shared>>) target(%arg15 : memref<128xf32, #tpu.memory_space<vmem>>) offsets(%dma_start3A_42 : memref<128xi32, #tpu.memory_space<vmem>>) semaphore(%arg36 : memref<!tpu.dma_semaphore, #tpu.memory_space<semaphore_mem>>)
    %dma_start3A_45 = arith.constant 0 : i32
    %dma_start3A_46 = arith.constant 0 : i32
    %dma_start3A_47 = tpu.memref_slice %arg6[%dma_start3A_45, %dma_start3A_46] : memref<52x128xi32, #tpu.memory_space<vmem>> -> memref<1x128xi32, #tpu.memory_space<vmem>>
    %dma_start3A_48 = tpu.memref_squeeze %dma_start3A_47 : memref<1x128xi32, #tpu.memory_space<vmem>> -> memref<128xi32, #tpu.memory_space<vmem>>
    %dma_start3A_49 = arith.constant 0 : i32
    %dma_start3A_50 = tpu.memref_slice %arg32[%dma_start3A_49] : memref<100352xf32, #tpu.memory_space<vmem_shared>> -> memref<100352xf32, #tpu.memory_space<vmem_shared>>
    tpu.enqueue_indirect_dma source(%dma_start3A_50 : memref<100352xf32, #tpu.memory_space<vmem_shared>>) target(%arg16 : memref<128xf32, #tpu.memory_space<vmem>>) offsets(%dma_start3A_48 : memref<128xi32, #tpu.memory_space<vmem>>) semaphore(%arg36 : memref<!tpu.dma_semaphore, #tpu.memory_space<semaphore_mem>>)
    %dma_start3A_51 = arith.constant 0 : i32
    %dma_start3A_52 = arith.constant 0 : i32
    %dma_start3A_53 = tpu.memref_slice %arg7[%dma_start3A_51, %dma_start3A_52] : memref<52x128xi32, #tpu.memory_space<vmem>> -> memref<1x128xi32, #tpu.memory_space<vmem>>
    %dma_start3A_54 = tpu.memref_squeeze %dma_start3A_53 : memref<1x128xi32, #tpu.memory_space<vmem>> -> memref<128xi32, #tpu.memory_space<vmem>>
    %dma_start3A_55 = arith.constant 0 : i32
    %dma_start3A_56 = tpu.memref_slice %arg30[%dma_start3A_55] : memref<100352xf32, #tpu.memory_space<vmem_shared>> -> memref<100352xf32, #tpu.memory_space<vmem_shared>>
    tpu.enqueue_indirect_dma source(%dma_start3A_56 : memref<100352xf32, #tpu.memory_space<vmem_shared>>) target(%arg17 : memref<128xf32, #tpu.memory_space<vmem>>) offsets(%dma_start3A_54 : memref<128xi32, #tpu.memory_space<vmem>>) semaphore(%arg36 : memref<!tpu.dma_semaphore, #tpu.memory_space<semaphore_mem>>)
    %dma_start3A_57 = arith.constant 0 : i32
    %dma_start3A_58 = arith.constant 0 : i32
    %dma_start3A_59 = tpu.memref_slice %arg7[%dma_start3A_57, %dma_start3A_58] : memref<52x128xi32, #tpu.memory_space<vmem>> -> memref<1x128xi32, #tpu.memory_space<vmem>>
    %dma_start3A_60 = tpu.memref_squeeze %dma_start3A_59 : memref<1x128xi32, #tpu.memory_space<vmem>> -> memref<128xi32, #tpu.memory_space<vmem>>
    %dma_start3A_61 = arith.constant 0 : i32
    %dma_start3A_62 = tpu.memref_slice %arg31[%dma_start3A_61] : memref<100352xf32, #tpu.memory_space<vmem_shared>> -> memref<100352xf32, #tpu.memory_space<vmem_shared>>
    tpu.enqueue_indirect_dma source(%dma_start3A_62 : memref<100352xf32, #tpu.memory_space<vmem_shared>>) target(%arg18 : memref<128xf32, #tpu.memory_space<vmem>>) offsets(%dma_start3A_60 : memref<128xi32, #tpu.memory_space<vmem>>) semaphore(%arg36 : memref<!tpu.dma_semaphore, #tpu.memory_space<semaphore_mem>>)
    %dma_start3A_63 = arith.constant 0 : i32
    %dma_start3A_64 = arith.constant 0 : i32
    %dma_start3A_65 = tpu.memref_slice %arg7[%dma_start3A_63, %dma_start3A_64] : memref<52x128xi32, #tpu.memory_space<vmem>> -> memref<1x128xi32, #tpu.memory_space<vmem>>
    %dma_start3A_66 = tpu.memref_squeeze %dma_start3A_65 : memref<1x128xi32, #tpu.memory_space<vmem>> -> memref<128xi32, #tpu.memory_space<vmem>>
    %dma_start3A_67 = arith.constant 0 : i32
    %dma_start3A_68 = tpu.memref_slice %arg32[%dma_start3A_67] : memref<100352xf32, #tpu.memory_space<vmem_shared>> -> memref<100352xf32, #tpu.memory_space<vmem_shared>>
    tpu.enqueue_indirect_dma source(%dma_start3A_68 : memref<100352xf32, #tpu.memory_space<vmem_shared>>) target(%arg19 : memref<128xf32, #tpu.memory_space<vmem>>) offsets(%dma_start3A_66 : memref<128xi32, #tpu.memory_space<vmem>>) semaphore(%arg36 : memref<!tpu.dma_semaphore, #tpu.memory_space<semaphore_mem>>)
    %scan3A_69 = arith.constant 0 : i32
    %scan3A_70 = arith.constant 26 : i32
    %scan3A_71 = arith.addi %scan3A_69, %scan3A_70 : i32
    %scan3A_72 = arith.constant 1 : i32
    scf.for %scan3A_275 = %scan3A_69 to %scan3A_71 step %scan3A_72  : i32 {
      %mul3A_276 = arith.constant 2 : i32
      %mul3A_277 = arith.muli %mul3A_276, %scan3A_275 : i32
      %mul3A_278 = arith.constant 2 : i32
      %mul3A_279 = arith.muli %mul3A_278, %scan3A_275 : i32
      %add3A_280 = arith.constant 1 : i32
      %add3A_281 = arith.addi %mul3A_279, %add3A_280 : i32
      %dma_start3A_282 = arith.constant 0 : i32
      %dma_start3A_283 = tpu.memref_slice %arg5[%add3A_281, %dma_start3A_282] : memref<52x128xi32, #tpu.memory_space<vmem>> -> memref<1x128xi32, #tpu.memory_space<vmem>>
      %dma_start3A_284 = tpu.memref_squeeze %dma_start3A_283 : memref<1x128xi32, #tpu.memory_space<vmem>> -> memref<128xi32, #tpu.memory_space<vmem>>
      %dma_start3A_285 = arith.constant 0 : i32
      %dma_start3A_286 = tpu.memref_slice %arg30[%dma_start3A_285] : memref<100352xf32, #tpu.memory_space<vmem_shared>> -> memref<100352xf32, #tpu.memory_space<vmem_shared>>
      tpu.enqueue_indirect_dma source(%dma_start3A_286 : memref<100352xf32, #tpu.memory_space<vmem_shared>>) target(%arg20 : memref<128xf32, #tpu.memory_space<vmem>>) offsets(%dma_start3A_284 : memref<128xi32, #tpu.memory_space<vmem>>) semaphore(%arg37 : memref<!tpu.dma_semaphore, #tpu.memory_space<semaphore_mem>>)
      %dma_start3A_287 = arith.constant 0 : i32
      %dma_start3A_288 = tpu.memref_slice %arg5[%add3A_281, %dma_start3A_287] : memref<52x128xi32, #tpu.memory_space<vmem>> -> memref<1x128xi32, #tpu.memory_space<vmem>>
      %dma_start3A_289 = tpu.memref_squeeze %dma_start3A_288 : memref<1x128xi32, #tpu.memory_space<vmem>> -> memref<128xi32, #tpu.memory_space<vmem>>
      %dma_start3A_290 = arith.constant 0 : i32
      %dma_start3A_291 = tpu.memref_slice %arg31[%dma_start3A_290] : memref<100352xf32, #tpu.memory_space<vmem_shared>> -> memref<100352xf32, #tpu.memory_space<vmem_shared>>
      tpu.enqueue_indirect_dma source(%dma_start3A_291 : memref<100352xf32, #tpu.memory_space<vmem_shared>>) target(%arg21 : memref<128xf32, #tpu.memory_space<vmem>>) offsets(%dma_start3A_289 : memref<128xi32, #tpu.memory_space<vmem>>) semaphore(%arg37 : memref<!tpu.dma_semaphore, #tpu.memory_space<semaphore_mem>>)
      %dma_start3A_292 = arith.constant 0 : i32
      %dma_start3A_293 = tpu.memref_slice %arg5[%add3A_281, %dma_start3A_292] : memref<52x128xi32, #tpu.memory_space<vmem>> -> memref<1x128xi32, #tpu.memory_space<vmem>>
      %dma_start3A_294 = tpu.memref_squeeze %dma_start3A_293 : memref<1x128xi32, #tpu.memory_space<vmem>> -> memref<128xi32, #tpu.memory_space<vmem>>
      %dma_start3A_295 = arith.constant 0 : i32
      %dma_start3A_296 = tpu.memref_slice %arg32[%dma_start3A_295] : memref<100352xf32, #tpu.memory_space<vmem_shared>> -> memref<100352xf32, #tpu.memory_space<vmem_shared>>
      tpu.enqueue_indirect_dma source(%dma_start3A_296 : memref<100352xf32, #tpu.memory_space<vmem_shared>>) target(%arg22 : memref<128xf32, #tpu.memory_space<vmem>>) offsets(%dma_start3A_294 : memref<128xi32, #tpu.memory_space<vmem>>) semaphore(%arg37 : memref<!tpu.dma_semaphore, #tpu.memory_space<semaphore_mem>>)
      %dma_start3A_297 = arith.constant 0 : i32
      %dma_start3A_298 = tpu.memref_slice %arg6[%add3A_281, %dma_start3A_297] : memref<52x128xi32, #tpu.memory_space<vmem>> -> memref<1x128xi32, #tpu.memory_space<vmem>>
      %dma_start3A_299 = tpu.memref_squeeze %dma_start3A_298 : memref<1x128xi32, #tpu.memory_space<vmem>> -> memref<128xi32, #tpu.memory_space<vmem>>
      %dma_start3A_300 = arith.constant 0 : i32
      %dma_start3A_301 = tpu.memref_slice %arg30[%dma_start3A_300] : memref<100352xf32, #tpu.memory_space<vmem_shared>> -> memref<100352xf32, #tpu.memory_space<vmem_shared>>
      tpu.enqueue_indirect_dma source(%dma_start3A_301 : memref<100352xf32, #tpu.memory_space<vmem_shared>>) target(%arg23 : memref<128xf32, #tpu.memory_space<vmem>>) offsets(%dma_start3A_299 : memref<128xi32, #tpu.memory_space<vmem>>) semaphore(%arg37 : memref<!tpu.dma_semaphore, #tpu.memory_space<semaphore_mem>>)
      %dma_start3A_302 = arith.constant 0 : i32
      %dma_start3A_303 = tpu.memref_slice %arg6[%add3A_281, %dma_start3A_302] : memref<52x128xi32, #tpu.memory_space<vmem>> -> memref<1x128xi32, #tpu.memory_space<vmem>>
      %dma_start3A_304 = tpu.memref_squeeze %dma_start3A_303 : memref<1x128xi32, #tpu.memory_space<vmem>> -> memref<128xi32, #tpu.memory_space<vmem>>
      %dma_start3A_305 = arith.constant 0 : i32
      %dma_start3A_306 = tpu.memref_slice %arg31[%dma_start3A_305] : memref<100352xf32, #tpu.memory_space<vmem_shared>> -> memref<100352xf32, #tpu.memory_space<vmem_shared>>
      tpu.enqueue_indirect_dma source(%dma_start3A_306 : memref<100352xf32, #tpu.memory_space<vmem_shared>>) target(%arg24 : memref<128xf32, #tpu.memory_space<vmem>>) offsets(%dma_start3A_304 : memref<128xi32, #tpu.memory_space<vmem>>) semaphore(%arg37 : memref<!tpu.dma_semaphore, #tpu.memory_space<semaphore_mem>>)
      %dma_start3A_307 = arith.constant 0 : i32
      %dma_start3A_308 = tpu.memref_slice %arg6[%add3A_281, %dma_start3A_307] : memref<52x128xi32, #tpu.memory_space<vmem>> -> memref<1x128xi32, #tpu.memory_space<vmem>>
      %dma_start3A_309 = tpu.memref_squeeze %dma_start3A_308 : memref<1x128xi32, #tpu.memory_space<vmem>> -> memref<128xi32, #tpu.memory_space<vmem>>
      %dma_start3A_310 = arith.constant 0 : i32
      %dma_start3A_311 = tpu.memref_slice %arg32[%dma_start3A_310] : memref<100352xf32, #tpu.memory_space<vmem_shared>> -> memref<100352xf32, #tpu.memory_space<vmem_shared>>
      tpu.enqueue_indirect_dma source(%dma_start3A_311 : memref<100352xf32, #tpu.memory_space<vmem_shared>>) target(%arg25 : memref<128xf32, #tpu.memory_space<vmem>>) offsets(%dma_start3A_309 : memref<128xi32, #tpu.memory_space<vmem>>) semaphore(%arg37 : memref<!tpu.dma_semaphore, #tpu.memory_space<semaphore_mem>>)
      %dma_start3A_312 = arith.constant 0 : i32
      %dma_start3A_313 = tpu.memref_slice %arg7[%add3A_281, %dma_start3A_312] : memref<52x128xi32, #tpu.memory_space<vmem>> -> memref<1x128xi32, #tpu.memory_space<vmem>>
      %dma_start3A_314 = tpu.memref_squeeze %dma_start3A_313 : memref<1x128xi32, #tpu.memory_space<vmem>> -> memref<128xi32, #tpu.memory_space<vmem>>
      %dma_start3A_315 = arith.constant 0 : i32
      %dma_start3A_316 = tpu.memref_slice %arg30[%dma_start3A_315] : memref<100352xf32, #tpu.memory_space<vmem_shared>> -> memref<100352xf32, #tpu.memory_space<vmem_shared>>
      tpu.enqueue_indirect_dma source(%dma_start3A_316 : memref<100352xf32, #tpu.memory_space<vmem_shared>>) target(%arg26 : memref<128xf32, #tpu.memory_space<vmem>>) offsets(%dma_start3A_314 : memref<128xi32, #tpu.memory_space<vmem>>) semaphore(%arg37 : memref<!tpu.dma_semaphore, #tpu.memory_space<semaphore_mem>>)
      %dma_start3A_317 = arith.constant 0 : i32
      %dma_start3A_318 = tpu.memref_slice %arg7[%add3A_281, %dma_start3A_317] : memref<52x128xi32, #tpu.memory_space<vmem>> -> memref<1x128xi32, #tpu.memory_space<vmem>>
      %dma_start3A_319 = tpu.memref_squeeze %dma_start3A_318 : memref<1x128xi32, #tpu.memory_space<vmem>> -> memref<128xi32, #tpu.memory_space<vmem>>
      %dma_start3A_320 = arith.constant 0 : i32
      %dma_start3A_321 = tpu.memref_slice %arg31[%dma_start3A_320] : memref<100352xf32, #tpu.memory_space<vmem_shared>> -> memref<100352xf32, #tpu.memory_space<vmem_shared>>
      tpu.enqueue_indirect_dma source(%dma_start3A_321 : memref<100352xf32, #tpu.memory_space<vmem_shared>>) target(%arg27 : memref<128xf32, #tpu.memory_space<vmem>>) offsets(%dma_start3A_319 : memref<128xi32, #tpu.memory_space<vmem>>) semaphore(%arg37 : memref<!tpu.dma_semaphore, #tpu.memory_space<semaphore_mem>>)
      %dma_start3A_322 = arith.constant 0 : i32
      %dma_start3A_323 = tpu.memref_slice %arg7[%add3A_281, %dma_start3A_322] : memref<52x128xi32, #tpu.memory_space<vmem>> -> memref<1x128xi32, #tpu.memory_space<vmem>>
      %dma_start3A_324 = tpu.memref_squeeze %dma_start3A_323 : memref<1x128xi32, #tpu.memory_space<vmem>> -> memref<128xi32, #tpu.memory_space<vmem>>
      %dma_start3A_325 = arith.constant 0 : i32
      %dma_start3A_326 = tpu.memref_slice %arg32[%dma_start3A_325] : memref<100352xf32, #tpu.memory_space<vmem_shared>> -> memref<100352xf32, #tpu.memory_space<vmem_shared>>
      tpu.enqueue_indirect_dma source(%dma_start3A_326 : memref<100352xf32, #tpu.memory_space<vmem_shared>>) target(%arg28 : memref<128xf32, #tpu.memory_space<vmem>>) offsets(%dma_start3A_324 : memref<128xi32, #tpu.memory_space<vmem>>) semaphore(%arg37 : memref<!tpu.dma_semaphore, #tpu.memory_space<semaphore_mem>>)
      %dma_wait3A_327 = arith.constant 0 : i32
      %dma_wait3A_328 = tpu.memref_slice %arg5[%mul3A_277, %dma_wait3A_327] : memref<52x128xi32, #tpu.memory_space<vmem>> -> memref<1x128xi32, #tpu.memory_space<vmem>>
      %dma_wait3A_329 = tpu.memref_squeeze %dma_wait3A_328 : memref<1x128xi32, #tpu.memory_space<vmem>> -> memref<128xi32, #tpu.memory_space<vmem>>
      %dma_wait3A_330 = arith.constant 0 : i32
      %dma_wait3A_331 = tpu.memref_slice %arg30[%dma_wait3A_330] : memref<100352xf32, #tpu.memory_space<vmem_shared>> -> memref<100352xf32, #tpu.memory_space<vmem_shared>>
      tpu.wait_indirect_dma semaphore(%arg36 : memref<!tpu.dma_semaphore, #tpu.memory_space<semaphore_mem>>) src(%dma_wait3A_331 : memref<100352xf32, #tpu.memory_space<vmem_shared>>) dst(%arg11 : memref<128xf32, #tpu.memory_space<vmem>>)
      %dma_wait3A_332 = arith.constant 0 : i32
      %dma_wait3A_333 = tpu.memref_slice %arg5[%mul3A_277, %dma_wait3A_332] : memref<52x128xi32, #tpu.memory_space<vmem>> -> memref<1x128xi32, #tpu.memory_space<vmem>>
      %dma_wait3A_334 = tpu.memref_squeeze %dma_wait3A_333 : memref<1x128xi32, #tpu.memory_space<vmem>> -> memref<128xi32, #tpu.memory_space<vmem>>
      %dma_wait3A_335 = arith.constant 0 : i32
      %dma_wait3A_336 = tpu.memref_slice %arg31[%dma_wait3A_335] : memref<100352xf32, #tpu.memory_space<vmem_shared>> -> memref<100352xf32, #tpu.memory_space<vmem_shared>>
      tpu.wait_indirect_dma semaphore(%arg36 : memref<!tpu.dma_semaphore, #tpu.memory_space<semaphore_mem>>) src(%dma_wait3A_336 : memref<100352xf32, #tpu.memory_space<vmem_shared>>) dst(%arg12 : memref<128xf32, #tpu.memory_space<vmem>>)
      %dma_wait3A_337 = arith.constant 0 : i32
      %dma_wait3A_338 = tpu.memref_slice %arg5[%mul3A_277, %dma_wait3A_337] : memref<52x128xi32, #tpu.memory_space<vmem>> -> memref<1x128xi32, #tpu.memory_space<vmem>>
      %dma_wait3A_339 = tpu.memref_squeeze %dma_wait3A_338 : memref<1x128xi32, #tpu.memory_space<vmem>> -> memref<128xi32, #tpu.memory_space<vmem>>
      %dma_wait3A_340 = arith.constant 0 : i32
      %dma_wait3A_341 = tpu.memref_slice %arg32[%dma_wait3A_340] : memref<100352xf32, #tpu.memory_space<vmem_shared>> -> memref<100352xf32, #tpu.memory_space<vmem_shared>>
      tpu.wait_indirect_dma semaphore(%arg36 : memref<!tpu.dma_semaphore, #tpu.memory_space<semaphore_mem>>) src(%dma_wait3A_341 : memref<100352xf32, #tpu.memory_space<vmem_shared>>) dst(%arg13 : memref<128xf32, #tpu.memory_space<vmem>>)
      %dma_wait3A_342 = arith.constant 0 : i32
      %dma_wait3A_343 = tpu.memref_slice %arg6[%mul3A_277, %dma_wait3A_342] : memref<52x128xi32, #tpu.memory_space<vmem>> -> memref<1x128xi32, #tpu.memory_space<vmem>>
      %dma_wait3A_344 = tpu.memref_squeeze %dma_wait3A_343 : memref<1x128xi32, #tpu.memory_space<vmem>> -> memref<128xi32, #tpu.memory_space<vmem>>
      %dma_wait3A_345 = arith.constant 0 : i32
      %dma_wait3A_346 = tpu.memref_slice %arg30[%dma_wait3A_345] : memref<100352xf32, #tpu.memory_space<vmem_shared>> -> memref<100352xf32, #tpu.memory_space<vmem_shared>>
      tpu.wait_indirect_dma semaphore(%arg36 : memref<!tpu.dma_semaphore, #tpu.memory_space<semaphore_mem>>) src(%dma_wait3A_346 : memref<100352xf32, #tpu.memory_space<vmem_shared>>) dst(%arg14 : memref<128xf32, #tpu.memory_space<vmem>>)
      %dma_wait3A_347 = arith.constant 0 : i32
      %dma_wait3A_348 = tpu.memref_slice %arg6[%mul3A_277, %dma_wait3A_347] : memref<52x128xi32, #tpu.memory_space<vmem>> -> memref<1x128xi32, #tpu.memory_space<vmem>>
      %dma_wait3A_349 = tpu.memref_squeeze %dma_wait3A_348 : memref<1x128xi32, #tpu.memory_space<vmem>> -> memref<128xi32, #tpu.memory_space<vmem>>
      %dma_wait3A_350 = arith.constant 0 : i32
      %dma_wait3A_351 = tpu.memref_slice %arg31[%dma_wait3A_350] : memref<100352xf32, #tpu.memory_space<vmem_shared>> -> memref<100352xf32, #tpu.memory_space<vmem_shared>>
      tpu.wait_indirect_dma semaphore(%arg36 : memref<!tpu.dma_semaphore, #tpu.memory_space<semaphore_mem>>) src(%dma_wait3A_351 : memref<100352xf32, #tpu.memory_space<vmem_shared>>) dst(%arg15 : memref<128xf32, #tpu.memory_space<vmem>>)
      %dma_wait3A_352 = arith.constant 0 : i32
      %dma_wait3A_353 = tpu.memref_slice %arg6[%mul3A_277, %dma_wait3A_352] : memref<52x128xi32, #tpu.memory_space<vmem>> -> memref<1x128xi32, #tpu.memory_space<vmem>>
      %dma_wait3A_354 = tpu.memref_squeeze %dma_wait3A_353 : memref<1x128xi32, #tpu.memory_space<vmem>> -> memref<128xi32, #tpu.memory_space<vmem>>
      %dma_wait3A_355 = arith.constant 0 : i32
      %dma_wait3A_356 = tpu.memref_slice %arg32[%dma_wait3A_355] : memref<100352xf32, #tpu.memory_space<vmem_shared>> -> memref<100352xf32, #tpu.memory_space<vmem_shared>>
      tpu.wait_indirect_dma semaphore(%arg36 : memref<!tpu.dma_semaphore, #tpu.memory_space<semaphore_mem>>) src(%dma_wait3A_356 : memref<100352xf32, #tpu.memory_space<vmem_shared>>) dst(%arg16 : memref<128xf32, #tpu.memory_space<vmem>>)
      %dma_wait3A_357 = arith.constant 0 : i32
      %dma_wait3A_358 = tpu.memref_slice %arg7[%mul3A_277, %dma_wait3A_357] : memref<52x128xi32, #tpu.memory_space<vmem>> -> memref<1x128xi32, #tpu.memory_space<vmem>>
      %dma_wait3A_359 = tpu.memref_squeeze %dma_wait3A_358 : memref<1x128xi32, #tpu.memory_space<vmem>> -> memref<128xi32, #tpu.memory_space<vmem>>
      %dma_wait3A_360 = arith.constant 0 : i32
      %dma_wait3A_361 = tpu.memref_slice %arg30[%dma_wait3A_360] : memref<100352xf32, #tpu.memory_space<vmem_shared>> -> memref<100352xf32, #tpu.memory_space<vmem_shared>>
      tpu.wait_indirect_dma semaphore(%arg36 : memref<!tpu.dma_semaphore, #tpu.memory_space<semaphore_mem>>) src(%dma_wait3A_361 : memref<100352xf32, #tpu.memory_space<vmem_shared>>) dst(%arg17 : memref<128xf32, #tpu.memory_space<vmem>>)
      %dma_wait3A_362 = arith.constant 0 : i32
      %dma_wait3A_363 = tpu.memref_slice %arg7[%mul3A_277, %dma_wait3A_362] : memref<52x128xi32, #tpu.memory_space<vmem>> -> memref<1x128xi32, #tpu.memory_space<vmem>>
      %dma_wait3A_364 = tpu.memref_squeeze %dma_wait3A_363 : memref<1x128xi32, #tpu.memory_space<vmem>> -> memref<128xi32, #tpu.memory_space<vmem>>
      %dma_wait3A_365 = arith.constant 0 : i32
      %dma_wait3A_366 = tpu.memref_slice %arg31[%dma_wait3A_365] : memref<100352xf32, #tpu.memory_space<vmem_shared>> -> memref<100352xf32, #tpu.memory_space<vmem_shared>>
      tpu.wait_indirect_dma semaphore(%arg36 : memref<!tpu.dma_semaphore, #tpu.memory_space<semaphore_mem>>) src(%dma_wait3A_366 : memref<100352xf32, #tpu.memory_space<vmem_shared>>) dst(%arg18 : memref<128xf32, #tpu.memory_space<vmem>>)
      %dma_wait3A_367 = arith.constant 0 : i32
      %dma_wait3A_368 = tpu.memref_slice %arg7[%mul3A_277, %dma_wait3A_367] : memref<52x128xi32, #tpu.memory_space<vmem>> -> memref<1x128xi32, #tpu.memory_space<vmem>>
      %dma_wait3A_369 = tpu.memref_squeeze %dma_wait3A_368 : memref<1x128xi32, #tpu.memory_space<vmem>> -> memref<128xi32, #tpu.memory_space<vmem>>
      %dma_wait3A_370 = arith.constant 0 : i32
      %dma_wait3A_371 = tpu.memref_slice %arg32[%dma_wait3A_370] : memref<100352xf32, #tpu.memory_space<vmem_shared>> -> memref<100352xf32, #tpu.memory_space<vmem_shared>>
      tpu.wait_indirect_dma semaphore(%arg36 : memref<!tpu.dma_semaphore, #tpu.memory_space<semaphore_mem>>) src(%dma_wait3A_371 : memref<100352xf32, #tpu.memory_space<vmem_shared>>) dst(%arg19 : memref<128xf32, #tpu.memory_space<vmem>>)
      %broadcast_in_dim3A_372 = vector.broadcast %mul3A_277 : i32 to vector<16xi32>
      %add3A_373 = arith.constant 0 : i32
      %add3A_374 = vector.broadcast %add3A_373 : i32 to vector<16xi32>
      %add3A_375 = arith.addi %add3A_374, %iota3A : vector<16xi32>
      %get3A = arith.constant 0 : index
      %get3A_376 = tpu.vector_load %arg11[%get3A] {strides = array<i32>} : memref<128xf32, #tpu.memory_space<vmem>>, vector<16xf32>,
      %get3A_377 = arith.constant 0 : index
      %get3A_378 = tpu.vector_load %arg12[%get3A_377] {strides = array<i32>} : memref<128xf32, #tpu.memory_space<vmem>>, vector<16xf32>,
      %get3A_379 = arith.constant 0 : index
      %get3A_380 = tpu.vector_load %arg13[%get3A_379] {strides = array<i32>} : memref<128xf32, #tpu.memory_space<vmem>>, vector<16xf32>,
      %get3A_381 = arith.constant 0 : index
      %get3A_382 = tpu.vector_load %arg14[%get3A_381] {strides = array<i32>} : memref<128xf32, #tpu.memory_space<vmem>>, vector<16xf32>,
      %get3A_383 = arith.constant 0 : index
      %get3A_384 = tpu.vector_load %arg15[%get3A_383] {strides = array<i32>} : memref<128xf32, #tpu.memory_space<vmem>>, vector<16xf32>,
      %get3A_385 = arith.constant 0 : index
      %get3A_386 = tpu.vector_load %arg16[%get3A_385] {strides = array<i32>} : memref<128xf32, #tpu.memory_space<vmem>>, vector<16xf32>,
      %get3A_387 = arith.constant 0 : index
      %get3A_388 = tpu.vector_load %arg17[%get3A_387] {strides = array<i32>} : memref<128xf32, #tpu.memory_space<vmem>>, vector<16xf32>,
      %get3A_389 = arith.constant 0 : index
      %get3A_390 = tpu.vector_load %arg18[%get3A_389] {strides = array<i32>} : memref<128xf32, #tpu.memory_space<vmem>>, vector<16xf32>,
      %get3A_391 = arith.constant 0 : index
      %get3A_392 = tpu.vector_load %arg19[%get3A_391] {strides = array<i32>} : memref<128xf32, #tpu.memory_space<vmem>>, vector<16xf32>,
      %sub3A = arith.subf %get3A_388, %get3A_382 : vector<16xf32>
      %sub3A_393 = arith.subf %get3A_390, %get3A_384 : vector<16xf32>
      %sub3A_394 = arith.subf %get3A_392, %get3A_386 : vector<16xf32>
      %sub3A_395 = arith.subf %get3A_376, %get3A_382 : vector<16xf32>
      %sub3A_396 = arith.subf %get3A_378, %get3A_384 : vector<16xf32>
      %sub3A_397 = arith.subf %get3A_380, %get3A_386 : vector<16xf32>
      %mul3A_398 = arith.mulf %sub3A_393, %sub3A_397 : vector<16xf32>
      %mul3A_399 = arith.mulf %sub3A_394, %sub3A_396 : vector<16xf32>
      %sub3A_400 = arith.subf %mul3A_398, %mul3A_399 : vector<16xf32>
      tpu.vector_store_idx %arg8[%broadcast_in_dim3A_372, %add3A_375], %sub3A_400 : memref<52x128xf32, #tpu.memory_space<vmem>>[vector<16xi32>, vector<16xi32>], vector<16xf32>,
      %mul3A_401 = arith.mulf %sub3A_394, %sub3A_395 : vector<16xf32>
      %mul3A_402 = arith.mulf %sub3A, %sub3A_397 : vector<16xf32>
      %sub3A_403 = arith.subf %mul3A_401, %mul3A_402 : vector<16xf32>
      tpu.vector_store_idx %arg9[%broadcast_in_dim3A_372, %add3A_375], %sub3A_403 : memref<52x128xf32, #tpu.memory_space<vmem>>[vector<16xi32>, vector<16xi32>], vector<16xf32>,
      %mul3A_404 = arith.mulf %sub3A, %sub3A_396 : vector<16xf32>
      %mul3A_405 = arith.mulf %sub3A_393, %sub3A_395 : vector<16xf32>
      %sub3A_406 = arith.subf %mul3A_404, %mul3A_405 : vector<16xf32>
      tpu.vector_store_idx %arg10[%broadcast_in_dim3A_372, %add3A_375], %sub3A_406 : memref<52x128xf32, #tpu.memory_space<vmem>>[vector<16xi32>, vector<16xi32>], vector<16xf32>,
      %add3A_407 = arith.constant 16 : i32
      %add3A_408 = vector.broadcast %add3A_407 : i32 to vector<16xi32>
      %add3A_409 = arith.addi %add3A_408, %iota3A : vector<16xi32>
      %get3A_410 = arith.constant 16 : index
      %get3A_411 = tpu.vector_load %arg11[%get3A_410] {strides = array<i32>} : memref<128xf32, #tpu.memory_space<vmem>>, vector<16xf32>,
      %get3A_412 = arith.constant 16 : index
      %get3A_413 = tpu.vector_load %arg12[%get3A_412] {strides = array<i32>} : memref<128xf32, #tpu.memory_space<vmem>>, vector<16xf32>,
      %get3A_414 = arith.constant 16 : index
      %get3A_415 = tpu.vector_load %arg13[%get3A_414] {strides = array<i32>} : memref<128xf32, #tpu.memory_space<vmem>>, vector<16xf32>,
      %get3A_416 = arith.constant 16 : index
      %get3A_417 = tpu.vector_load %arg14[%get3A_416] {strides = array<i32>} : memref<128xf32, #tpu.memory_space<vmem>>, vector<16xf32>,
      %get3A_418 = arith.constant 16 : index
      %get3A_419 = tpu.vector_load %arg15[%get3A_418] {strides = array<i32>} : memref<128xf32, #tpu.memory_space<vmem>>, vector<16xf32>,
      %get3A_420 = arith.constant 16 : index
      %get3A_421 = tpu.vector_load %arg16[%get3A_420] {strides = array<i32>} : memref<128xf32, #tpu.memory_space<vmem>>, vector<16xf32>,
      %get3A_422 = arith.constant 16 : index
      %get3A_423 = tpu.vector_load %arg17[%get3A_422] {strides = array<i32>} : memref<128xf32, #tpu.memory_space<vmem>>, vector<16xf32>,
      %get3A_424 = arith.constant 16 : index
      %get3A_425 = tpu.vector_load %arg18[%get3A_424] {strides = array<i32>} : memref<128xf32, #tpu.memory_space<vmem>>, vector<16xf32>,
      %get3A_426 = arith.constant 16 : index
      %get3A_427 = tpu.vector_load %arg19[%get3A_426] {strides = array<i32>} : memref<128xf32, #tpu.memory_space<vmem>>, vector<16xf32>,
      %sub3A_428 = arith.subf %get3A_423, %get3A_417 : vector<16xf32>
      %sub3A_429 = arith.subf %get3A_425, %get3A_419 : vector<16xf32>
      %sub3A_430 = arith.subf %get3A_427, %get3A_421 : vector<16xf32>
      %sub3A_431 = arith.subf %get3A_411, %get3A_417 : vector<16xf32>
      %sub3A_432 = arith.subf %get3A_413, %get3A_419 : vector<16xf32>
      %sub3A_433 = arith.subf %get3A_415, %get3A_421 : vector<16xf32>
      %mul3A_434 = arith.mulf %sub3A_429, %sub3A_433 : vector<16xf32>
      %mul3A_435 = arith.mulf %sub3A_430, %sub3A_432 : vector<16xf32>
      %sub3A_436 = arith.subf %mul3A_434, %mul3A_435 : vector<16xf32>
      tpu.vector_store_idx %arg8[%broadcast_in_dim3A_372, %add3A_409], %sub3A_436 : memref<52x128xf32, #tpu.memory_space<vmem>>[vector<16xi32>, vector<16xi32>], vector<16xf32>,
      %mul3A_437 = arith.mulf %sub3A_430, %sub3A_431 : vector<16xf32>
      %mul3A_438 = arith.mulf %sub3A_428, %sub3A_433 : vector<16xf32>
      %sub3A_439 = arith.subf %mul3A_437, %mul3A_438 : vector<16xf32>
      tpu.vector_store_idx %arg9[%broadcast_in_dim3A_372, %add3A_409], %sub3A_439 : memref<52x128xf32, #tpu.memory_space<vmem>>[vector<16xi32>, vector<16xi32>], vector<16xf32>,
      %mul3A_440 = arith.mulf %sub3A_428, %sub3A_432 : vector<16xf32>
      %mul3A_441 = arith.mulf %sub3A_429, %sub3A_431 : vector<16xf32>
      %sub3A_442 = arith.subf %mul3A_440, %mul3A_441 : vector<16xf32>
      tpu.vector_store_idx %arg10[%broadcast_in_dim3A_372, %add3A_409], %sub3A_442 : memref<52x128xf32, #tpu.memory_space<vmem>>[vector<16xi32>, vector<16xi32>], vector<16xf32>,
      %add3A_443 = arith.constant 32 : i32
      %add3A_444 = vector.broadcast %add3A_443 : i32 to vector<16xi32>
      %add3A_445 = arith.addi %add3A_444, %iota3A : vector<16xi32>
      %get3A_446 = arith.constant 32 : index
      %get3A_447 = tpu.vector_load %arg11[%get3A_446] {strides = array<i32>} : memref<128xf32, #tpu.memory_space<vmem>>, vector<16xf32>,
      %get3A_448 = arith.constant 32 : index
      %get3A_449 = tpu.vector_load %arg12[%get3A_448] {strides = array<i32>} : memref<128xf32, #tpu.memory_space<vmem>>, vector<16xf32>,
      %get3A_450 = arith.constant 32 : index
      %get3A_451 = tpu.vector_load %arg13[%get3A_450] {strides = array<i32>} : memref<128xf32, #tpu.memory_space<vmem>>, vector<16xf32>,
      %get3A_452 = arith.constant 32 : index
      %get3A_453 = tpu.vector_load %arg14[%get3A_452] {strides = array<i32>} : memref<128xf32, #tpu.memory_space<vmem>>, vector<16xf32>,
      %get3A_454 = arith.constant 32 : index
      %get3A_455 = tpu.vector_load %arg15[%get3A_454] {strides = array<i32>} : memref<128xf32, #tpu.memory_space<vmem>>, vector<16xf32>,
      %get3A_456 = arith.constant 32 : index
      %get3A_457 = tpu.vector_load %arg16[%get3A_456] {strides = array<i32>} : memref<128xf32, #tpu.memory_space<vmem>>, vector<16xf32>,
      %get3A_458 = arith.constant 32 : index
      %get3A_459 = tpu.vector_load %arg17[%get3A_458] {strides = array<i32>} : memref<128xf32, #tpu.memory_space<vmem>>, vector<16xf32>,
      %get3A_460 = arith.constant 32 : index
      %get3A_461 = tpu.vector_load %arg18[%get3A_460] {strides = array<i32>} : memref<128xf32, #tpu.memory_space<vmem>>, vector<16xf32>,
      %get3A_462 = arith.constant 32 : index
      %get3A_463 = tpu.vector_load %arg19[%get3A_462] {strides = array<i32>} : memref<128xf32, #tpu.memory_space<vmem>>, vector<16xf32>,
      %sub3A_464 = arith.subf %get3A_459, %get3A_453 : vector<16xf32>
      %sub3A_465 = arith.subf %get3A_461, %get3A_455 : vector<16xf32>
      %sub3A_466 = arith.subf %get3A_463, %get3A_457 : vector<16xf32>
      %sub3A_467 = arith.subf %get3A_447, %get3A_453 : vector<16xf32>
      %sub3A_468 = arith.subf %get3A_449, %get3A_455 : vector<16xf32>
      %sub3A_469 = arith.subf %get3A_451, %get3A_457 : vector<16xf32>
      %mul3A_470 = arith.mulf %sub3A_465, %sub3A_469 : vector<16xf32>
      %mul3A_471 = arith.mulf %sub3A_466, %sub3A_468 : vector<16xf32>
      %sub3A_472 = arith.subf %mul3A_470, %mul3A_471 : vector<16xf32>
      tpu.vector_store_idx %arg8[%broadcast_in_dim3A_372, %add3A_445], %sub3A_472 : memref<52x128xf32, #tpu.memory_space<vmem>>[vector<16xi32>, vector<16xi32>], vector<16xf32>,
      %mul3A_473 = arith.mulf %sub3A_466, %sub3A_467 : vector<16xf32>
      %mul3A_474 = arith.mulf %sub3A_464, %sub3A_469 : vector<16xf32>
      %sub3A_475 = arith.subf %mul3A_473, %mul3A_474 : vector<16xf32>
      tpu.vector_store_idx %arg9[%broadcast_in_dim3A_372, %add3A_445], %sub3A_475 : memref<52x128xf32, #tpu.memory_space<vmem>>[vector<16xi32>, vector<16xi32>], vector<16xf32>,
      %mul3A_476 = arith.mulf %sub3A_464, %sub3A_468 : vector<16xf32>
      %mul3A_477 = arith.mulf %sub3A_465, %sub3A_467 : vector<16xf32>
      %sub3A_478 = arith.subf %mul3A_476, %mul3A_477 : vector<16xf32>
      tpu.vector_store_idx %arg10[%broadcast_in_dim3A_372, %add3A_445], %sub3A_478 : memref<52x128xf32, #tpu.memory_space<vmem>>[vector<16xi32>, vector<16xi32>], vector<16xf32>,
      %add3A_479 = arith.constant 48 : i32
      %add3A_480 = vector.broadcast %add3A_479 : i32 to vector<16xi32>
      %add3A_481 = arith.addi %add3A_480, %iota3A : vector<16xi32>
      %get3A_482 = arith.constant 48 : index
      %get3A_483 = tpu.vector_load %arg11[%get3A_482] {strides = array<i32>} : memref<128xf32, #tpu.memory_space<vmem>>, vector<16xf32>,
      %get3A_484 = arith.constant 48 : index
      %get3A_485 = tpu.vector_load %arg12[%get3A_484] {strides = array<i32>} : memref<128xf32, #tpu.memory_space<vmem>>, vector<16xf32>,
      %get3A_486 = arith.constant 48 : index
      %get3A_487 = tpu.vector_load %arg13[%get3A_486] {strides = array<i32>} : memref<128xf32, #tpu.memory_space<vmem>>, vector<16xf32>,
      %get3A_488 = arith.constant 48 : index
      %get3A_489 = tpu.vector_load %arg14[%get3A_488] {strides = array<i32>} : memref<128xf32, #tpu.memory_space<vmem>>, vector<16xf32>,
      %get3A_490 = arith.constant 48 : index
      %get3A_491 = tpu.vector_load %arg15[%get3A_490] {strides = array<i32>} : memref<128xf32, #tpu.memory_space<vmem>>, vector<16xf32>,
      %get3A_492 = arith.constant 48 : index
      %get3A_493 = tpu.vector_load %arg16[%get3A_492] {strides = array<i32>} : memref<128xf32, #tpu.memory_space<vmem>>, vector<16xf32>,
      %get3A_494 = arith.constant 48 : index
      %get3A_495 = tpu.vector_load %arg17[%get3A_494] {strides = array<i32>} : memref<128xf32, #tpu.memory_space<vmem>>, vector<16xf32>,
      %get3A_496 = arith.constant 48 : index
      %get3A_497 = tpu.vector_load %arg18[%get3A_496] {strides = array<i32>} : memref<128xf32, #tpu.memory_space<vmem>>, vector<16xf32>,
      %get3A_498 = arith.constant 48 : index
      %get3A_499 = tpu.vector_load %arg19[%get3A_498] {strides = array<i32>} : memref<128xf32, #tpu.memory_space<vmem>>, vector<16xf32>,
      %sub3A_500 = arith.subf %get3A_495, %get3A_489 : vector<16xf32>
      %sub3A_501 = arith.subf %get3A_497, %get3A_491 : vector<16xf32>
      %sub3A_502 = arith.subf %get3A_499, %get3A_493 : vector<16xf32>
      %sub3A_503 = arith.subf %get3A_483, %get3A_489 : vector<16xf32>
      %sub3A_504 = arith.subf %get3A_485, %get3A_491 : vector<16xf32>
      %sub3A_505 = arith.subf %get3A_487, %get3A_493 : vector<16xf32>
      %mul3A_506 = arith.mulf %sub3A_501, %sub3A_505 : vector<16xf32>
      %mul3A_507 = arith.mulf %sub3A_502, %sub3A_504 : vector<16xf32>
      %sub3A_508 = arith.subf %mul3A_506, %mul3A_507 : vector<16xf32>
      tpu.vector_store_idx %arg8[%broadcast_in_dim3A_372, %add3A_481], %sub3A_508 : memref<52x128xf32, #tpu.memory_space<vmem>>[vector<16xi32>, vector<16xi32>], vector<16xf32>,
      %mul3A_509 = arith.mulf %sub3A_502, %sub3A_503 : vector<16xf32>
      %mul3A_510 = arith.mulf %sub3A_500, %sub3A_505 : vector<16xf32>
      %sub3A_511 = arith.subf %mul3A_509, %mul3A_510 : vector<16xf32>
      tpu.vector_store_idx %arg9[%broadcast_in_dim3A_372, %add3A_481], %sub3A_511 : memref<52x128xf32, #tpu.memory_space<vmem>>[vector<16xi32>, vector<16xi32>], vector<16xf32>,
      %mul3A_512 = arith.mulf %sub3A_500, %sub3A_504 : vector<16xf32>
      %mul3A_513 = arith.mulf %sub3A_501, %sub3A_503 : vector<16xf32>
      %sub3A_514 = arith.subf %mul3A_512, %mul3A_513 : vector<16xf32>
      tpu.vector_store_idx %arg10[%broadcast_in_dim3A_372, %add3A_481], %sub3A_514 : memref<52x128xf32, #tpu.memory_space<vmem>>[vector<16xi32>, vector<16xi32>], vector<16xf32>,
      %add3A_515 = arith.constant 64 : i32
      %add3A_516 = vector.broadcast %add3A_515 : i32 to vector<16xi32>
      %add3A_517 = arith.addi %add3A_516, %iota3A : vector<16xi32>
      %get3A_518 = arith.constant 64 : index
      %get3A_519 = tpu.vector_load %arg11[%get3A_518] {strides = array<i32>} : memref<128xf32, #tpu.memory_space<vmem>>, vector<16xf32>,
      %get3A_520 = arith.constant 64 : index
      %get3A_521 = tpu.vector_load %arg12[%get3A_520] {strides = array<i32>} : memref<128xf32, #tpu.memory_space<vmem>>, vector<16xf32>,
      %get3A_522 = arith.constant 64 : index
      %get3A_523 = tpu.vector_load %arg13[%get3A_522] {strides = array<i32>} : memref<128xf32, #tpu.memory_space<vmem>>, vector<16xf32>,
      %get3A_524 = arith.constant 64 : index
      %get3A_525 = tpu.vector_load %arg14[%get3A_524] {strides = array<i32>} : memref<128xf32, #tpu.memory_space<vmem>>, vector<16xf32>,
      %get3A_526 = arith.constant 64 : index
      %get3A_527 = tpu.vector_load %arg15[%get3A_526] {strides = array<i32>} : memref<128xf32, #tpu.memory_space<vmem>>, vector<16xf32>,
      %get3A_528 = arith.constant 64 : index
      %get3A_529 = tpu.vector_load %arg16[%get3A_528] {strides = array<i32>} : memref<128xf32, #tpu.memory_space<vmem>>, vector<16xf32>,
      %get3A_530 = arith.constant 64 : index
      %get3A_531 = tpu.vector_load %arg17[%get3A_530] {strides = array<i32>} : memref<128xf32, #tpu.memory_space<vmem>>, vector<16xf32>,
      %get3A_532 = arith.constant 64 : index
      %get3A_533 = tpu.vector_load %arg18[%get3A_532] {strides = array<i32>} : memref<128xf32, #tpu.memory_space<vmem>>, vector<16xf32>,
      %get3A_534 = arith.constant 64 : index
      %get3A_535 = tpu.vector_load %arg19[%get3A_534] {strides = array<i32>} : memref<128xf32, #tpu.memory_space<vmem>>, vector<16xf32>,
      %sub3A_536 = arith.subf %get3A_531, %get3A_525 : vector<16xf32>
      %sub3A_537 = arith.subf %get3A_533, %get3A_527 : vector<16xf32>
      %sub3A_538 = arith.subf %get3A_535, %get3A_529 : vector<16xf32>
      %sub3A_539 = arith.subf %get3A_519, %get3A_525 : vector<16xf32>
      %sub3A_540 = arith.subf %get3A_521, %get3A_527 : vector<16xf32>
      %sub3A_541 = arith.subf %get3A_523, %get3A_529 : vector<16xf32>
      %mul3A_542 = arith.mulf %sub3A_537, %sub3A_541 : vector<16xf32>
      %mul3A_543 = arith.mulf %sub3A_538, %sub3A_540 : vector<16xf32>
      %sub3A_544 = arith.subf %mul3A_542, %mul3A_543 : vector<16xf32>
      tpu.vector_store_idx %arg8[%broadcast_in_dim3A_372, %add3A_517], %sub3A_544 : memref<52x128xf32, #tpu.memory_space<vmem>>[vector<16xi32>, vector<16xi32>], vector<16xf32>,
      %mul3A_545 = arith.mulf %sub3A_538, %sub3A_539 : vector<16xf32>
      %mul3A_546 = arith.mulf %sub3A_536, %sub3A_541 : vector<16xf32>
      %sub3A_547 = arith.subf %mul3A_545, %mul3A_546 : vector<16xf32>
      tpu.vector_store_idx %arg9[%broadcast_in_dim3A_372, %add3A_517], %sub3A_547 : memref<52x128xf32, #tpu.memory_space<vmem>>[vector<16xi32>, vector<16xi32>], vector<16xf32>,
      %mul3A_548 = arith.mulf %sub3A_536, %sub3A_540 : vector<16xf32>
      %mul3A_549 = arith.mulf %sub3A_537, %sub3A_539 : vector<16xf32>
      %sub3A_550 = arith.subf %mul3A_548, %mul3A_549 : vector<16xf32>
      tpu.vector_store_idx %arg10[%broadcast_in_dim3A_372, %add3A_517], %sub3A_550 : memref<52x128xf32, #tpu.memory_space<vmem>>[vector<16xi32>, vector<16xi32>], vector<16xf32>,
      %add3A_551 = arith.constant 80 : i32
      %add3A_552 = vector.broadcast %add3A_551 : i32 to vector<16xi32>
      %add3A_553 = arith.addi %add3A_552, %iota3A : vector<16xi32>
      %get3A_554 = arith.constant 80 : index
      %get3A_555 = tpu.vector_load %arg11[%get3A_554] {strides = array<i32>} : memref<128xf32, #tpu.memory_space<vmem>>, vector<16xf32>,
      %get3A_556 = arith.constant 80 : index
      %get3A_557 = tpu.vector_load %arg12[%get3A_556] {strides = array<i32>} : memref<128xf32, #tpu.memory_space<vmem>>, vector<16xf32>,
      %get3A_558 = arith.constant 80 : index
      %get3A_559 = tpu.vector_load %arg13[%get3A_558] {strides = array<i32>} : memref<128xf32, #tpu.memory_space<vmem>>, vector<16xf32>,
      %get3A_560 = arith.constant 80 : index
      %get3A_561 = tpu.vector_load %arg14[%get3A_560] {strides = array<i32>} : memref<128xf32, #tpu.memory_space<vmem>>, vector<16xf32>,
      %get3A_562 = arith.constant 80 : index
      %get3A_563 = tpu.vector_load %arg15[%get3A_562] {strides = array<i32>} : memref<128xf32, #tpu.memory_space<vmem>>, vector<16xf32>,
      %get3A_564 = arith.constant 80 : index
      %get3A_565 = tpu.vector_load %arg16[%get3A_564] {strides = array<i32>} : memref<128xf32, #tpu.memory_space<vmem>>, vector<16xf32>,
      %get3A_566 = arith.constant 80 : index
      %get3A_567 = tpu.vector_load %arg17[%get3A_566] {strides = array<i32>} : memref<128xf32, #tpu.memory_space<vmem>>, vector<16xf32>,
      %get3A_568 = arith.constant 80 : index
      %get3A_569 = tpu.vector_load %arg18[%get3A_568] {strides = array<i32>} : memref<128xf32, #tpu.memory_space<vmem>>, vector<16xf32>,
      %get3A_570 = arith.constant 80 : index
      %get3A_571 = tpu.vector_load %arg19[%get3A_570] {strides = array<i32>} : memref<128xf32, #tpu.memory_space<vmem>>, vector<16xf32>,
      %sub3A_572 = arith.subf %get3A_567, %get3A_561 : vector<16xf32>
      %sub3A_573 = arith.subf %get3A_569, %get3A_563 : vector<16xf32>
      %sub3A_574 = arith.subf %get3A_571, %get3A_565 : vector<16xf32>
      %sub3A_575 = arith.subf %get3A_555, %get3A_561 : vector<16xf32>
      %sub3A_576 = arith.subf %get3A_557, %get3A_563 : vector<16xf32>
      %sub3A_577 = arith.subf %get3A_559, %get3A_565 : vector<16xf32>
      %mul3A_578 = arith.mulf %sub3A_573, %sub3A_577 : vector<16xf32>
      %mul3A_579 = arith.mulf %sub3A_574, %sub3A_576 : vector<16xf32>
      %sub3A_580 = arith.subf %mul3A_578, %mul3A_579 : vector<16xf32>
      tpu.vector_store_idx %arg8[%broadcast_in_dim3A_372, %add3A_553], %sub3A_580 : memref<52x128xf32, #tpu.memory_space<vmem>>[vector<16xi32>, vector<16xi32>], vector<16xf32>,
      %mul3A_581 = arith.mulf %sub3A_574, %sub3A_575 : vector<16xf32>
      %mul3A_582 = arith.mulf %sub3A_572, %sub3A_577 : vector<16xf32>
      %sub3A_583 = arith.subf %mul3A_581, %mul3A_582 : vector<16xf32>
      tpu.vector_store_idx %arg9[%broadcast_in_dim3A_372, %add3A_553], %sub3A_583 : memref<52x128xf32, #tpu.memory_space<vmem>>[vector<16xi32>, vector<16xi32>], vector<16xf32>,
      %mul3A_584 = arith.mulf %sub3A_572, %sub3A_576 : vector<16xf32>
      %mul3A_585 = arith.mulf %sub3A_573, %sub3A_575 : vector<16xf32>
      %sub3A_586 = arith.subf %mul3A_584, %mul3A_585 : vector<16xf32>
      tpu.vector_store_idx %arg10[%broadcast_in_dim3A_372, %add3A_553], %sub3A_586 : memref<52x128xf32, #tpu.memory_space<vmem>>[vector<16xi32>, vector<16xi32>], vector<16xf32>,
      %add3A_587 = arith.constant 96 : i32
      %add3A_588 = vector.broadcast %add3A_587 : i32 to vector<16xi32>
      %add3A_589 = arith.addi %add3A_588, %iota3A : vector<16xi32>
      %get3A_590 = arith.constant 96 : index
      %get3A_591 = tpu.vector_load %arg11[%get3A_590] {strides = array<i32>} : memref<128xf32, #tpu.memory_space<vmem>>, vector<16xf32>,
      %get3A_592 = arith.constant 96 : index
      %get3A_593 = tpu.vector_load %arg12[%get3A_592] {strides = array<i32>} : memref<128xf32, #tpu.memory_space<vmem>>, vector<16xf32>,
      %get3A_594 = arith.constant 96 : index
      %get3A_595 = tpu.vector_load %arg13[%get3A_594] {strides = array<i32>} : memref<128xf32, #tpu.memory_space<vmem>>, vector<16xf32>,
      %get3A_596 = arith.constant 96 : index
      %get3A_597 = tpu.vector_load %arg14[%get3A_596] {strides = array<i32>} : memref<128xf32, #tpu.memory_space<vmem>>, vector<16xf32>,
      %get3A_598 = arith.constant 96 : index
      %get3A_599 = tpu.vector_load %arg15[%get3A_598] {strides = array<i32>} : memref<128xf32, #tpu.memory_space<vmem>>, vector<16xf32>,
      %get3A_600 = arith.constant 96 : index
      %get3A_601 = tpu.vector_load %arg16[%get3A_600] {strides = array<i32>} : memref<128xf32, #tpu.memory_space<vmem>>, vector<16xf32>,
      %get3A_602 = arith.constant 96 : index
      %get3A_603 = tpu.vector_load %arg17[%get3A_602] {strides = array<i32>} : memref<128xf32, #tpu.memory_space<vmem>>, vector<16xf32>,
      %get3A_604 = arith.constant 96 : index
      %get3A_605 = tpu.vector_load %arg18[%get3A_604] {strides = array<i32>} : memref<128xf32, #tpu.memory_space<vmem>>, vector<16xf32>,
      %get3A_606 = arith.constant 96 : index
      %get3A_607 = tpu.vector_load %arg19[%get3A_606] {strides = array<i32>} : memref<128xf32, #tpu.memory_space<vmem>>, vector<16xf32>,
      %sub3A_608 = arith.subf %get3A_603, %get3A_597 : vector<16xf32>
      %sub3A_609 = arith.subf %get3A_605, %get3A_599 : vector<16xf32>
      %sub3A_610 = arith.subf %get3A_607, %get3A_601 : vector<16xf32>
      %sub3A_611 = arith.subf %get3A_591, %get3A_597 : vector<16xf32>
      %sub3A_612 = arith.subf %get3A_593, %get3A_599 : vector<16xf32>
      %sub3A_613 = arith.subf %get3A_595, %get3A_601 : vector<16xf32>
      %mul3A_614 = arith.mulf %sub3A_609, %sub3A_613 : vector<16xf32>
      %mul3A_615 = arith.mulf %sub3A_610, %sub3A_612 : vector<16xf32>
      %sub3A_616 = arith.subf %mul3A_614, %mul3A_615 : vector<16xf32>
      tpu.vector_store_idx %arg8[%broadcast_in_dim3A_372, %add3A_589], %sub3A_616 : memref<52x128xf32, #tpu.memory_space<vmem>>[vector<16xi32>, vector<16xi32>], vector<16xf32>,
      %mul3A_617 = arith.mulf %sub3A_610, %sub3A_611 : vector<16xf32>
      %mul3A_618 = arith.mulf %sub3A_608, %sub3A_613 : vector<16xf32>
      %sub3A_619 = arith.subf %mul3A_617, %mul3A_618 : vector<16xf32>
      tpu.vector_store_idx %arg9[%broadcast_in_dim3A_372, %add3A_589], %sub3A_619 : memref<52x128xf32, #tpu.memory_space<vmem>>[vector<16xi32>, vector<16xi32>], vector<16xf32>,
      %mul3A_620 = arith.mulf %sub3A_608, %sub3A_612 : vector<16xf32>
      %mul3A_621 = arith.mulf %sub3A_609, %sub3A_611 : vector<16xf32>
      %sub3A_622 = arith.subf %mul3A_620, %mul3A_621 : vector<16xf32>
      tpu.vector_store_idx %arg10[%broadcast_in_dim3A_372, %add3A_589], %sub3A_622 : memref<52x128xf32, #tpu.memory_space<vmem>>[vector<16xi32>, vector<16xi32>], vector<16xf32>,
      %add3A_623 = arith.constant 112 : i32
      %add3A_624 = vector.broadcast %add3A_623 : i32 to vector<16xi32>
      %add3A_625 = arith.addi %add3A_624, %iota3A : vector<16xi32>
      %get3A_626 = arith.constant 112 : index
      %get3A_627 = tpu.vector_load %arg11[%get3A_626] {strides = array<i32>} : memref<128xf32, #tpu.memory_space<vmem>>, vector<16xf32>,
      %get3A_628 = arith.constant 112 : index
      %get3A_629 = tpu.vector_load %arg12[%get3A_628] {strides = array<i32>} : memref<128xf32, #tpu.memory_space<vmem>>, vector<16xf32>,
      %get3A_630 = arith.constant 112 : index
      %get3A_631 = tpu.vector_load %arg13[%get3A_630] {strides = array<i32>} : memref<128xf32, #tpu.memory_space<vmem>>, vector<16xf32>,
      %get3A_632 = arith.constant 112 : index
      %get3A_633 = tpu.vector_load %arg14[%get3A_632] {strides = array<i32>} : memref<128xf32, #tpu.memory_space<vmem>>, vector<16xf32>,
      %get3A_634 = arith.constant 112 : index
      %get3A_635 = tpu.vector_load %arg15[%get3A_634] {strides = array<i32>} : memref<128xf32, #tpu.memory_space<vmem>>, vector<16xf32>,
      %get3A_636 = arith.constant 112 : index
      %get3A_637 = tpu.vector_load %arg16[%get3A_636] {strides = array<i32>} : memref<128xf32, #tpu.memory_space<vmem>>, vector<16xf32>,
      %get3A_638 = arith.constant 112 : index
      %get3A_639 = tpu.vector_load %arg17[%get3A_638] {strides = array<i32>} : memref<128xf32, #tpu.memory_space<vmem>>, vector<16xf32>,
      %get3A_640 = arith.constant 112 : index
      %get3A_641 = tpu.vector_load %arg18[%get3A_640] {strides = array<i32>} : memref<128xf32, #tpu.memory_space<vmem>>, vector<16xf32>,
      %get3A_642 = arith.constant 112 : index
      %get3A_643 = tpu.vector_load %arg19[%get3A_642] {strides = array<i32>} : memref<128xf32, #tpu.memory_space<vmem>>, vector<16xf32>,
      %sub3A_644 = arith.subf %get3A_639, %get3A_633 : vector<16xf32>
      %sub3A_645 = arith.subf %get3A_641, %get3A_635 : vector<16xf32>
      %sub3A_646 = arith.subf %get3A_643, %get3A_637 : vector<16xf32>
      %sub3A_647 = arith.subf %get3A_627, %get3A_633 : vector<16xf32>
      %sub3A_648 = arith.subf %get3A_629, %get3A_635 : vector<16xf32>
      %sub3A_649 = arith.subf %get3A_631, %get3A_637 : vector<16xf32>
      %mul3A_650 = arith.mulf %sub3A_645, %sub3A_649 : vector<16xf32>
      %mul3A_651 = arith.mulf %sub3A_646, %sub3A_648 : vector<16xf32>
      %sub3A_652 = arith.subf %mul3A_650, %mul3A_651 : vector<16xf32>
      tpu.vector_store_idx %arg8[%broadcast_in_dim3A_372, %add3A_625], %sub3A_652 : memref<52x128xf32, #tpu.memory_space<vmem>>[vector<16xi32>, vector<16xi32>], vector<16xf32>,
      %mul3A_653 = arith.mulf %sub3A_646, %sub3A_647 : vector<16xf32>
      %mul3A_654 = arith.mulf %sub3A_644, %sub3A_649 : vector<16xf32>
      %sub3A_655 = arith.subf %mul3A_653, %mul3A_654 : vector<16xf32>
      tpu.vector_store_idx %arg9[%broadcast_in_dim3A_372, %add3A_625], %sub3A_655 : memref<52x128xf32, #tpu.memory_space<vmem>>[vector<16xi32>, vector<16xi32>], vector<16xf32>,
      %mul3A_656 = arith.mulf %sub3A_644, %sub3A_648 : vector<16xf32>
      %mul3A_657 = arith.mulf %sub3A_645, %sub3A_647 : vector<16xf32>
      %sub3A_658 = arith.subf %mul3A_656, %mul3A_657 : vector<16xf32>
      tpu.vector_store_idx %arg10[%broadcast_in_dim3A_372, %add3A_625], %sub3A_658 : memref<52x128xf32, #tpu.memory_space<vmem>>[vector<16xi32>, vector<16xi32>], vector<16xf32>,
      %add3A_659 = arith.constant 1 : i32
      %add3A_660 = arith.addi %scan3A_275, %add3A_659 : i32
      %lt3A = arith.constant 26 : i32
      %lt3A_661 = arith.cmpi slt, %add3A_660, %lt3A : i32
      %convert_element_type3A = arith.extui %lt3A_661 : i1 to i32
      %cond3A = arith.constant 0 : i32
      %cond3A_662 = arith.cmpi ne, %convert_element_type3A, %cond3A : i32
      scf.if %cond3A_662 {
        %add3A_1145 = arith.constant 2 : i32
        %add3A_1146 = arith.addi %mul3A_277, %add3A_1145 : i32
        %add3A_1147 = arith.constant 2 : i32
        %add3A_1148 = arith.addi %mul3A_277, %add3A_1147 : i32
        %add3A_1149 = arith.constant 2 : i32
        %add3A_1150 = arith.addi %mul3A_277, %add3A_1149 : i32
        %dma_start3A_1151 = arith.constant 0 : i32
        %dma_start3A_1152 = tpu.memref_slice %arg5[%add3A_1146, %dma_start3A_1151] : memref<52x128xi32, #tpu.memory_space<vmem>> -> memref<1x128xi32, #tpu.memory_space<vmem>>
        %dma_start3A_1153 = tpu.memref_squeeze %dma_start3A_1152 : memref<1x128xi32, #tpu.memory_space<vmem>> -> memref<128xi32, #tpu.memory_space<vmem>>
        %dma_start3A_1154 = arith.constant 0 : i32
        %dma_start3A_1155 = tpu.memref_slice %arg30[%dma_start3A_1154] : memref<100352xf32, #tpu.memory_space<vmem_shared>> -> memref<100352xf32, #tpu.memory_space<vmem_shared>>
        tpu.enqueue_indirect_dma source(%dma_start3A_1155 : memref<100352xf32, #tpu.memory_space<vmem_shared>>) target(%arg11 : memref<128xf32, #tpu.memory_space<vmem>>) offsets(%dma_start3A_1153 : memref<128xi32, #tpu.memory_space<vmem>>) semaphore(%arg36 : memref<!tpu.dma_semaphore, #tpu.memory_space<semaphore_mem>>)
        %dma_start3A_1156 = arith.constant 0 : i32
        %dma_start3A_1157 = tpu.memref_slice %arg5[%add3A_1146, %dma_start3A_1156] : memref<52x128xi32, #tpu.memory_space<vmem>> -> memref<1x128xi32, #tpu.memory_space<vmem>>
        %dma_start3A_1158 = tpu.memref_squeeze %dma_start3A_1157 : memref<1x128xi32, #tpu.memory_space<vmem>> -> memref<128xi32, #tpu.memory_space<vmem>>
        %dma_start3A_1159 = arith.constant 0 : i32
        %dma_start3A_1160 = tpu.memref_slice %arg31[%dma_start3A_1159] : memref<100352xf32, #tpu.memory_space<vmem_shared>> -> memref<100352xf32, #tpu.memory_space<vmem_shared>>
        tpu.enqueue_indirect_dma source(%dma_start3A_1160 : memref<100352xf32, #tpu.memory_space<vmem_shared>>) target(%arg12 : memref<128xf32, #tpu.memory_space<vmem>>) offsets(%dma_start3A_1158 : memref<128xi32, #tpu.memory_space<vmem>>) semaphore(%arg36 : memref<!tpu.dma_semaphore, #tpu.memory_space<semaphore_mem>>)
        %dma_start3A_1161 = arith.constant 0 : i32
        %dma_start3A_1162 = tpu.memref_slice %arg5[%add3A_1146, %dma_start3A_1161] : memref<52x128xi32, #tpu.memory_space<vmem>> -> memref<1x128xi32, #tpu.memory_space<vmem>>
        %dma_start3A_1163 = tpu.memref_squeeze %dma_start3A_1162 : memref<1x128xi32, #tpu.memory_space<vmem>> -> memref<128xi32, #tpu.memory_space<vmem>>
        %dma_start3A_1164 = arith.constant 0 : i32
        %dma_start3A_1165 = tpu.memref_slice %arg32[%dma_start3A_1164] : memref<100352xf32, #tpu.memory_space<vmem_shared>> -> memref<100352xf32, #tpu.memory_space<vmem_shared>>
        tpu.enqueue_indirect_dma source(%dma_start3A_1165 : memref<100352xf32, #tpu.memory_space<vmem_shared>>) target(%arg13 : memref<128xf32, #tpu.memory_space<vmem>>) offsets(%dma_start3A_1163 : memref<128xi32, #tpu.memory_space<vmem>>) semaphore(%arg36 : memref<!tpu.dma_semaphore, #tpu.memory_space<semaphore_mem>>)
        %dma_start3A_1166 = arith.constant 0 : i32
        %dma_start3A_1167 = tpu.memref_slice %arg6[%add3A_1148, %dma_start3A_1166] : memref<52x128xi32, #tpu.memory_space<vmem>> -> memref<1x128xi32, #tpu.memory_space<vmem>>
        %dma_start3A_1168 = tpu.memref_squeeze %dma_start3A_1167 : memref<1x128xi32, #tpu.memory_space<vmem>> -> memref<128xi32, #tpu.memory_space<vmem>>
        %dma_start3A_1169 = arith.constant 0 : i32
        %dma_start3A_1170 = tpu.memref_slice %arg30[%dma_start3A_1169] : memref<100352xf32, #tpu.memory_space<vmem_shared>> -> memref<100352xf32, #tpu.memory_space<vmem_shared>>
        tpu.enqueue_indirect_dma source(%dma_start3A_1170 : memref<100352xf32, #tpu.memory_space<vmem_shared>>) target(%arg14 : memref<128xf32, #tpu.memory_space<vmem>>) offsets(%dma_start3A_1168 : memref<128xi32, #tpu.memory_space<vmem>>) semaphore(%arg36 : memref<!tpu.dma_semaphore, #tpu.memory_space<semaphore_mem>>)
        %dma_start3A_1171 = arith.constant 0 : i32
        %dma_start3A_1172 = tpu.memref_slice %arg6[%add3A_1148, %dma_start3A_1171] : memref<52x128xi32, #tpu.memory_space<vmem>> -> memref<1x128xi32, #tpu.memory_space<vmem>>
        %dma_start3A_1173 = tpu.memref_squeeze %dma_start3A_1172 : memref<1x128xi32, #tpu.memory_space<vmem>> -> memref<128xi32, #tpu.memory_space<vmem>>
        %dma_start3A_1174 = arith.constant 0 : i32
        %dma_start3A_1175 = tpu.memref_slice %arg31[%dma_start3A_1174] : memref<100352xf32, #tpu.memory_space<vmem_shared>> -> memref<100352xf32, #tpu.memory_space<vmem_shared>>
        tpu.enqueue_indirect_dma source(%dma_start3A_1175 : memref<100352xf32, #tpu.memory_space<vmem_shared>>) target(%arg15 : memref<128xf32, #tpu.memory_space<vmem>>) offsets(%dma_start3A_1173 : memref<128xi32, #tpu.memory_space<vmem>>) semaphore(%arg36 : memref<!tpu.dma_semaphore, #tpu.memory_space<semaphore_mem>>)
        %dma_start3A_1176 = arith.constant 0 : i32
        %dma_start3A_1177 = tpu.memref_slice %arg6[%add3A_1148, %dma_start3A_1176] : memref<52x128xi32, #tpu.memory_space<vmem>> -> memref<1x128xi32, #tpu.memory_space<vmem>>
        %dma_start3A_1178 = tpu.memref_squeeze %dma_start3A_1177 : memref<1x128xi32, #tpu.memory_space<vmem>> -> memref<128xi32, #tpu.memory_space<vmem>>
        %dma_start3A_1179 = arith.constant 0 : i32
        %dma_start3A_1180 = tpu.memref_slice %arg32[%dma_start3A_1179] : memref<100352xf32, #tpu.memory_space<vmem_shared>> -> memref<100352xf32, #tpu.memory_space<vmem_shared>>
        tpu.enqueue_indirect_dma source(%dma_start3A_1180 : memref<100352xf32, #tpu.memory_space<vmem_shared>>) target(%arg16 : memref<128xf32, #tpu.memory_space<vmem>>) offsets(%dma_start3A_1178 : memref<128xi32, #tpu.memory_space<vmem>>) semaphore(%arg36 : memref<!tpu.dma_semaphore, #tpu.memory_space<semaphore_mem>>)
        %dma_start3A_1181 = arith.constant 0 : i32
        %dma_start3A_1182 = tpu.memref_slice %arg7[%add3A_1150, %dma_start3A_1181] : memref<52x128xi32, #tpu.memory_space<vmem>> -> memref<1x128xi32, #tpu.memory_space<vmem>>
        %dma_start3A_1183 = tpu.memref_squeeze %dma_start3A_1182 : memref<1x128xi32, #tpu.memory_space<vmem>> -> memref<128xi32, #tpu.memory_space<vmem>>
        %dma_start3A_1184 = arith.constant 0 : i32
        %dma_start3A_1185 = tpu.memref_slice %arg30[%dma_start3A_1184] : memref<100352xf32, #tpu.memory_space<vmem_shared>> -> memref<100352xf32, #tpu.memory_space<vmem_shared>>
        tpu.enqueue_indirect_dma source(%dma_start3A_1185 : memref<100352xf32, #tpu.memory_space<vmem_shared>>) target(%arg17 : memref<128xf32, #tpu.memory_space<vmem>>) offsets(%dma_start3A_1183 : memref<128xi32, #tpu.memory_space<vmem>>) semaphore(%arg36 : memref<!tpu.dma_semaphore, #tpu.memory_space<semaphore_mem>>)
        %dma_start3A_1186 = arith.constant 0 : i32
        %dma_start3A_1187 = tpu.memref_slice %arg7[%add3A_1150, %dma_start3A_1186] : memref<52x128xi32, #tpu.memory_space<vmem>> -> memref<1x128xi32, #tpu.memory_space<vmem>>
        %dma_start3A_1188 = tpu.memref_squeeze %dma_start3A_1187 : memref<1x128xi32, #tpu.memory_space<vmem>> -> memref<128xi32, #tpu.memory_space<vmem>>
        %dma_start3A_1189 = arith.constant 0 : i32
        %dma_start3A_1190 = tpu.memref_slice %arg31[%dma_start3A_1189] : memref<100352xf32, #tpu.memory_space<vmem_shared>> -> memref<100352xf32, #tpu.memory_space<vmem_shared>>
        tpu.enqueue_indirect_dma source(%dma_start3A_1190 : memref<100352xf32, #tpu.memory_space<vmem_shared>>) target(%arg18 : memref<128xf32, #tpu.memory_space<vmem>>) offsets(%dma_start3A_1188 : memref<128xi32, #tpu.memory_space<vmem>>) semaphore(%arg36 : memref<!tpu.dma_semaphore, #tpu.memory_space<semaphore_mem>>)
        %dma_start3A_1191 = arith.constant 0 : i32
        %dma_start3A_1192 = tpu.memref_slice %arg7[%add3A_1150, %dma_start3A_1191] : memref<52x128xi32, #tpu.memory_space<vmem>> -> memref<1x128xi32, #tpu.memory_space<vmem>>
        %dma_start3A_1193 = tpu.memref_squeeze %dma_start3A_1192 : memref<1x128xi32, #tpu.memory_space<vmem>> -> memref<128xi32, #tpu.memory_space<vmem>>
        %dma_start3A_1194 = arith.constant 0 : i32
        %dma_start3A_1195 = tpu.memref_slice %arg32[%dma_start3A_1194] : memref<100352xf32, #tpu.memory_space<vmem_shared>> -> memref<100352xf32, #tpu.memory_space<vmem_shared>>
        tpu.enqueue_indirect_dma source(%dma_start3A_1195 : memref<100352xf32, #tpu.memory_space<vmem_shared>>) target(%arg19 : memref<128xf32, #tpu.memory_space<vmem>>) offsets(%dma_start3A_1193 : memref<128xi32, #tpu.memory_space<vmem>>) semaphore(%arg36 : memref<!tpu.dma_semaphore, #tpu.memory_space<semaphore_mem>>)
      } else {
      }
      %dma_start3A_663 = arith.constant 0 : i32
      %dma_start3A_664 = tpu.memref_slice %arg8[%mul3A_277, %dma_start3A_663] : memref<52x128xf32, #tpu.memory_space<vmem>> -> memref<1x128xf32, #tpu.memory_space<vmem>>
      %dma_start3A_665 = tpu.memref_squeeze %dma_start3A_664 : memref<1x128xf32, #tpu.memory_space<vmem>> -> memref<128xf32, #tpu.memory_space<vmem>>
      %dma_start3A_666 = arith.constant 0 : i32
      %dma_start3A_667 = tpu.memref_slice %arg5[%mul3A_277, %dma_start3A_666] : memref<52x128xi32, #tpu.memory_space<vmem>> -> memref<1x128xi32, #tpu.memory_space<vmem>>
      %dma_start3A_668 = tpu.memref_squeeze %dma_start3A_667 : memref<1x128xi32, #tpu.memory_space<vmem>> -> memref<128xi32, #tpu.memory_space<vmem>>
      %dma_start3A_669 = arith.constant 0 : i32
      %dma_start3A_670 = tpu.memref_slice %arg33[%dma_start3A_669] : memref<100352xf32, #tpu.memory_space<vmem_shared>> -> memref<100352xf32, #tpu.memory_space<vmem_shared>>
      tpu.enqueue_indirect_dma source(%dma_start3A_665 : memref<128xf32, #tpu.memory_space<vmem>>) target(%dma_start3A_670 : memref<100352xf32, #tpu.memory_space<vmem_shared>>) offsets(%dma_start3A_668 : memref<128xi32, #tpu.memory_space<vmem>>) semaphore(%arg38 : memref<!tpu.dma_semaphore, #tpu.memory_space<semaphore_mem>>) {add = true}
      %dma_start3A_671 = arith.constant 0 : i32
      %dma_start3A_672 = tpu.memref_slice %arg9[%mul3A_277, %dma_start3A_671] : memref<52x128xf32, #tpu.memory_space<vmem>> -> memref<1x128xf32, #tpu.memory_space<vmem>>
      %dma_start3A_673 = tpu.memref_squeeze %dma_start3A_672 : memref<1x128xf32, #tpu.memory_space<vmem>> -> memref<128xf32, #tpu.memory_space<vmem>>
      %dma_start3A_674 = arith.constant 0 : i32
      %dma_start3A_675 = tpu.memref_slice %arg5[%mul3A_277, %dma_start3A_674] : memref<52x128xi32, #tpu.memory_space<vmem>> -> memref<1x128xi32, #tpu.memory_space<vmem>>
      %dma_start3A_676 = tpu.memref_squeeze %dma_start3A_675 : memref<1x128xi32, #tpu.memory_space<vmem>> -> memref<128xi32, #tpu.memory_space<vmem>>
      %dma_start3A_677 = arith.constant 0 : i32
      %dma_start3A_678 = tpu.memref_slice %arg34[%dma_start3A_677] : memref<100352xf32, #tpu.memory_space<vmem_shared>> -> memref<100352xf32, #tpu.memory_space<vmem_shared>>
      tpu.enqueue_indirect_dma source(%dma_start3A_673 : memref<128xf32, #tpu.memory_space<vmem>>) target(%dma_start3A_678 : memref<100352xf32, #tpu.memory_space<vmem_shared>>) offsets(%dma_start3A_676 : memref<128xi32, #tpu.memory_space<vmem>>) semaphore(%arg38 : memref<!tpu.dma_semaphore, #tpu.memory_space<semaphore_mem>>) {add = true}
      %dma_start3A_679 = arith.constant 0 : i32
      %dma_start3A_680 = tpu.memref_slice %arg10[%mul3A_277, %dma_start3A_679] : memref<52x128xf32, #tpu.memory_space<vmem>> -> memref<1x128xf32, #tpu.memory_space<vmem>>
      %dma_start3A_681 = tpu.memref_squeeze %dma_start3A_680 : memref<1x128xf32, #tpu.memory_space<vmem>> -> memref<128xf32, #tpu.memory_space<vmem>>
      %dma_start3A_682 = arith.constant 0 : i32
      %dma_start3A_683 = tpu.memref_slice %arg5[%mul3A_277, %dma_start3A_682] : memref<52x128xi32, #tpu.memory_space<vmem>> -> memref<1x128xi32, #tpu.memory_space<vmem>>
      %dma_start3A_684 = tpu.memref_squeeze %dma_start3A_683 : memref<1x128xi32, #tpu.memory_space<vmem>> -> memref<128xi32, #tpu.memory_space<vmem>>
      %dma_start3A_685 = arith.constant 0 : i32
      %dma_start3A_686 = tpu.memref_slice %arg35[%dma_start3A_685] : memref<100352xf32, #tpu.memory_space<vmem_shared>> -> memref<100352xf32, #tpu.memory_space<vmem_shared>>
      tpu.enqueue_indirect_dma source(%dma_start3A_681 : memref<128xf32, #tpu.memory_space<vmem>>) target(%dma_start3A_686 : memref<100352xf32, #tpu.memory_space<vmem_shared>>) offsets(%dma_start3A_684 : memref<128xi32, #tpu.memory_space<vmem>>) semaphore(%arg38 : memref<!tpu.dma_semaphore, #tpu.memory_space<semaphore_mem>>) {add = true}
      %dma_start3A_687 = arith.constant 0 : i32
      %dma_start3A_688 = tpu.memref_slice %arg8[%mul3A_277, %dma_start3A_687] : memref<52x128xf32, #tpu.memory_space<vmem>> -> memref<1x128xf32, #tpu.memory_space<vmem>>
      %dma_start3A_689 = tpu.memref_squeeze %dma_start3A_688 : memref<1x128xf32, #tpu.memory_space<vmem>> -> memref<128xf32, #tpu.memory_space<vmem>>
      %dma_start3A_690 = arith.constant 0 : i32
      %dma_start3A_691 = tpu.memref_slice %arg6[%mul3A_277, %dma_start3A_690] : memref<52x128xi32, #tpu.memory_space<vmem>> -> memref<1x128xi32, #tpu.memory_space<vmem>>
      %dma_start3A_692 = tpu.memref_squeeze %dma_start3A_691 : memref<1x128xi32, #tpu.memory_space<vmem>> -> memref<128xi32, #tpu.memory_space<vmem>>
      %dma_start3A_693 = arith.constant 0 : i32
      %dma_start3A_694 = tpu.memref_slice %arg33[%dma_start3A_693] : memref<100352xf32, #tpu.memory_space<vmem_shared>> -> memref<100352xf32, #tpu.memory_space<vmem_shared>>
      tpu.enqueue_indirect_dma source(%dma_start3A_689 : memref<128xf32, #tpu.memory_space<vmem>>) target(%dma_start3A_694 : memref<100352xf32, #tpu.memory_space<vmem_shared>>) offsets(%dma_start3A_692 : memref<128xi32, #tpu.memory_space<vmem>>) semaphore(%arg38 : memref<!tpu.dma_semaphore, #tpu.memory_space<semaphore_mem>>) {add = true}
      %dma_start3A_695 = arith.constant 0 : i32
      %dma_start3A_696 = tpu.memref_slice %arg9[%mul3A_277, %dma_start3A_695] : memref<52x128xf32, #tpu.memory_space<vmem>> -> memref<1x128xf32, #tpu.memory_space<vmem>>
      %dma_start3A_697 = tpu.memref_squeeze %dma_start3A_696 : memref<1x128xf32, #tpu.memory_space<vmem>> -> memref<128xf32, #tpu.memory_space<vmem>>
      %dma_start3A_698 = arith.constant 0 : i32
      %dma_start3A_699 = tpu.memref_slice %arg6[%mul3A_277, %dma_start3A_698] : memref<52x128xi32, #tpu.memory_space<vmem>> -> memref<1x128xi32, #tpu.memory_space<vmem>>
      %dma_start3A_700 = tpu.memref_squeeze %dma_start3A_699 : memref<1x128xi32, #tpu.memory_space<vmem>> -> memref<128xi32, #tpu.memory_space<vmem>>
      %dma_start3A_701 = arith.constant 0 : i32
      %dma_start3A_702 = tpu.memref_slice %arg34[%dma_start3A_701] : memref<100352xf32, #tpu.memory_space<vmem_shared>> -> memref<100352xf32, #tpu.memory_space<vmem_shared>>
      tpu.enqueue_indirect_dma source(%dma_start3A_697 : memref<128xf32, #tpu.memory_space<vmem>>) target(%dma_start3A_702 : memref<100352xf32, #tpu.memory_space<vmem_shared>>) offsets(%dma_start3A_700 : memref<128xi32, #tpu.memory_space<vmem>>) semaphore(%arg38 : memref<!tpu.dma_semaphore, #tpu.memory_space<semaphore_mem>>) {add = true}
      %dma_start3A_703 = arith.constant 0 : i32
      %dma_start3A_704 = tpu.memref_slice %arg10[%mul3A_277, %dma_start3A_703] : memref<52x128xf32, #tpu.memory_space<vmem>> -> memref<1x128xf32, #tpu.memory_space<vmem>>
      %dma_start3A_705 = tpu.memref_squeeze %dma_start3A_704 : memref<1x128xf32, #tpu.memory_space<vmem>> -> memref<128xf32, #tpu.memory_space<vmem>>
      %dma_start3A_706 = arith.constant 0 : i32
      %dma_start3A_707 = tpu.memref_slice %arg6[%mul3A_277, %dma_start3A_706] : memref<52x128xi32, #tpu.memory_space<vmem>> -> memref<1x128xi32, #tpu.memory_space<vmem>>
      %dma_start3A_708 = tpu.memref_squeeze %dma_start3A_707 : memref<1x128xi32, #tpu.memory_space<vmem>> -> memref<128xi32, #tpu.memory_space<vmem>>
      %dma_start3A_709 = arith.constant 0 : i32
      %dma_start3A_710 = tpu.memref_slice %arg35[%dma_start3A_709] : memref<100352xf32, #tpu.memory_space<vmem_shared>> -> memref<100352xf32, #tpu.memory_space<vmem_shared>>
      tpu.enqueue_indirect_dma source(%dma_start3A_705 : memref<128xf32, #tpu.memory_space<vmem>>) target(%dma_start3A_710 : memref<100352xf32, #tpu.memory_space<vmem_shared>>) offsets(%dma_start3A_708 : memref<128xi32, #tpu.memory_space<vmem>>) semaphore(%arg38 : memref<!tpu.dma_semaphore, #tpu.memory_space<semaphore_mem>>) {add = true}
      %dma_start3A_711 = arith.constant 0 : i32
      %dma_start3A_712 = tpu.memref_slice %arg8[%mul3A_277, %dma_start3A_711] : memref<52x128xf32, #tpu.memory_space<vmem>> -> memref<1x128xf32, #tpu.memory_space<vmem>>
      %dma_start3A_713 = tpu.memref_squeeze %dma_start3A_712 : memref<1x128xf32, #tpu.memory_space<vmem>> -> memref<128xf32, #tpu.memory_space<vmem>>
      %dma_start3A_714 = arith.constant 0 : i32
      %dma_start3A_715 = tpu.memref_slice %arg7[%mul3A_277, %dma_start3A_714] : memref<52x128xi32, #tpu.memory_space<vmem>> -> memref<1x128xi32, #tpu.memory_space<vmem>>
      %dma_start3A_716 = tpu.memref_squeeze %dma_start3A_715 : memref<1x128xi32, #tpu.memory_space<vmem>> -> memref<128xi32, #tpu.memory_space<vmem>>
      %dma_start3A_717 = arith.constant 0 : i32
      %dma_start3A_718 = tpu.memref_slice %arg33[%dma_start3A_717] : memref<100352xf32, #tpu.memory_space<vmem_shared>> -> memref<100352xf32, #tpu.memory_space<vmem_shared>>
      tpu.enqueue_indirect_dma source(%dma_start3A_713 : memref<128xf32, #tpu.memory_space<vmem>>) target(%dma_start3A_718 : memref<100352xf32, #tpu.memory_space<vmem_shared>>) offsets(%dma_start3A_716 : memref<128xi32, #tpu.memory_space<vmem>>) semaphore(%arg38 : memref<!tpu.dma_semaphore, #tpu.memory_space<semaphore_mem>>) {add = true}
      %dma_start3A_719 = arith.constant 0 : i32
      %dma_start3A_720 = tpu.memref_slice %arg9[%mul3A_277, %dma_start3A_719] : memref<52x128xf32, #tpu.memory_space<vmem>> -> memref<1x128xf32, #tpu.memory_space<vmem>>
      %dma_start3A_721 = tpu.memref_squeeze %dma_start3A_720 : memref<1x128xf32, #tpu.memory_space<vmem>> -> memref<128xf32, #tpu.memory_space<vmem>>
      %dma_start3A_722 = arith.constant 0 : i32
      %dma_start3A_723 = tpu.memref_slice %arg7[%mul3A_277, %dma_start3A_722] : memref<52x128xi32, #tpu.memory_space<vmem>> -> memref<1x128xi32, #tpu.memory_space<vmem>>
      %dma_start3A_724 = tpu.memref_squeeze %dma_start3A_723 : memref<1x128xi32, #tpu.memory_space<vmem>> -> memref<128xi32, #tpu.memory_space<vmem>>
      %dma_start3A_725 = arith.constant 0 : i32
      %dma_start3A_726 = tpu.memref_slice %arg34[%dma_start3A_725] : memref<100352xf32, #tpu.memory_space<vmem_shared>> -> memref<100352xf32, #tpu.memory_space<vmem_shared>>
      tpu.enqueue_indirect_dma source(%dma_start3A_721 : memref<128xf32, #tpu.memory_space<vmem>>) target(%dma_start3A_726 : memref<100352xf32, #tpu.memory_space<vmem_shared>>) offsets(%dma_start3A_724 : memref<128xi32, #tpu.memory_space<vmem>>) semaphore(%arg38 : memref<!tpu.dma_semaphore, #tpu.memory_space<semaphore_mem>>) {add = true}
      %dma_start3A_727 = arith.constant 0 : i32
      %dma_start3A_728 = tpu.memref_slice %arg10[%mul3A_277, %dma_start3A_727] : memref<52x128xf32, #tpu.memory_space<vmem>> -> memref<1x128xf32, #tpu.memory_space<vmem>>
      %dma_start3A_729 = tpu.memref_squeeze %dma_start3A_728 : memref<1x128xf32, #tpu.memory_space<vmem>> -> memref<128xf32, #tpu.memory_space<vmem>>
      %dma_start3A_730 = arith.constant 0 : i32
      %dma_start3A_731 = tpu.memref_slice %arg7[%mul3A_277, %dma_start3A_730] : memref<52x128xi32, #tpu.memory_space<vmem>> -> memref<1x128xi32, #tpu.memory_space<vmem>>
      %dma_start3A_732 = tpu.memref_squeeze %dma_start3A_731 : memref<1x128xi32, #tpu.memory_space<vmem>> -> memref<128xi32, #tpu.memory_space<vmem>>
      %dma_start3A_733 = arith.constant 0 : i32
      %dma_start3A_734 = tpu.memref_slice %arg35[%dma_start3A_733] : memref<100352xf32, #tpu.memory_space<vmem_shared>> -> memref<100352xf32, #tpu.memory_space<vmem_shared>>
      tpu.enqueue_indirect_dma source(%dma_start3A_729 : memref<128xf32, #tpu.memory_space<vmem>>) target(%dma_start3A_734 : memref<100352xf32, #tpu.memory_space<vmem_shared>>) offsets(%dma_start3A_732 : memref<128xi32, #tpu.memory_space<vmem>>) semaphore(%arg38 : memref<!tpu.dma_semaphore, #tpu.memory_space<semaphore_mem>>) {add = true}
      %dma_wait3A_735 = arith.constant 0 : i32
      %dma_wait3A_736 = tpu.memref_slice %arg5[%add3A_281, %dma_wait3A_735] : memref<52x128xi32, #tpu.memory_space<vmem>> -> memref<1x128xi32, #tpu.memory_space<vmem>>
      %dma_wait3A_737 = tpu.memref_squeeze %dma_wait3A_736 : memref<1x128xi32, #tpu.memory_space<vmem>> -> memref<128xi32, #tpu.memory_space<vmem>>
      %dma_wait3A_738 = arith.constant 0 : i32
      %dma_wait3A_739 = tpu.memref_slice %arg30[%dma_wait3A_738] : memref<100352xf32, #tpu.memory_space<vmem_shared>> -> memref<100352xf32, #tpu.memory_space<vmem_shared>>
      tpu.wait_indirect_dma semaphore(%arg37 : memref<!tpu.dma_semaphore, #tpu.memory_space<semaphore_mem>>) src(%dma_wait3A_739 : memref<100352xf32, #tpu.memory_space<vmem_shared>>) dst(%arg20 : memref<128xf32, #tpu.memory_space<vmem>>)
      %dma_wait3A_740 = arith.constant 0 : i32
      %dma_wait3A_741 = tpu.memref_slice %arg5[%add3A_281, %dma_wait3A_740] : memref<52x128xi32, #tpu.memory_space<vmem>> -> memref<1x128xi32, #tpu.memory_space<vmem>>
      %dma_wait3A_742 = tpu.memref_squeeze %dma_wait3A_741 : memref<1x128xi32, #tpu.memory_space<vmem>> -> memref<128xi32, #tpu.memory_space<vmem>>
      %dma_wait3A_743 = arith.constant 0 : i32
      %dma_wait3A_744 = tpu.memref_slice %arg31[%dma_wait3A_743] : memref<100352xf32, #tpu.memory_space<vmem_shared>> -> memref<100352xf32, #tpu.memory_space<vmem_shared>>
      tpu.wait_indirect_dma semaphore(%arg37 : memref<!tpu.dma_semaphore, #tpu.memory_space<semaphore_mem>>) src(%dma_wait3A_744 : memref<100352xf32, #tpu.memory_space<vmem_shared>>) dst(%arg21 : memref<128xf32, #tpu.memory_space<vmem>>)
      %dma_wait3A_745 = arith.constant 0 : i32
      %dma_wait3A_746 = tpu.memref_slice %arg5[%add3A_281, %dma_wait3A_745] : memref<52x128xi32, #tpu.memory_space<vmem>> -> memref<1x128xi32, #tpu.memory_space<vmem>>
      %dma_wait3A_747 = tpu.memref_squeeze %dma_wait3A_746 : memref<1x128xi32, #tpu.memory_space<vmem>> -> memref<128xi32, #tpu.memory_space<vmem>>
      %dma_wait3A_748 = arith.constant 0 : i32
      %dma_wait3A_749 = tpu.memref_slice %arg32[%dma_wait3A_748] : memref<100352xf32, #tpu.memory_space<vmem_shared>> -> memref<100352xf32, #tpu.memory_space<vmem_shared>>
      tpu.wait_indirect_dma semaphore(%arg37 : memref<!tpu.dma_semaphore, #tpu.memory_space<semaphore_mem>>) src(%dma_wait3A_749 : memref<100352xf32, #tpu.memory_space<vmem_shared>>) dst(%arg22 : memref<128xf32, #tpu.memory_space<vmem>>)
      %dma_wait3A_750 = arith.constant 0 : i32
      %dma_wait3A_751 = tpu.memref_slice %arg6[%add3A_281, %dma_wait3A_750] : memref<52x128xi32, #tpu.memory_space<vmem>> -> memref<1x128xi32, #tpu.memory_space<vmem>>
      %dma_wait3A_752 = tpu.memref_squeeze %dma_wait3A_751 : memref<1x128xi32, #tpu.memory_space<vmem>> -> memref<128xi32, #tpu.memory_space<vmem>>
      %dma_wait3A_753 = arith.constant 0 : i32
      %dma_wait3A_754 = tpu.memref_slice %arg30[%dma_wait3A_753] : memref<100352xf32, #tpu.memory_space<vmem_shared>> -> memref<100352xf32, #tpu.memory_space<vmem_shared>>
      tpu.wait_indirect_dma semaphore(%arg37 : memref<!tpu.dma_semaphore, #tpu.memory_space<semaphore_mem>>) src(%dma_wait3A_754 : memref<100352xf32, #tpu.memory_space<vmem_shared>>) dst(%arg23 : memref<128xf32, #tpu.memory_space<vmem>>)
      %dma_wait3A_755 = arith.constant 0 : i32
      %dma_wait3A_756 = tpu.memref_slice %arg6[%add3A_281, %dma_wait3A_755] : memref<52x128xi32, #tpu.memory_space<vmem>> -> memref<1x128xi32, #tpu.memory_space<vmem>>
      %dma_wait3A_757 = tpu.memref_squeeze %dma_wait3A_756 : memref<1x128xi32, #tpu.memory_space<vmem>> -> memref<128xi32, #tpu.memory_space<vmem>>
      %dma_wait3A_758 = arith.constant 0 : i32
      %dma_wait3A_759 = tpu.memref_slice %arg31[%dma_wait3A_758] : memref<100352xf32, #tpu.memory_space<vmem_shared>> -> memref<100352xf32, #tpu.memory_space<vmem_shared>>
      tpu.wait_indirect_dma semaphore(%arg37 : memref<!tpu.dma_semaphore, #tpu.memory_space<semaphore_mem>>) src(%dma_wait3A_759 : memref<100352xf32, #tpu.memory_space<vmem_shared>>) dst(%arg24 : memref<128xf32, #tpu.memory_space<vmem>>)
      %dma_wait3A_760 = arith.constant 0 : i32
      %dma_wait3A_761 = tpu.memref_slice %arg6[%add3A_281, %dma_wait3A_760] : memref<52x128xi32, #tpu.memory_space<vmem>> -> memref<1x128xi32, #tpu.memory_space<vmem>>
      %dma_wait3A_762 = tpu.memref_squeeze %dma_wait3A_761 : memref<1x128xi32, #tpu.memory_space<vmem>> -> memref<128xi32, #tpu.memory_space<vmem>>
      %dma_wait3A_763 = arith.constant 0 : i32
      %dma_wait3A_764 = tpu.memref_slice %arg32[%dma_wait3A_763] : memref<100352xf32, #tpu.memory_space<vmem_shared>> -> memref<100352xf32, #tpu.memory_space<vmem_shared>>
      tpu.wait_indirect_dma semaphore(%arg37 : memref<!tpu.dma_semaphore, #tpu.memory_space<semaphore_mem>>) src(%dma_wait3A_764 : memref<100352xf32, #tpu.memory_space<vmem_shared>>) dst(%arg25 : memref<128xf32, #tpu.memory_space<vmem>>)
      %dma_wait3A_765 = arith.constant 0 : i32
      %dma_wait3A_766 = tpu.memref_slice %arg7[%add3A_281, %dma_wait3A_765] : memref<52x128xi32, #tpu.memory_space<vmem>> -> memref<1x128xi32, #tpu.memory_space<vmem>>
      %dma_wait3A_767 = tpu.memref_squeeze %dma_wait3A_766 : memref<1x128xi32, #tpu.memory_space<vmem>> -> memref<128xi32, #tpu.memory_space<vmem>>
      %dma_wait3A_768 = arith.constant 0 : i32
      %dma_wait3A_769 = tpu.memref_slice %arg30[%dma_wait3A_768] : memref<100352xf32, #tpu.memory_space<vmem_shared>> -> memref<100352xf32, #tpu.memory_space<vmem_shared>>
      tpu.wait_indirect_dma semaphore(%arg37 : memref<!tpu.dma_semaphore, #tpu.memory_space<semaphore_mem>>) src(%dma_wait3A_769 : memref<100352xf32, #tpu.memory_space<vmem_shared>>) dst(%arg26 : memref<128xf32, #tpu.memory_space<vmem>>)
      %dma_wait3A_770 = arith.constant 0 : i32
      %dma_wait3A_771 = tpu.memref_slice %arg7[%add3A_281, %dma_wait3A_770] : memref<52x128xi32, #tpu.memory_space<vmem>> -> memref<1x128xi32, #tpu.memory_space<vmem>>
      %dma_wait3A_772 = tpu.memref_squeeze %dma_wait3A_771 : memref<1x128xi32, #tpu.memory_space<vmem>> -> memref<128xi32, #tpu.memory_space<vmem>>
      %dma_wait3A_773 = arith.constant 0 : i32
      %dma_wait3A_774 = tpu.memref_slice %arg31[%dma_wait3A_773] : memref<100352xf32, #tpu.memory_space<vmem_shared>> -> memref<100352xf32, #tpu.memory_space<vmem_shared>>
      tpu.wait_indirect_dma semaphore(%arg37 : memref<!tpu.dma_semaphore, #tpu.memory_space<semaphore_mem>>) src(%dma_wait3A_774 : memref<100352xf32, #tpu.memory_space<vmem_shared>>) dst(%arg27 : memref<128xf32, #tpu.memory_space<vmem>>)
      %dma_wait3A_775 = arith.constant 0 : i32
      %dma_wait3A_776 = tpu.memref_slice %arg7[%add3A_281, %dma_wait3A_775] : memref<52x128xi32, #tpu.memory_space<vmem>> -> memref<1x128xi32, #tpu.memory_space<vmem>>
      %dma_wait3A_777 = tpu.memref_squeeze %dma_wait3A_776 : memref<1x128xi32, #tpu.memory_space<vmem>> -> memref<128xi32, #tpu.memory_space<vmem>>
      %dma_wait3A_778 = arith.constant 0 : i32
      %dma_wait3A_779 = tpu.memref_slice %arg32[%dma_wait3A_778] : memref<100352xf32, #tpu.memory_space<vmem_shared>> -> memref<100352xf32, #tpu.memory_space<vmem_shared>>
      tpu.wait_indirect_dma semaphore(%arg37 : memref<!tpu.dma_semaphore, #tpu.memory_space<semaphore_mem>>) src(%dma_wait3A_779 : memref<100352xf32, #tpu.memory_space<vmem_shared>>) dst(%arg28 : memref<128xf32, #tpu.memory_space<vmem>>)
      %broadcast_in_dim3A_780 = vector.broadcast %add3A_281 : i32 to vector<16xi32>
      %add3A_781 = arith.constant 0 : i32
      %add3A_782 = vector.broadcast %add3A_781 : i32 to vector<16xi32>
      %add3A_783 = arith.addi %add3A_782, %iota3A : vector<16xi32>
      %get3A_784 = arith.constant 0 : index
      %get3A_785 = tpu.vector_load %arg20[%get3A_784] {strides = array<i32>} : memref<128xf32, #tpu.memory_space<vmem>>, vector<16xf32>,
      %get3A_786 = arith.constant 0 : index
      %get3A_787 = tpu.vector_load %arg21[%get3A_786] {strides = array<i32>} : memref<128xf32, #tpu.memory_space<vmem>>, vector<16xf32>,
      %get3A_788 = arith.constant 0 : index
      %get3A_789 = tpu.vector_load %arg22[%get3A_788] {strides = array<i32>} : memref<128xf32, #tpu.memory_space<vmem>>, vector<16xf32>,
      %get3A_790 = arith.constant 0 : index
      %get3A_791 = tpu.vector_load %arg23[%get3A_790] {strides = array<i32>} : memref<128xf32, #tpu.memory_space<vmem>>, vector<16xf32>,
      %get3A_792 = arith.constant 0 : index
      %get3A_793 = tpu.vector_load %arg24[%get3A_792] {strides = array<i32>} : memref<128xf32, #tpu.memory_space<vmem>>, vector<16xf32>,
      %get3A_794 = arith.constant 0 : index
      %get3A_795 = tpu.vector_load %arg25[%get3A_794] {strides = array<i32>} : memref<128xf32, #tpu.memory_space<vmem>>, vector<16xf32>,
      %get3A_796 = arith.constant 0 : index
      %get3A_797 = tpu.vector_load %arg26[%get3A_796] {strides = array<i32>} : memref<128xf32, #tpu.memory_space<vmem>>, vector<16xf32>,
      %get3A_798 = arith.constant 0 : index
      %get3A_799 = tpu.vector_load %arg27[%get3A_798] {strides = array<i32>} : memref<128xf32, #tpu.memory_space<vmem>>, vector<16xf32>,
      %get3A_800 = arith.constant 0 : index
      %get3A_801 = tpu.vector_load %arg28[%get3A_800] {strides = array<i32>} : memref<128xf32, #tpu.memory_space<vmem>>, vector<16xf32>,
      %sub3A_802 = arith.subf %get3A_797, %get3A_791 : vector<16xf32>
      %sub3A_803 = arith.subf %get3A_799, %get3A_793 : vector<16xf32>
      %sub3A_804 = arith.subf %get3A_801, %get3A_795 : vector<16xf32>
      %sub3A_805 = arith.subf %get3A_785, %get3A_791 : vector<16xf32>
      %sub3A_806 = arith.subf %get3A_787, %get3A_793 : vector<16xf32>
      %sub3A_807 = arith.subf %get3A_789, %get3A_795 : vector<16xf32>
      %mul3A_808 = arith.mulf %sub3A_803, %sub3A_807 : vector<16xf32>
      %mul3A_809 = arith.mulf %sub3A_804, %sub3A_806 : vector<16xf32>
      %sub3A_810 = arith.subf %mul3A_808, %mul3A_809 : vector<16xf32>
      tpu.vector_store_idx %arg8[%broadcast_in_dim3A_780, %add3A_783], %sub3A_810 : memref<52x128xf32, #tpu.memory_space<vmem>>[vector<16xi32>, vector<16xi32>], vector<16xf32>,
      %mul3A_811 = arith.mulf %sub3A_804, %sub3A_805 : vector<16xf32>
      %mul3A_812 = arith.mulf %sub3A_802, %sub3A_807 : vector<16xf32>
      %sub3A_813 = arith.subf %mul3A_811, %mul3A_812 : vector<16xf32>
      tpu.vector_store_idx %arg9[%broadcast_in_dim3A_780, %add3A_783], %sub3A_813 : memref<52x128xf32, #tpu.memory_space<vmem>>[vector<16xi32>, vector<16xi32>], vector<16xf32>,
      %mul3A_814 = arith.mulf %sub3A_802, %sub3A_806 : vector<16xf32>
      %mul3A_815 = arith.mulf %sub3A_803, %sub3A_805 : vector<16xf32>
      %sub3A_816 = arith.subf %mul3A_814, %mul3A_815 : vector<16xf32>
      tpu.vector_store_idx %arg10[%broadcast_in_dim3A_780, %add3A_783], %sub3A_816 : memref<52x128xf32, #tpu.memory_space<vmem>>[vector<16xi32>, vector<16xi32>], vector<16xf32>,
      %add3A_817 = arith.constant 16 : i32
      %add3A_818 = vector.broadcast %add3A_817 : i32 to vector<16xi32>
      %add3A_819 = arith.addi %add3A_818, %iota3A : vector<16xi32>
      %get3A_820 = arith.constant 16 : index
      %get3A_821 = tpu.vector_load %arg20[%get3A_820] {strides = array<i32>} : memref<128xf32, #tpu.memory_space<vmem>>, vector<16xf32>,
      %get3A_822 = arith.constant 16 : index
      %get3A_823 = tpu.vector_load %arg21[%get3A_822] {strides = array<i32>} : memref<128xf32, #tpu.memory_space<vmem>>, vector<16xf32>,
      %get3A_824 = arith.constant 16 : index
      %get3A_825 = tpu.vector_load %arg22[%get3A_824] {strides = array<i32>} : memref<128xf32, #tpu.memory_space<vmem>>, vector<16xf32>,
      %get3A_826 = arith.constant 16 : index
      %get3A_827 = tpu.vector_load %arg23[%get3A_826] {strides = array<i32>} : memref<128xf32, #tpu.memory_space<vmem>>, vector<16xf32>,
      %get3A_828 = arith.constant 16 : index
      %get3A_829 = tpu.vector_load %arg24[%get3A_828] {strides = array<i32>} : memref<128xf32, #tpu.memory_space<vmem>>, vector<16xf32>,
      %get3A_830 = arith.constant 16 : index
      %get3A_831 = tpu.vector_load %arg25[%get3A_830] {strides = array<i32>} : memref<128xf32, #tpu.memory_space<vmem>>, vector<16xf32>,
      %get3A_832 = arith.constant 16 : index
      %get3A_833 = tpu.vector_load %arg26[%get3A_832] {strides = array<i32>} : memref<128xf32, #tpu.memory_space<vmem>>, vector<16xf32>,
      %get3A_834 = arith.constant 16 : index
      %get3A_835 = tpu.vector_load %arg27[%get3A_834] {strides = array<i32>} : memref<128xf32, #tpu.memory_space<vmem>>, vector<16xf32>,
      %get3A_836 = arith.constant 16 : index
      %get3A_837 = tpu.vector_load %arg28[%get3A_836] {strides = array<i32>} : memref<128xf32, #tpu.memory_space<vmem>>, vector<16xf32>,
      %sub3A_838 = arith.subf %get3A_833, %get3A_827 : vector<16xf32>
      %sub3A_839 = arith.subf %get3A_835, %get3A_829 : vector<16xf32>
      %sub3A_840 = arith.subf %get3A_837, %get3A_831 : vector<16xf32>
      %sub3A_841 = arith.subf %get3A_821, %get3A_827 : vector<16xf32>
      %sub3A_842 = arith.subf %get3A_823, %get3A_829 : vector<16xf32>
      %sub3A_843 = arith.subf %get3A_825, %get3A_831 : vector<16xf32>
      %mul3A_844 = arith.mulf %sub3A_839, %sub3A_843 : vector<16xf32>
      %mul3A_845 = arith.mulf %sub3A_840, %sub3A_842 : vector<16xf32>
      %sub3A_846 = arith.subf %mul3A_844, %mul3A_845 : vector<16xf32>
      tpu.vector_store_idx %arg8[%broadcast_in_dim3A_780, %add3A_819], %sub3A_846 : memref<52x128xf32, #tpu.memory_space<vmem>>[vector<16xi32>, vector<16xi32>], vector<16xf32>,
      %mul3A_847 = arith.mulf %sub3A_840, %sub3A_841 : vector<16xf32>
      %mul3A_848 = arith.mulf %sub3A_838, %sub3A_843 : vector<16xf32>
      %sub3A_849 = arith.subf %mul3A_847, %mul3A_848 : vector<16xf32>
      tpu.vector_store_idx %arg9[%broadcast_in_dim3A_780, %add3A_819], %sub3A_849 : memref<52x128xf32, #tpu.memory_space<vmem>>[vector<16xi32>, vector<16xi32>], vector<16xf32>,
      %mul3A_850 = arith.mulf %sub3A_838, %sub3A_842 : vector<16xf32>
      %mul3A_851 = arith.mulf %sub3A_839, %sub3A_841 : vector<16xf32>
      %sub3A_852 = arith.subf %mul3A_850, %mul3A_851 : vector<16xf32>
      tpu.vector_store_idx %arg10[%broadcast_in_dim3A_780, %add3A_819], %sub3A_852 : memref<52x128xf32, #tpu.memory_space<vmem>>[vector<16xi32>, vector<16xi32>], vector<16xf32>,
      %add3A_853 = arith.constant 32 : i32
      %add3A_854 = vector.broadcast %add3A_853 : i32 to vector<16xi32>
      %add3A_855 = arith.addi %add3A_854, %iota3A : vector<16xi32>
      %get3A_856 = arith.constant 32 : index
      %get3A_857 = tpu.vector_load %arg20[%get3A_856] {strides = array<i32>} : memref<128xf32, #tpu.memory_space<vmem>>, vector<16xf32>,
      %get3A_858 = arith.constant 32 : index
      %get3A_859 = tpu.vector_load %arg21[%get3A_858] {strides = array<i32>} : memref<128xf32, #tpu.memory_space<vmem>>, vector<16xf32>,
      %get3A_860 = arith.constant 32 : index
      %get3A_861 = tpu.vector_load %arg22[%get3A_860] {strides = array<i32>} : memref<128xf32, #tpu.memory_space<vmem>>, vector<16xf32>,
      %get3A_862 = arith.constant 32 : index
      %get3A_863 = tpu.vector_load %arg23[%get3A_862] {strides = array<i32>} : memref<128xf32, #tpu.memory_space<vmem>>, vector<16xf32>,
      %get3A_864 = arith.constant 32 : index
      %get3A_865 = tpu.vector_load %arg24[%get3A_864] {strides = array<i32>} : memref<128xf32, #tpu.memory_space<vmem>>, vector<16xf32>,
      %get3A_866 = arith.constant 32 : index
      %get3A_867 = tpu.vector_load %arg25[%get3A_866] {strides = array<i32>} : memref<128xf32, #tpu.memory_space<vmem>>, vector<16xf32>,
      %get3A_868 = arith.constant 32 : index
      %get3A_869 = tpu.vector_load %arg26[%get3A_868] {strides = array<i32>} : memref<128xf32, #tpu.memory_space<vmem>>, vector<16xf32>,
      %get3A_870 = arith.constant 32 : index
      %get3A_871 = tpu.vector_load %arg27[%get3A_870] {strides = array<i32>} : memref<128xf32, #tpu.memory_space<vmem>>, vector<16xf32>,
      %get3A_872 = arith.constant 32 : index
      %get3A_873 = tpu.vector_load %arg28[%get3A_872] {strides = array<i32>} : memref<128xf32, #tpu.memory_space<vmem>>, vector<16xf32>,
      %sub3A_874 = arith.subf %get3A_869, %get3A_863 : vector<16xf32>
      %sub3A_875 = arith.subf %get3A_871, %get3A_865 : vector<16xf32>
      %sub3A_876 = arith.subf %get3A_873, %get3A_867 : vector<16xf32>
      %sub3A_877 = arith.subf %get3A_857, %get3A_863 : vector<16xf32>
      %sub3A_878 = arith.subf %get3A_859, %get3A_865 : vector<16xf32>
      %sub3A_879 = arith.subf %get3A_861, %get3A_867 : vector<16xf32>
      %mul3A_880 = arith.mulf %sub3A_875, %sub3A_879 : vector<16xf32>
      %mul3A_881 = arith.mulf %sub3A_876, %sub3A_878 : vector<16xf32>
      %sub3A_882 = arith.subf %mul3A_880, %mul3A_881 : vector<16xf32>
      tpu.vector_store_idx %arg8[%broadcast_in_dim3A_780, %add3A_855], %sub3A_882 : memref<52x128xf32, #tpu.memory_space<vmem>>[vector<16xi32>, vector<16xi32>], vector<16xf32>,
      %mul3A_883 = arith.mulf %sub3A_876, %sub3A_877 : vector<16xf32>
      %mul3A_884 = arith.mulf %sub3A_874, %sub3A_879 : vector<16xf32>
      %sub3A_885 = arith.subf %mul3A_883, %mul3A_884 : vector<16xf32>
      tpu.vector_store_idx %arg9[%broadcast_in_dim3A_780, %add3A_855], %sub3A_885 : memref<52x128xf32, #tpu.memory_space<vmem>>[vector<16xi32>, vector<16xi32>], vector<16xf32>,
      %mul3A_886 = arith.mulf %sub3A_874, %sub3A_878 : vector<16xf32>
      %mul3A_887 = arith.mulf %sub3A_875, %sub3A_877 : vector<16xf32>
      %sub3A_888 = arith.subf %mul3A_886, %mul3A_887 : vector<16xf32>
      tpu.vector_store_idx %arg10[%broadcast_in_dim3A_780, %add3A_855], %sub3A_888 : memref<52x128xf32, #tpu.memory_space<vmem>>[vector<16xi32>, vector<16xi32>], vector<16xf32>,
      %add3A_889 = arith.constant 48 : i32
      %add3A_890 = vector.broadcast %add3A_889 : i32 to vector<16xi32>
      %add3A_891 = arith.addi %add3A_890, %iota3A : vector<16xi32>
      %get3A_892 = arith.constant 48 : index
      %get3A_893 = tpu.vector_load %arg20[%get3A_892] {strides = array<i32>} : memref<128xf32, #tpu.memory_space<vmem>>, vector<16xf32>,
      %get3A_894 = arith.constant 48 : index
      %get3A_895 = tpu.vector_load %arg21[%get3A_894] {strides = array<i32>} : memref<128xf32, #tpu.memory_space<vmem>>, vector<16xf32>,
      %get3A_896 = arith.constant 48 : index
      %get3A_897 = tpu.vector_load %arg22[%get3A_896] {strides = array<i32>} : memref<128xf32, #tpu.memory_space<vmem>>, vector<16xf32>,
      %get3A_898 = arith.constant 48 : index
      %get3A_899 = tpu.vector_load %arg23[%get3A_898] {strides = array<i32>} : memref<128xf32, #tpu.memory_space<vmem>>, vector<16xf32>,
      %get3A_900 = arith.constant 48 : index
      %get3A_901 = tpu.vector_load %arg24[%get3A_900] {strides = array<i32>} : memref<128xf32, #tpu.memory_space<vmem>>, vector<16xf32>,
      %get3A_902 = arith.constant 48 : index
      %get3A_903 = tpu.vector_load %arg25[%get3A_902] {strides = array<i32>} : memref<128xf32, #tpu.memory_space<vmem>>, vector<16xf32>,
      %get3A_904 = arith.constant 48 : index
      %get3A_905 = tpu.vector_load %arg26[%get3A_904] {strides = array<i32>} : memref<128xf32, #tpu.memory_space<vmem>>, vector<16xf32>,
      %get3A_906 = arith.constant 48 : index
      %get3A_907 = tpu.vector_load %arg27[%get3A_906] {strides = array<i32>} : memref<128xf32, #tpu.memory_space<vmem>>, vector<16xf32>,
      %get3A_908 = arith.constant 48 : index
      %get3A_909 = tpu.vector_load %arg28[%get3A_908] {strides = array<i32>} : memref<128xf32, #tpu.memory_space<vmem>>, vector<16xf32>,
      %sub3A_910 = arith.subf %get3A_905, %get3A_899 : vector<16xf32>
      %sub3A_911 = arith.subf %get3A_907, %get3A_901 : vector<16xf32>
      %sub3A_912 = arith.subf %get3A_909, %get3A_903 : vector<16xf32>
      %sub3A_913 = arith.subf %get3A_893, %get3A_899 : vector<16xf32>
      %sub3A_914 = arith.subf %get3A_895, %get3A_901 : vector<16xf32>
      %sub3A_915 = arith.subf %get3A_897, %get3A_903 : vector<16xf32>
      %mul3A_916 = arith.mulf %sub3A_911, %sub3A_915 : vector<16xf32>
      %mul3A_917 = arith.mulf %sub3A_912, %sub3A_914 : vector<16xf32>
      %sub3A_918 = arith.subf %mul3A_916, %mul3A_917 : vector<16xf32>
      tpu.vector_store_idx %arg8[%broadcast_in_dim3A_780, %add3A_891], %sub3A_918 : memref<52x128xf32, #tpu.memory_space<vmem>>[vector<16xi32>, vector<16xi32>], vector<16xf32>,
      %mul3A_919 = arith.mulf %sub3A_912, %sub3A_913 : vector<16xf32>
      %mul3A_920 = arith.mulf %sub3A_910, %sub3A_915 : vector<16xf32>
      %sub3A_921 = arith.subf %mul3A_919, %mul3A_920 : vector<16xf32>
      tpu.vector_store_idx %arg9[%broadcast_in_dim3A_780, %add3A_891], %sub3A_921 : memref<52x128xf32, #tpu.memory_space<vmem>>[vector<16xi32>, vector<16xi32>], vector<16xf32>,
      %mul3A_922 = arith.mulf %sub3A_910, %sub3A_914 : vector<16xf32>
      %mul3A_923 = arith.mulf %sub3A_911, %sub3A_913 : vector<16xf32>
      %sub3A_924 = arith.subf %mul3A_922, %mul3A_923 : vector<16xf32>
      tpu.vector_store_idx %arg10[%broadcast_in_dim3A_780, %add3A_891], %sub3A_924 : memref<52x128xf32, #tpu.memory_space<vmem>>[vector<16xi32>, vector<16xi32>], vector<16xf32>,
      %add3A_925 = arith.constant 64 : i32
      %add3A_926 = vector.broadcast %add3A_925 : i32 to vector<16xi32>
      %add3A_927 = arith.addi %add3A_926, %iota3A : vector<16xi32>
      %get3A_928 = arith.constant 64 : index
      %get3A_929 = tpu.vector_load %arg20[%get3A_928] {strides = array<i32>} : memref<128xf32, #tpu.memory_space<vmem>>, vector<16xf32>,
      %get3A_930 = arith.constant 64 : index
      %get3A_931 = tpu.vector_load %arg21[%get3A_930] {strides = array<i32>} : memref<128xf32, #tpu.memory_space<vmem>>, vector<16xf32>,
      %get3A_932 = arith.constant 64 : index
      %get3A_933 = tpu.vector_load %arg22[%get3A_932] {strides = array<i32>} : memref<128xf32, #tpu.memory_space<vmem>>, vector<16xf32>,
      %get3A_934 = arith.constant 64 : index
      %get3A_935 = tpu.vector_load %arg23[%get3A_934] {strides = array<i32>} : memref<128xf32, #tpu.memory_space<vmem>>, vector<16xf32>,
      %get3A_936 = arith.constant 64 : index
      %get3A_937 = tpu.vector_load %arg24[%get3A_936] {strides = array<i32>} : memref<128xf32, #tpu.memory_space<vmem>>, vector<16xf32>,
      %get3A_938 = arith.constant 64 : index
      %get3A_939 = tpu.vector_load %arg25[%get3A_938] {strides = array<i32>} : memref<128xf32, #tpu.memory_space<vmem>>, vector<16xf32>,
      %get3A_940 = arith.constant 64 : index
      %get3A_941 = tpu.vector_load %arg26[%get3A_940] {strides = array<i32>} : memref<128xf32, #tpu.memory_space<vmem>>, vector<16xf32>,
      %get3A_942 = arith.constant 64 : index
      %get3A_943 = tpu.vector_load %arg27[%get3A_942] {strides = array<i32>} : memref<128xf32, #tpu.memory_space<vmem>>, vector<16xf32>,
      %get3A_944 = arith.constant 64 : index
      %get3A_945 = tpu.vector_load %arg28[%get3A_944] {strides = array<i32>} : memref<128xf32, #tpu.memory_space<vmem>>, vector<16xf32>,
      %sub3A_946 = arith.subf %get3A_941, %get3A_935 : vector<16xf32>
      %sub3A_947 = arith.subf %get3A_943, %get3A_937 : vector<16xf32>
      %sub3A_948 = arith.subf %get3A_945, %get3A_939 : vector<16xf32>
      %sub3A_949 = arith.subf %get3A_929, %get3A_935 : vector<16xf32>
      %sub3A_950 = arith.subf %get3A_931, %get3A_937 : vector<16xf32>
      %sub3A_951 = arith.subf %get3A_933, %get3A_939 : vector<16xf32>
      %mul3A_952 = arith.mulf %sub3A_947, %sub3A_951 : vector<16xf32>
      %mul3A_953 = arith.mulf %sub3A_948, %sub3A_950 : vector<16xf32>
      %sub3A_954 = arith.subf %mul3A_952, %mul3A_953 : vector<16xf32>
      tpu.vector_store_idx %arg8[%broadcast_in_dim3A_780, %add3A_927], %sub3A_954 : memref<52x128xf32, #tpu.memory_space<vmem>>[vector<16xi32>, vector<16xi32>], vector<16xf32>,
      %mul3A_955 = arith.mulf %sub3A_948, %sub3A_949 : vector<16xf32>
      %mul3A_956 = arith.mulf %sub3A_946, %sub3A_951 : vector<16xf32>
      %sub3A_957 = arith.subf %mul3A_955, %mul3A_956 : vector<16xf32>
      tpu.vector_store_idx %arg9[%broadcast_in_dim3A_780, %add3A_927], %sub3A_957 : memref<52x128xf32, #tpu.memory_space<vmem>>[vector<16xi32>, vector<16xi32>], vector<16xf32>,
      %mul3A_958 = arith.mulf %sub3A_946, %sub3A_950 : vector<16xf32>
      %mul3A_959 = arith.mulf %sub3A_947, %sub3A_949 : vector<16xf32>
      %sub3A_960 = arith.subf %mul3A_958, %mul3A_959 : vector<16xf32>
      tpu.vector_store_idx %arg10[%broadcast_in_dim3A_780, %add3A_927], %sub3A_960 : memref<52x128xf32, #tpu.memory_space<vmem>>[vector<16xi32>, vector<16xi32>], vector<16xf32>,
      %add3A_961 = arith.constant 80 : i32
      %add3A_962 = vector.broadcast %add3A_961 : i32 to vector<16xi32>
      %add3A_963 = arith.addi %add3A_962, %iota3A : vector<16xi32>
      %get3A_964 = arith.constant 80 : index
      %get3A_965 = tpu.vector_load %arg20[%get3A_964] {strides = array<i32>} : memref<128xf32, #tpu.memory_space<vmem>>, vector<16xf32>,
      %get3A_966 = arith.constant 80 : index
      %get3A_967 = tpu.vector_load %arg21[%get3A_966] {strides = array<i32>} : memref<128xf32, #tpu.memory_space<vmem>>, vector<16xf32>,
      %get3A_968 = arith.constant 80 : index
      %get3A_969 = tpu.vector_load %arg22[%get3A_968] {strides = array<i32>} : memref<128xf32, #tpu.memory_space<vmem>>, vector<16xf32>,
      %get3A_970 = arith.constant 80 : index
      %get3A_971 = tpu.vector_load %arg23[%get3A_970] {strides = array<i32>} : memref<128xf32, #tpu.memory_space<vmem>>, vector<16xf32>,
      %get3A_972 = arith.constant 80 : index
      %get3A_973 = tpu.vector_load %arg24[%get3A_972] {strides = array<i32>} : memref<128xf32, #tpu.memory_space<vmem>>, vector<16xf32>,
      %get3A_974 = arith.constant 80 : index
      %get3A_975 = tpu.vector_load %arg25[%get3A_974] {strides = array<i32>} : memref<128xf32, #tpu.memory_space<vmem>>, vector<16xf32>,
      %get3A_976 = arith.constant 80 : index
      %get3A_977 = tpu.vector_load %arg26[%get3A_976] {strides = array<i32>} : memref<128xf32, #tpu.memory_space<vmem>>, vector<16xf32>,
      %get3A_978 = arith.constant 80 : index
      %get3A_979 = tpu.vector_load %arg27[%get3A_978] {strides = array<i32>} : memref<128xf32, #tpu.memory_space<vmem>>, vector<16xf32>,
      %get3A_980 = arith.constant 80 : index
      %get3A_981 = tpu.vector_load %arg28[%get3A_980] {strides = array<i32>} : memref<128xf32, #tpu.memory_space<vmem>>, vector<16xf32>,
      %sub3A_982 = arith.subf %get3A_977, %get3A_971 : vector<16xf32>
      %sub3A_983 = arith.subf %get3A_979, %get3A_973 : vector<16xf32>
      %sub3A_984 = arith.subf %get3A_981, %get3A_975 : vector<16xf32>
      %sub3A_985 = arith.subf %get3A_965, %get3A_971 : vector<16xf32>
      %sub3A_986 = arith.subf %get3A_967, %get3A_973 : vector<16xf32>
      %sub3A_987 = arith.subf %get3A_969, %get3A_975 : vector<16xf32>
      %mul3A_988 = arith.mulf %sub3A_983, %sub3A_987 : vector<16xf32>
      %mul3A_989 = arith.mulf %sub3A_984, %sub3A_986 : vector<16xf32>
      %sub3A_990 = arith.subf %mul3A_988, %mul3A_989 : vector<16xf32>
      tpu.vector_store_idx %arg8[%broadcast_in_dim3A_780, %add3A_963], %sub3A_990 : memref<52x128xf32, #tpu.memory_space<vmem>>[vector<16xi32>, vector<16xi32>], vector<16xf32>,
      %mul3A_991 = arith.mulf %sub3A_984, %sub3A_985 : vector<16xf32>
      %mul3A_992 = arith.mulf %sub3A_982, %sub3A_987 : vector<16xf32>
      %sub3A_993 = arith.subf %mul3A_991, %mul3A_992 : vector<16xf32>
      tpu.vector_store_idx %arg9[%broadcast_in_dim3A_780, %add3A_963], %sub3A_993 : memref<52x128xf32, #tpu.memory_space<vmem>>[vector<16xi32>, vector<16xi32>], vector<16xf32>,
      %mul3A_994 = arith.mulf %sub3A_982, %sub3A_986 : vector<16xf32>
      %mul3A_995 = arith.mulf %sub3A_983, %sub3A_985 : vector<16xf32>
      %sub3A_996 = arith.subf %mul3A_994, %mul3A_995 : vector<16xf32>
      tpu.vector_store_idx %arg10[%broadcast_in_dim3A_780, %add3A_963], %sub3A_996 : memref<52x128xf32, #tpu.memory_space<vmem>>[vector<16xi32>, vector<16xi32>], vector<16xf32>,
      %add3A_997 = arith.constant 96 : i32
      %add3A_998 = vector.broadcast %add3A_997 : i32 to vector<16xi32>
      %add3A_999 = arith.addi %add3A_998, %iota3A : vector<16xi32>
      %get3A_1000 = arith.constant 96 : index
      %get3A_1001 = tpu.vector_load %arg20[%get3A_1000] {strides = array<i32>} : memref<128xf32, #tpu.memory_space<vmem>>, vector<16xf32>,
      %get3A_1002 = arith.constant 96 : index
      %get3A_1003 = tpu.vector_load %arg21[%get3A_1002] {strides = array<i32>} : memref<128xf32, #tpu.memory_space<vmem>>, vector<16xf32>,
      %get3A_1004 = arith.constant 96 : index
      %get3A_1005 = tpu.vector_load %arg22[%get3A_1004] {strides = array<i32>} : memref<128xf32, #tpu.memory_space<vmem>>, vector<16xf32>,
      %get3A_1006 = arith.constant 96 : index
      %get3A_1007 = tpu.vector_load %arg23[%get3A_1006] {strides = array<i32>} : memref<128xf32, #tpu.memory_space<vmem>>, vector<16xf32>,
      %get3A_1008 = arith.constant 96 : index
      %get3A_1009 = tpu.vector_load %arg24[%get3A_1008] {strides = array<i32>} : memref<128xf32, #tpu.memory_space<vmem>>, vector<16xf32>,
      %get3A_1010 = arith.constant 96 : index
      %get3A_1011 = tpu.vector_load %arg25[%get3A_1010] {strides = array<i32>} : memref<128xf32, #tpu.memory_space<vmem>>, vector<16xf32>,
      %get3A_1012 = arith.constant 96 : index
      %get3A_1013 = tpu.vector_load %arg26[%get3A_1012] {strides = array<i32>} : memref<128xf32, #tpu.memory_space<vmem>>, vector<16xf32>,
      %get3A_1014 = arith.constant 96 : index
      %get3A_1015 = tpu.vector_load %arg27[%get3A_1014] {strides = array<i32>} : memref<128xf32, #tpu.memory_space<vmem>>, vector<16xf32>,
      %get3A_1016 = arith.constant 96 : index
      %get3A_1017 = tpu.vector_load %arg28[%get3A_1016] {strides = array<i32>} : memref<128xf32, #tpu.memory_space<vmem>>, vector<16xf32>,
      %sub3A_1018 = arith.subf %get3A_1013, %get3A_1007 : vector<16xf32>
      %sub3A_1019 = arith.subf %get3A_1015, %get3A_1009 : vector<16xf32>
      %sub3A_1020 = arith.subf %get3A_1017, %get3A_1011 : vector<16xf32>
      %sub3A_1021 = arith.subf %get3A_1001, %get3A_1007 : vector<16xf32>
      %sub3A_1022 = arith.subf %get3A_1003, %get3A_1009 : vector<16xf32>
      %sub3A_1023 = arith.subf %get3A_1005, %get3A_1011 : vector<16xf32>
      %mul3A_1024 = arith.mulf %sub3A_1019, %sub3A_1023 : vector<16xf32>
      %mul3A_1025 = arith.mulf %sub3A_1020, %sub3A_1022 : vector<16xf32>
      %sub3A_1026 = arith.subf %mul3A_1024, %mul3A_1025 : vector<16xf32>
      tpu.vector_store_idx %arg8[%broadcast_in_dim3A_780, %add3A_999], %sub3A_1026 : memref<52x128xf32, #tpu.memory_space<vmem>>[vector<16xi32>, vector<16xi32>], vector<16xf32>,
      %mul3A_1027 = arith.mulf %sub3A_1020, %sub3A_1021 : vector<16xf32>
      %mul3A_1028 = arith.mulf %sub3A_1018, %sub3A_1023 : vector<16xf32>
      %sub3A_1029 = arith.subf %mul3A_1027, %mul3A_1028 : vector<16xf32>
      tpu.vector_store_idx %arg9[%broadcast_in_dim3A_780, %add3A_999], %sub3A_1029 : memref<52x128xf32, #tpu.memory_space<vmem>>[vector<16xi32>, vector<16xi32>], vector<16xf32>,
      %mul3A_1030 = arith.mulf %sub3A_1018, %sub3A_1022 : vector<16xf32>
      %mul3A_1031 = arith.mulf %sub3A_1019, %sub3A_1021 : vector<16xf32>
      %sub3A_1032 = arith.subf %mul3A_1030, %mul3A_1031 : vector<16xf32>
      tpu.vector_store_idx %arg10[%broadcast_in_dim3A_780, %add3A_999], %sub3A_1032 : memref<52x128xf32, #tpu.memory_space<vmem>>[vector<16xi32>, vector<16xi32>], vector<16xf32>,
      %add3A_1033 = arith.constant 112 : i32
      %add3A_1034 = vector.broadcast %add3A_1033 : i32 to vector<16xi32>
      %add3A_1035 = arith.addi %add3A_1034, %iota3A : vector<16xi32>
      %get3A_1036 = arith.constant 112 : index
      %get3A_1037 = tpu.vector_load %arg20[%get3A_1036] {strides = array<i32>} : memref<128xf32, #tpu.memory_space<vmem>>, vector<16xf32>,
      %get3A_1038 = arith.constant 112 : index
      %get3A_1039 = tpu.vector_load %arg21[%get3A_1038] {strides = array<i32>} : memref<128xf32, #tpu.memory_space<vmem>>, vector<16xf32>,
      %get3A_1040 = arith.constant 112 : index
      %get3A_1041 = tpu.vector_load %arg22[%get3A_1040] {strides = array<i32>} : memref<128xf32, #tpu.memory_space<vmem>>, vector<16xf32>,
      %get3A_1042 = arith.constant 112 : index
      %get3A_1043 = tpu.vector_load %arg23[%get3A_1042] {strides = array<i32>} : memref<128xf32, #tpu.memory_space<vmem>>, vector<16xf32>,
      %get3A_1044 = arith.constant 112 : index
      %get3A_1045 = tpu.vector_load %arg24[%get3A_1044] {strides = array<i32>} : memref<128xf32, #tpu.memory_space<vmem>>, vector<16xf32>,
      %get3A_1046 = arith.constant 112 : index
      %get3A_1047 = tpu.vector_load %arg25[%get3A_1046] {strides = array<i32>} : memref<128xf32, #tpu.memory_space<vmem>>, vector<16xf32>,
      %get3A_1048 = arith.constant 112 : index
      %get3A_1049 = tpu.vector_load %arg26[%get3A_1048] {strides = array<i32>} : memref<128xf32, #tpu.memory_space<vmem>>, vector<16xf32>,
      %get3A_1050 = arith.constant 112 : index
      %get3A_1051 = tpu.vector_load %arg27[%get3A_1050] {strides = array<i32>} : memref<128xf32, #tpu.memory_space<vmem>>, vector<16xf32>,
      %get3A_1052 = arith.constant 112 : index
      %get3A_1053 = tpu.vector_load %arg28[%get3A_1052] {strides = array<i32>} : memref<128xf32, #tpu.memory_space<vmem>>, vector<16xf32>,
      %sub3A_1054 = arith.subf %get3A_1049, %get3A_1043 : vector<16xf32>
      %sub3A_1055 = arith.subf %get3A_1051, %get3A_1045 : vector<16xf32>
      %sub3A_1056 = arith.subf %get3A_1053, %get3A_1047 : vector<16xf32>
      %sub3A_1057 = arith.subf %get3A_1037, %get3A_1043 : vector<16xf32>
      %sub3A_1058 = arith.subf %get3A_1039, %get3A_1045 : vector<16xf32>
      %sub3A_1059 = arith.subf %get3A_1041, %get3A_1047 : vector<16xf32>
      %mul3A_1060 = arith.mulf %sub3A_1055, %sub3A_1059 : vector<16xf32>
      %mul3A_1061 = arith.mulf %sub3A_1056, %sub3A_1058 : vector<16xf32>
      %sub3A_1062 = arith.subf %mul3A_1060, %mul3A_1061 : vector<16xf32>
      tpu.vector_store_idx %arg8[%broadcast_in_dim3A_780, %add3A_1035], %sub3A_1062 : memref<52x128xf32, #tpu.memory_space<vmem>>[vector<16xi32>, vector<16xi32>], vector<16xf32>,
      %mul3A_1063 = arith.mulf %sub3A_1056, %sub3A_1057 : vector<16xf32>
      %mul3A_1064 = arith.mulf %sub3A_1054, %sub3A_1059 : vector<16xf32>
      %sub3A_1065 = arith.subf %mul3A_1063, %mul3A_1064 : vector<16xf32>
      tpu.vector_store_idx %arg9[%broadcast_in_dim3A_780, %add3A_1035], %sub3A_1065 : memref<52x128xf32, #tpu.memory_space<vmem>>[vector<16xi32>, vector<16xi32>], vector<16xf32>,
      %mul3A_1066 = arith.mulf %sub3A_1054, %sub3A_1058 : vector<16xf32>
      %mul3A_1067 = arith.mulf %sub3A_1055, %sub3A_1057 : vector<16xf32>
      %sub3A_1068 = arith.subf %mul3A_1066, %mul3A_1067 : vector<16xf32>
      tpu.vector_store_idx %arg10[%broadcast_in_dim3A_780, %add3A_1035], %sub3A_1068 : memref<52x128xf32, #tpu.memory_space<vmem>>[vector<16xi32>, vector<16xi32>], vector<16xf32>,
      %dma_start3A_1069 = arith.constant 0 : i32
      %dma_start3A_1070 = tpu.memref_slice %arg8[%add3A_281, %dma_start3A_1069] : memref<52x128xf32, #tpu.memory_space<vmem>> -> memref<1x128xf32, #tpu.memory_space<vmem>>
      %dma_start3A_1071 = tpu.memref_squeeze %dma_start3A_1070 : memref<1x128xf32, #tpu.memory_space<vmem>> -> memref<128xf32, #tpu.memory_space<vmem>>
      %dma_start3A_1072 = arith.constant 0 : i32
      %dma_start3A_1073 = tpu.memref_slice %arg5[%add3A_281, %dma_start3A_1072] : memref<52x128xi32, #tpu.memory_space<vmem>> -> memref<1x128xi32, #tpu.memory_space<vmem>>
      %dma_start3A_1074 = tpu.memref_squeeze %dma_start3A_1073 : memref<1x128xi32, #tpu.memory_space<vmem>> -> memref<128xi32, #tpu.memory_space<vmem>>
      %dma_start3A_1075 = arith.constant 0 : i32
      %dma_start3A_1076 = tpu.memref_slice %arg33[%dma_start3A_1075] : memref<100352xf32, #tpu.memory_space<vmem_shared>> -> memref<100352xf32, #tpu.memory_space<vmem_shared>>
      tpu.enqueue_indirect_dma source(%dma_start3A_1071 : memref<128xf32, #tpu.memory_space<vmem>>) target(%dma_start3A_1076 : memref<100352xf32, #tpu.memory_space<vmem_shared>>) offsets(%dma_start3A_1074 : memref<128xi32, #tpu.memory_space<vmem>>) semaphore(%arg38 : memref<!tpu.dma_semaphore, #tpu.memory_space<semaphore_mem>>) {add = true}
      %dma_start3A_1077 = arith.constant 0 : i32
      %dma_start3A_1078 = tpu.memref_slice %arg9[%add3A_281, %dma_start3A_1077] : memref<52x128xf32, #tpu.memory_space<vmem>> -> memref<1x128xf32, #tpu.memory_space<vmem>>
      %dma_start3A_1079 = tpu.memref_squeeze %dma_start3A_1078 : memref<1x128xf32, #tpu.memory_space<vmem>> -> memref<128xf32, #tpu.memory_space<vmem>>
      %dma_start3A_1080 = arith.constant 0 : i32
      %dma_start3A_1081 = tpu.memref_slice %arg5[%add3A_281, %dma_start3A_1080] : memref<52x128xi32, #tpu.memory_space<vmem>> -> memref<1x128xi32, #tpu.memory_space<vmem>>
      %dma_start3A_1082 = tpu.memref_squeeze %dma_start3A_1081 : memref<1x128xi32, #tpu.memory_space<vmem>> -> memref<128xi32, #tpu.memory_space<vmem>>
      %dma_start3A_1083 = arith.constant 0 : i32
      %dma_start3A_1084 = tpu.memref_slice %arg34[%dma_start3A_1083] : memref<100352xf32, #tpu.memory_space<vmem_shared>> -> memref<100352xf32, #tpu.memory_space<vmem_shared>>
      tpu.enqueue_indirect_dma source(%dma_start3A_1079 : memref<128xf32, #tpu.memory_space<vmem>>) target(%dma_start3A_1084 : memref<100352xf32, #tpu.memory_space<vmem_shared>>) offsets(%dma_start3A_1082 : memref<128xi32, #tpu.memory_space<vmem>>) semaphore(%arg38 : memref<!tpu.dma_semaphore, #tpu.memory_space<semaphore_mem>>) {add = true}
      %dma_start3A_1085 = arith.constant 0 : i32
      %dma_start3A_1086 = tpu.memref_slice %arg10[%add3A_281, %dma_start3A_1085] : memref<52x128xf32, #tpu.memory_space<vmem>> -> memref<1x128xf32, #tpu.memory_space<vmem>>
      %dma_start3A_1087 = tpu.memref_squeeze %dma_start3A_1086 : memref<1x128xf32, #tpu.memory_space<vmem>> -> memref<128xf32, #tpu.memory_space<vmem>>
      %dma_start3A_1088 = arith.constant 0 : i32
      %dma_start3A_1089 = tpu.memref_slice %arg5[%add3A_281, %dma_start3A_1088] : memref<52x128xi32, #tpu.memory_space<vmem>> -> memref<1x128xi32, #tpu.memory_space<vmem>>
      %dma_start3A_1090 = tpu.memref_squeeze %dma_start3A_1089 : memref<1x128xi32, #tpu.memory_space<vmem>> -> memref<128xi32, #tpu.memory_space<vmem>>
      %dma_start3A_1091 = arith.constant 0 : i32
      %dma_start3A_1092 = tpu.memref_slice %arg35[%dma_start3A_1091] : memref<100352xf32, #tpu.memory_space<vmem_shared>> -> memref<100352xf32, #tpu.memory_space<vmem_shared>>
      tpu.enqueue_indirect_dma source(%dma_start3A_1087 : memref<128xf32, #tpu.memory_space<vmem>>) target(%dma_start3A_1092 : memref<100352xf32, #tpu.memory_space<vmem_shared>>) offsets(%dma_start3A_1090 : memref<128xi32, #tpu.memory_space<vmem>>) semaphore(%arg38 : memref<!tpu.dma_semaphore, #tpu.memory_space<semaphore_mem>>) {add = true}
      %dma_start3A_1093 = arith.constant 0 : i32
      %dma_start3A_1094 = tpu.memref_slice %arg8[%add3A_281, %dma_start3A_1093] : memref<52x128xf32, #tpu.memory_space<vmem>> -> memref<1x128xf32, #tpu.memory_space<vmem>>
      %dma_start3A_1095 = tpu.memref_squeeze %dma_start3A_1094 : memref<1x128xf32, #tpu.memory_space<vmem>> -> memref<128xf32, #tpu.memory_space<vmem>>
      %dma_start3A_1096 = arith.constant 0 : i32
      %dma_start3A_1097 = tpu.memref_slice %arg6[%add3A_281, %dma_start3A_1096] : memref<52x128xi32, #tpu.memory_space<vmem>> -> memref<1x128xi32, #tpu.memory_space<vmem>>
      %dma_start3A_1098 = tpu.memref_squeeze %dma_start3A_1097 : memref<1x128xi32, #tpu.memory_space<vmem>> -> memref<128xi32, #tpu.memory_space<vmem>>
      %dma_start3A_1099 = arith.constant 0 : i32
      %dma_start3A_1100 = tpu.memref_slice %arg33[%dma_start3A_1099] : memref<100352xf32, #tpu.memory_space<vmem_shared>> -> memref<100352xf32, #tpu.memory_space<vmem_shared>>
      tpu.enqueue_indirect_dma source(%dma_start3A_1095 : memref<128xf32, #tpu.memory_space<vmem>>) target(%dma_start3A_1100 : memref<100352xf32, #tpu.memory_space<vmem_shared>>) offsets(%dma_start3A_1098 : memref<128xi32, #tpu.memory_space<vmem>>) semaphore(%arg38 : memref<!tpu.dma_semaphore, #tpu.memory_space<semaphore_mem>>) {add = true}
      %dma_start3A_1101 = arith.constant 0 : i32
      %dma_start3A_1102 = tpu.memref_slice %arg9[%add3A_281, %dma_start3A_1101] : memref<52x128xf32, #tpu.memory_space<vmem>> -> memref<1x128xf32, #tpu.memory_space<vmem>>
      %dma_start3A_1103 = tpu.memref_squeeze %dma_start3A_1102 : memref<1x128xf32, #tpu.memory_space<vmem>> -> memref<128xf32, #tpu.memory_space<vmem>>
      %dma_start3A_1104 = arith.constant 0 : i32
      %dma_start3A_1105 = tpu.memref_slice %arg6[%add3A_281, %dma_start3A_1104] : memref<52x128xi32, #tpu.memory_space<vmem>> -> memref<1x128xi32, #tpu.memory_space<vmem>>
      %dma_start3A_1106 = tpu.memref_squeeze %dma_start3A_1105 : memref<1x128xi32, #tpu.memory_space<vmem>> -> memref<128xi32, #tpu.memory_space<vmem>>
      %dma_start3A_1107 = arith.constant 0 : i32
      %dma_start3A_1108 = tpu.memref_slice %arg34[%dma_start3A_1107] : memref<100352xf32, #tpu.memory_space<vmem_shared>> -> memref<100352xf32, #tpu.memory_space<vmem_shared>>
      tpu.enqueue_indirect_dma source(%dma_start3A_1103 : memref<128xf32, #tpu.memory_space<vmem>>) target(%dma_start3A_1108 : memref<100352xf32, #tpu.memory_space<vmem_shared>>) offsets(%dma_start3A_1106 : memref<128xi32, #tpu.memory_space<vmem>>) semaphore(%arg38 : memref<!tpu.dma_semaphore, #tpu.memory_space<semaphore_mem>>) {add = true}
      %dma_start3A_1109 = arith.constant 0 : i32
      %dma_start3A_1110 = tpu.memref_slice %arg10[%add3A_281, %dma_start3A_1109] : memref<52x128xf32, #tpu.memory_space<vmem>> -> memref<1x128xf32, #tpu.memory_space<vmem>>
      %dma_start3A_1111 = tpu.memref_squeeze %dma_start3A_1110 : memref<1x128xf32, #tpu.memory_space<vmem>> -> memref<128xf32, #tpu.memory_space<vmem>>
      %dma_start3A_1112 = arith.constant 0 : i32
      %dma_start3A_1113 = tpu.memref_slice %arg6[%add3A_281, %dma_start3A_1112] : memref<52x128xi32, #tpu.memory_space<vmem>> -> memref<1x128xi32, #tpu.memory_space<vmem>>
      %dma_start3A_1114 = tpu.memref_squeeze %dma_start3A_1113 : memref<1x128xi32, #tpu.memory_space<vmem>> -> memref<128xi32, #tpu.memory_space<vmem>>
      %dma_start3A_1115 = arith.constant 0 : i32
      %dma_start3A_1116 = tpu.memref_slice %arg35[%dma_start3A_1115] : memref<100352xf32, #tpu.memory_space<vmem_shared>> -> memref<100352xf32, #tpu.memory_space<vmem_shared>>
      tpu.enqueue_indirect_dma source(%dma_start3A_1111 : memref<128xf32, #tpu.memory_space<vmem>>) target(%dma_start3A_1116 : memref<100352xf32, #tpu.memory_space<vmem_shared>>) offsets(%dma_start3A_1114 : memref<128xi32, #tpu.memory_space<vmem>>) semaphore(%arg38 : memref<!tpu.dma_semaphore, #tpu.memory_space<semaphore_mem>>) {add = true}
      %dma_start3A_1117 = arith.constant 0 : i32
      %dma_start3A_1118 = tpu.memref_slice %arg8[%add3A_281, %dma_start3A_1117] : memref<52x128xf32, #tpu.memory_space<vmem>> -> memref<1x128xf32, #tpu.memory_space<vmem>>
      %dma_start3A_1119 = tpu.memref_squeeze %dma_start3A_1118 : memref<1x128xf32, #tpu.memory_space<vmem>> -> memref<128xf32, #tpu.memory_space<vmem>>
      %dma_start3A_1120 = arith.constant 0 : i32
      %dma_start3A_1121 = tpu.memref_slice %arg7[%add3A_281, %dma_start3A_1120] : memref<52x128xi32, #tpu.memory_space<vmem>> -> memref<1x128xi32, #tpu.memory_space<vmem>>
      %dma_start3A_1122 = tpu.memref_squeeze %dma_start3A_1121 : memref<1x128xi32, #tpu.memory_space<vmem>> -> memref<128xi32, #tpu.memory_space<vmem>>
      %dma_start3A_1123 = arith.constant 0 : i32
      %dma_start3A_1124 = tpu.memref_slice %arg33[%dma_start3A_1123] : memref<100352xf32, #tpu.memory_space<vmem_shared>> -> memref<100352xf32, #tpu.memory_space<vmem_shared>>
      tpu.enqueue_indirect_dma source(%dma_start3A_1119 : memref<128xf32, #tpu.memory_space<vmem>>) target(%dma_start3A_1124 : memref<100352xf32, #tpu.memory_space<vmem_shared>>) offsets(%dma_start3A_1122 : memref<128xi32, #tpu.memory_space<vmem>>) semaphore(%arg38 : memref<!tpu.dma_semaphore, #tpu.memory_space<semaphore_mem>>) {add = true}
      %dma_start3A_1125 = arith.constant 0 : i32
      %dma_start3A_1126 = tpu.memref_slice %arg9[%add3A_281, %dma_start3A_1125] : memref<52x128xf32, #tpu.memory_space<vmem>> -> memref<1x128xf32, #tpu.memory_space<vmem>>
      %dma_start3A_1127 = tpu.memref_squeeze %dma_start3A_1126 : memref<1x128xf32, #tpu.memory_space<vmem>> -> memref<128xf32, #tpu.memory_space<vmem>>
      %dma_start3A_1128 = arith.constant 0 : i32
      %dma_start3A_1129 = tpu.memref_slice %arg7[%add3A_281, %dma_start3A_1128] : memref<52x128xi32, #tpu.memory_space<vmem>> -> memref<1x128xi32, #tpu.memory_space<vmem>>
      %dma_start3A_1130 = tpu.memref_squeeze %dma_start3A_1129 : memref<1x128xi32, #tpu.memory_space<vmem>> -> memref<128xi32, #tpu.memory_space<vmem>>
      %dma_start3A_1131 = arith.constant 0 : i32
      %dma_start3A_1132 = tpu.memref_slice %arg34[%dma_start3A_1131] : memref<100352xf32, #tpu.memory_space<vmem_shared>> -> memref<100352xf32, #tpu.memory_space<vmem_shared>>
      tpu.enqueue_indirect_dma source(%dma_start3A_1127 : memref<128xf32, #tpu.memory_space<vmem>>) target(%dma_start3A_1132 : memref<100352xf32, #tpu.memory_space<vmem_shared>>) offsets(%dma_start3A_1130 : memref<128xi32, #tpu.memory_space<vmem>>) semaphore(%arg38 : memref<!tpu.dma_semaphore, #tpu.memory_space<semaphore_mem>>) {add = true}
      %dma_start3A_1133 = arith.constant 0 : i32
      %dma_start3A_1134 = tpu.memref_slice %arg10[%add3A_281, %dma_start3A_1133] : memref<52x128xf32, #tpu.memory_space<vmem>> -> memref<1x128xf32, #tpu.memory_space<vmem>>
      %dma_start3A_1135 = tpu.memref_squeeze %dma_start3A_1134 : memref<1x128xf32, #tpu.memory_space<vmem>> -> memref<128xf32, #tpu.memory_space<vmem>>
      %dma_start3A_1136 = arith.constant 0 : i32
      %dma_start3A_1137 = tpu.memref_slice %arg7[%add3A_281, %dma_start3A_1136] : memref<52x128xi32, #tpu.memory_space<vmem>> -> memref<1x128xi32, #tpu.memory_space<vmem>>
      %dma_start3A_1138 = tpu.memref_squeeze %dma_start3A_1137 : memref<1x128xi32, #tpu.memory_space<vmem>> -> memref<128xi32, #tpu.memory_space<vmem>>
      %dma_start3A_1139 = arith.constant 0 : i32
      %dma_start3A_1140 = tpu.memref_slice %arg35[%dma_start3A_1139] : memref<100352xf32, #tpu.memory_space<vmem_shared>> -> memref<100352xf32, #tpu.memory_space<vmem_shared>>
      tpu.enqueue_indirect_dma source(%dma_start3A_1135 : memref<128xf32, #tpu.memory_space<vmem>>) target(%dma_start3A_1140 : memref<100352xf32, #tpu.memory_space<vmem_shared>>) offsets(%dma_start3A_1138 : memref<128xi32, #tpu.memory_space<vmem>>) semaphore(%arg38 : memref<!tpu.dma_semaphore, #tpu.memory_space<semaphore_mem>>) {add = true}
      %ge3A = arith.constant 1 : i32
      %ge3A_1141 = arith.cmpi sge, %scan3A_275, %ge3A : i32
      %convert_element_type3A_1142 = arith.extui %ge3A_1141 : i1 to i32
      %cond3A_1143 = arith.constant 0 : i32
      %cond3A_1144 = arith.cmpi ne, %convert_element_type3A_1142, %cond3A_1143 : i32
      scf.if %cond3A_1144 {
        %mul3A_1145 = arith.constant 2 : i32
        %mul3A_1146 = arith.muli %mul3A_1145, %scan3A_275 : i32
        %sub3A_1147 = arith.constant 2 : i32
        %sub3A_1148 = arith.subi %mul3A_1146, %sub3A_1147 : i32
        %dma_wait3A_1149 = arith.constant 0 : i32
        %dma_wait3A_1150 = tpu.memref_slice %arg8[%sub3A_1148, %dma_wait3A_1149] : memref<52x128xf32, #tpu.memory_space<vmem>> -> memref<1x128xf32, #tpu.memory_space<vmem>>
        %dma_wait3A_1151 = tpu.memref_squeeze %dma_wait3A_1150 : memref<1x128xf32, #tpu.memory_space<vmem>> -> memref<128xf32, #tpu.memory_space<vmem>>
        %dma_wait3A_1152 = arith.constant 0 : i32
        %dma_wait3A_1153 = tpu.memref_slice %arg5[%sub3A_1148, %dma_wait3A_1152] : memref<52x128xi32, #tpu.memory_space<vmem>> -> memref<1x128xi32, #tpu.memory_space<vmem>>
        %dma_wait3A_1154 = tpu.memref_squeeze %dma_wait3A_1153 : memref<1x128xi32, #tpu.memory_space<vmem>> -> memref<128xi32, #tpu.memory_space<vmem>>
        %dma_wait3A_1155 = arith.constant 0 : i32
        %dma_wait3A_1156 = tpu.memref_slice %arg33[%dma_wait3A_1155] : memref<100352xf32, #tpu.memory_space<vmem_shared>> -> memref<100352xf32, #tpu.memory_space<vmem_shared>>
        tpu.wait_indirect_dma semaphore(%arg38 : memref<!tpu.dma_semaphore, #tpu.memory_space<semaphore_mem>>) src(%dma_wait3A_1151 : memref<128xf32, #tpu.memory_space<vmem>>) dst(%dma_wait3A_1156 : memref<100352xf32, #tpu.memory_space<vmem_shared>>)
        %dma_wait3A_1157 = arith.constant 0 : i32
        %dma_wait3A_1158 = tpu.memref_slice %arg9[%sub3A_1148, %dma_wait3A_1157] : memref<52x128xf32, #tpu.memory_space<vmem>> -> memref<1x128xf32, #tpu.memory_space<vmem>>
        %dma_wait3A_1159 = tpu.memref_squeeze %dma_wait3A_1158 : memref<1x128xf32, #tpu.memory_space<vmem>> -> memref<128xf32, #tpu.memory_space<vmem>>
        %dma_wait3A_1160 = arith.constant 0 : i32
        %dma_wait3A_1161 = tpu.memref_slice %arg5[%sub3A_1148, %dma_wait3A_1160] : memref<52x128xi32, #tpu.memory_space<vmem>> -> memref<1x128xi32, #tpu.memory_space<vmem>>
        %dma_wait3A_1162 = tpu.memref_squeeze %dma_wait3A_1161 : memref<1x128xi32, #tpu.memory_space<vmem>> -> memref<128xi32, #tpu.memory_space<vmem>>
        %dma_wait3A_1163 = arith.constant 0 : i32
        %dma_wait3A_1164 = tpu.memref_slice %arg34[%dma_wait3A_1163] : memref<100352xf32, #tpu.memory_space<vmem_shared>> -> memref<100352xf32, #tpu.memory_space<vmem_shared>>
        tpu.wait_indirect_dma semaphore(%arg38 : memref<!tpu.dma_semaphore, #tpu.memory_space<semaphore_mem>>) src(%dma_wait3A_1159 : memref<128xf32, #tpu.memory_space<vmem>>) dst(%dma_wait3A_1164 : memref<100352xf32, #tpu.memory_space<vmem_shared>>)
        %dma_wait3A_1165 = arith.constant 0 : i32
        %dma_wait3A_1166 = tpu.memref_slice %arg10[%sub3A_1148, %dma_wait3A_1165] : memref<52x128xf32, #tpu.memory_space<vmem>> -> memref<1x128xf32, #tpu.memory_space<vmem>>
        %dma_wait3A_1167 = tpu.memref_squeeze %dma_wait3A_1166 : memref<1x128xf32, #tpu.memory_space<vmem>> -> memref<128xf32, #tpu.memory_space<vmem>>
        %dma_wait3A_1168 = arith.constant 0 : i32
        %dma_wait3A_1169 = tpu.memref_slice %arg5[%sub3A_1148, %dma_wait3A_1168] : memref<52x128xi32, #tpu.memory_space<vmem>> -> memref<1x128xi32, #tpu.memory_space<vmem>>
        %dma_wait3A_1170 = tpu.memref_squeeze %dma_wait3A_1169 : memref<1x128xi32, #tpu.memory_space<vmem>> -> memref<128xi32, #tpu.memory_space<vmem>>
        %dma_wait3A_1171 = arith.constant 0 : i32
        %dma_wait3A_1172 = tpu.memref_slice %arg35[%dma_wait3A_1171] : memref<100352xf32, #tpu.memory_space<vmem_shared>> -> memref<100352xf32, #tpu.memory_space<vmem_shared>>
        tpu.wait_indirect_dma semaphore(%arg38 : memref<!tpu.dma_semaphore, #tpu.memory_space<semaphore_mem>>) src(%dma_wait3A_1167 : memref<128xf32, #tpu.memory_space<vmem>>) dst(%dma_wait3A_1172 : memref<100352xf32, #tpu.memory_space<vmem_shared>>)
        %dma_wait3A_1173 = arith.constant 0 : i32
        %dma_wait3A_1174 = tpu.memref_slice %arg8[%sub3A_1148, %dma_wait3A_1173] : memref<52x128xf32, #tpu.memory_space<vmem>> -> memref<1x128xf32, #tpu.memory_space<vmem>>
        %dma_wait3A_1175 = tpu.memref_squeeze %dma_wait3A_1174 : memref<1x128xf32, #tpu.memory_space<vmem>> -> memref<128xf32, #tpu.memory_space<vmem>>
        %dma_wait3A_1176 = arith.constant 0 : i32
        %dma_wait3A_1177 = tpu.memref_slice %arg6[%sub3A_1148, %dma_wait3A_1176] : memref<52x128xi32, #tpu.memory_space<vmem>> -> memref<1x128xi32, #tpu.memory_space<vmem>>
        %dma_wait3A_1178 = tpu.memref_squeeze %dma_wait3A_1177 : memref<1x128xi32, #tpu.memory_space<vmem>> -> memref<128xi32, #tpu.memory_space<vmem>>
        %dma_wait3A_1179 = arith.constant 0 : i32
        %dma_wait3A_1180 = tpu.memref_slice %arg33[%dma_wait3A_1179] : memref<100352xf32, #tpu.memory_space<vmem_shared>> -> memref<100352xf32, #tpu.memory_space<vmem_shared>>
        tpu.wait_indirect_dma semaphore(%arg38 : memref<!tpu.dma_semaphore, #tpu.memory_space<semaphore_mem>>) src(%dma_wait3A_1175 : memref<128xf32, #tpu.memory_space<vmem>>) dst(%dma_wait3A_1180 : memref<100352xf32, #tpu.memory_space<vmem_shared>>)
        %dma_wait3A_1181 = arith.constant 0 : i32
        %dma_wait3A_1182 = tpu.memref_slice %arg9[%sub3A_1148, %dma_wait3A_1181] : memref<52x128xf32, #tpu.memory_space<vmem>> -> memref<1x128xf32, #tpu.memory_space<vmem>>
        %dma_wait3A_1183 = tpu.memref_squeeze %dma_wait3A_1182 : memref<1x128xf32, #tpu.memory_space<vmem>> -> memref<128xf32, #tpu.memory_space<vmem>>
        %dma_wait3A_1184 = arith.constant 0 : i32
        %dma_wait3A_1185 = tpu.memref_slice %arg6[%sub3A_1148, %dma_wait3A_1184] : memref<52x128xi32, #tpu.memory_space<vmem>> -> memref<1x128xi32, #tpu.memory_space<vmem>>
        %dma_wait3A_1186 = tpu.memref_squeeze %dma_wait3A_1185 : memref<1x128xi32, #tpu.memory_space<vmem>> -> memref<128xi32, #tpu.memory_space<vmem>>
        %dma_wait3A_1187 = arith.constant 0 : i32
        %dma_wait3A_1188 = tpu.memref_slice %arg34[%dma_wait3A_1187] : memref<100352xf32, #tpu.memory_space<vmem_shared>> -> memref<100352xf32, #tpu.memory_space<vmem_shared>>
        tpu.wait_indirect_dma semaphore(%arg38 : memref<!tpu.dma_semaphore, #tpu.memory_space<semaphore_mem>>) src(%dma_wait3A_1183 : memref<128xf32, #tpu.memory_space<vmem>>) dst(%dma_wait3A_1188 : memref<100352xf32, #tpu.memory_space<vmem_shared>>)
        %dma_wait3A_1189 = arith.constant 0 : i32
        %dma_wait3A_1190 = tpu.memref_slice %arg10[%sub3A_1148, %dma_wait3A_1189] : memref<52x128xf32, #tpu.memory_space<vmem>> -> memref<1x128xf32, #tpu.memory_space<vmem>>
        %dma_wait3A_1191 = tpu.memref_squeeze %dma_wait3A_1190 : memref<1x128xf32, #tpu.memory_space<vmem>> -> memref<128xf32, #tpu.memory_space<vmem>>
        %dma_wait3A_1192 = arith.constant 0 : i32
        %dma_wait3A_1193 = tpu.memref_slice %arg6[%sub3A_1148, %dma_wait3A_1192] : memref<52x128xi32, #tpu.memory_space<vmem>> -> memref<1x128xi32, #tpu.memory_space<vmem>>
        %dma_wait3A_1194 = tpu.memref_squeeze %dma_wait3A_1193 : memref<1x128xi32, #tpu.memory_space<vmem>> -> memref<128xi32, #tpu.memory_space<vmem>>
        %dma_wait3A_1195 = arith.constant 0 : i32
        %dma_wait3A_1196 = tpu.memref_slice %arg35[%dma_wait3A_1195] : memref<100352xf32, #tpu.memory_space<vmem_shared>> -> memref<100352xf32, #tpu.memory_space<vmem_shared>>
        tpu.wait_indirect_dma semaphore(%arg38 : memref<!tpu.dma_semaphore, #tpu.memory_space<semaphore_mem>>) src(%dma_wait3A_1191 : memref<128xf32, #tpu.memory_space<vmem>>) dst(%dma_wait3A_1196 : memref<100352xf32, #tpu.memory_space<vmem_shared>>)
        %dma_wait3A_1197 = arith.constant 0 : i32
        %dma_wait3A_1198 = tpu.memref_slice %arg8[%sub3A_1148, %dma_wait3A_1197] : memref<52x128xf32, #tpu.memory_space<vmem>> -> memref<1x128xf32, #tpu.memory_space<vmem>>
        %dma_wait3A_1199 = tpu.memref_squeeze %dma_wait3A_1198 : memref<1x128xf32, #tpu.memory_space<vmem>> -> memref<128xf32, #tpu.memory_space<vmem>>
        %dma_wait3A_1200 = arith.constant 0 : i32
        %dma_wait3A_1201 = tpu.memref_slice %arg7[%sub3A_1148, %dma_wait3A_1200] : memref<52x128xi32, #tpu.memory_space<vmem>> -> memref<1x128xi32, #tpu.memory_space<vmem>>
        %dma_wait3A_1202 = tpu.memref_squeeze %dma_wait3A_1201 : memref<1x128xi32, #tpu.memory_space<vmem>> -> memref<128xi32, #tpu.memory_space<vmem>>
        %dma_wait3A_1203 = arith.constant 0 : i32
        %dma_wait3A_1204 = tpu.memref_slice %arg33[%dma_wait3A_1203] : memref<100352xf32, #tpu.memory_space<vmem_shared>> -> memref<100352xf32, #tpu.memory_space<vmem_shared>>
        tpu.wait_indirect_dma semaphore(%arg38 : memref<!tpu.dma_semaphore, #tpu.memory_space<semaphore_mem>>) src(%dma_wait3A_1199 : memref<128xf32, #tpu.memory_space<vmem>>) dst(%dma_wait3A_1204 : memref<100352xf32, #tpu.memory_space<vmem_shared>>)
        %dma_wait3A_1205 = arith.constant 0 : i32
        %dma_wait3A_1206 = tpu.memref_slice %arg9[%sub3A_1148, %dma_wait3A_1205] : memref<52x128xf32, #tpu.memory_space<vmem>> -> memref<1x128xf32, #tpu.memory_space<vmem>>
        %dma_wait3A_1207 = tpu.memref_squeeze %dma_wait3A_1206 : memref<1x128xf32, #tpu.memory_space<vmem>> -> memref<128xf32, #tpu.memory_space<vmem>>
        %dma_wait3A_1208 = arith.constant 0 : i32
        %dma_wait3A_1209 = tpu.memref_slice %arg7[%sub3A_1148, %dma_wait3A_1208] : memref<52x128xi32, #tpu.memory_space<vmem>> -> memref<1x128xi32, #tpu.memory_space<vmem>>
        %dma_wait3A_1210 = tpu.memref_squeeze %dma_wait3A_1209 : memref<1x128xi32, #tpu.memory_space<vmem>> -> memref<128xi32, #tpu.memory_space<vmem>>
        %dma_wait3A_1211 = arith.constant 0 : i32
        %dma_wait3A_1212 = tpu.memref_slice %arg34[%dma_wait3A_1211] : memref<100352xf32, #tpu.memory_space<vmem_shared>> -> memref<100352xf32, #tpu.memory_space<vmem_shared>>
        tpu.wait_indirect_dma semaphore(%arg38 : memref<!tpu.dma_semaphore, #tpu.memory_space<semaphore_mem>>) src(%dma_wait3A_1207 : memref<128xf32, #tpu.memory_space<vmem>>) dst(%dma_wait3A_1212 : memref<100352xf32, #tpu.memory_space<vmem_shared>>)
        %dma_wait3A_1213 = arith.constant 0 : i32
        %dma_wait3A_1214 = tpu.memref_slice %arg10[%sub3A_1148, %dma_wait3A_1213] : memref<52x128xf32, #tpu.memory_space<vmem>> -> memref<1x128xf32, #tpu.memory_space<vmem>>
        %dma_wait3A_1215 = tpu.memref_squeeze %dma_wait3A_1214 : memref<1x128xf32, #tpu.memory_space<vmem>> -> memref<128xf32, #tpu.memory_space<vmem>>
        %dma_wait3A_1216 = arith.constant 0 : i32
        %dma_wait3A_1217 = tpu.memref_slice %arg7[%sub3A_1148, %dma_wait3A_1216] : memref<52x128xi32, #tpu.memory_space<vmem>> -> memref<1x128xi32, #tpu.memory_space<vmem>>
        %dma_wait3A_1218 = tpu.memref_squeeze %dma_wait3A_1217 : memref<1x128xi32, #tpu.memory_space<vmem>> -> memref<128xi32, #tpu.memory_space<vmem>>
        %dma_wait3A_1219 = arith.constant 0 : i32
        %dma_wait3A_1220 = tpu.memref_slice %arg35[%dma_wait3A_1219] : memref<100352xf32, #tpu.memory_space<vmem_shared>> -> memref<100352xf32, #tpu.memory_space<vmem_shared>>
        tpu.wait_indirect_dma semaphore(%arg38 : memref<!tpu.dma_semaphore, #tpu.memory_space<semaphore_mem>>) src(%dma_wait3A_1215 : memref<128xf32, #tpu.memory_space<vmem>>) dst(%dma_wait3A_1220 : memref<100352xf32, #tpu.memory_space<vmem_shared>>)
        %mul3A_1221 = arith.constant 2 : i32
        %mul3A_1222 = arith.muli %mul3A_1221, %scan3A_275 : i32
        %sub3A_1223 = arith.constant 1 : i32
        %sub3A_1224 = arith.subi %mul3A_1222, %sub3A_1223 : i32
        %dma_wait3A_1225 = arith.constant 0 : i32
        %dma_wait3A_1226 = tpu.memref_slice %arg8[%sub3A_1224, %dma_wait3A_1225] : memref<52x128xf32, #tpu.memory_space<vmem>> -> memref<1x128xf32, #tpu.memory_space<vmem>>
        %dma_wait3A_1227 = tpu.memref_squeeze %dma_wait3A_1226 : memref<1x128xf32, #tpu.memory_space<vmem>> -> memref<128xf32, #tpu.memory_space<vmem>>
        %dma_wait3A_1228 = arith.constant 0 : i32
        %dma_wait3A_1229 = tpu.memref_slice %arg5[%sub3A_1224, %dma_wait3A_1228] : memref<52x128xi32, #tpu.memory_space<vmem>> -> memref<1x128xi32, #tpu.memory_space<vmem>>
        %dma_wait3A_1230 = tpu.memref_squeeze %dma_wait3A_1229 : memref<1x128xi32, #tpu.memory_space<vmem>> -> memref<128xi32, #tpu.memory_space<vmem>>
        %dma_wait3A_1231 = arith.constant 0 : i32
        %dma_wait3A_1232 = tpu.memref_slice %arg33[%dma_wait3A_1231] : memref<100352xf32, #tpu.memory_space<vmem_shared>> -> memref<100352xf32, #tpu.memory_space<vmem_shared>>
        tpu.wait_indirect_dma semaphore(%arg38 : memref<!tpu.dma_semaphore, #tpu.memory_space<semaphore_mem>>) src(%dma_wait3A_1227 : memref<128xf32, #tpu.memory_space<vmem>>) dst(%dma_wait3A_1232 : memref<100352xf32, #tpu.memory_space<vmem_shared>>)
        %dma_wait3A_1233 = arith.constant 0 : i32
        %dma_wait3A_1234 = tpu.memref_slice %arg9[%sub3A_1224, %dma_wait3A_1233] : memref<52x128xf32, #tpu.memory_space<vmem>> -> memref<1x128xf32, #tpu.memory_space<vmem>>
        %dma_wait3A_1235 = tpu.memref_squeeze %dma_wait3A_1234 : memref<1x128xf32, #tpu.memory_space<vmem>> -> memref<128xf32, #tpu.memory_space<vmem>>
        %dma_wait3A_1236 = arith.constant 0 : i32
        %dma_wait3A_1237 = tpu.memref_slice %arg5[%sub3A_1224, %dma_wait3A_1236] : memref<52x128xi32, #tpu.memory_space<vmem>> -> memref<1x128xi32, #tpu.memory_space<vmem>>
        %dma_wait3A_1238 = tpu.memref_squeeze %dma_wait3A_1237 : memref<1x128xi32, #tpu.memory_space<vmem>> -> memref<128xi32, #tpu.memory_space<vmem>>
        %dma_wait3A_1239 = arith.constant 0 : i32
        %dma_wait3A_1240 = tpu.memref_slice %arg34[%dma_wait3A_1239] : memref<100352xf32, #tpu.memory_space<vmem_shared>> -> memref<100352xf32, #tpu.memory_space<vmem_shared>>
        tpu.wait_indirect_dma semaphore(%arg38 : memref<!tpu.dma_semaphore, #tpu.memory_space<semaphore_mem>>) src(%dma_wait3A_1235 : memref<128xf32, #tpu.memory_space<vmem>>) dst(%dma_wait3A_1240 : memref<100352xf32, #tpu.memory_space<vmem_shared>>)
        %dma_wait3A_1241 = arith.constant 0 : i32
        %dma_wait3A_1242 = tpu.memref_slice %arg10[%sub3A_1224, %dma_wait3A_1241] : memref<52x128xf32, #tpu.memory_space<vmem>> -> memref<1x128xf32, #tpu.memory_space<vmem>>
        %dma_wait3A_1243 = tpu.memref_squeeze %dma_wait3A_1242 : memref<1x128xf32, #tpu.memory_space<vmem>> -> memref<128xf32, #tpu.memory_space<vmem>>
        %dma_wait3A_1244 = arith.constant 0 : i32
        %dma_wait3A_1245 = tpu.memref_slice %arg5[%sub3A_1224, %dma_wait3A_1244] : memref<52x128xi32, #tpu.memory_space<vmem>> -> memref<1x128xi32, #tpu.memory_space<vmem>>
        %dma_wait3A_1246 = tpu.memref_squeeze %dma_wait3A_1245 : memref<1x128xi32, #tpu.memory_space<vmem>> -> memref<128xi32, #tpu.memory_space<vmem>>
        %dma_wait3A_1247 = arith.constant 0 : i32
        %dma_wait3A_1248 = tpu.memref_slice %arg35[%dma_wait3A_1247] : memref<100352xf32, #tpu.memory_space<vmem_shared>> -> memref<100352xf32, #tpu.memory_space<vmem_shared>>
        tpu.wait_indirect_dma semaphore(%arg38 : memref<!tpu.dma_semaphore, #tpu.memory_space<semaphore_mem>>) src(%dma_wait3A_1243 : memref<128xf32, #tpu.memory_space<vmem>>) dst(%dma_wait3A_1248 : memref<100352xf32, #tpu.memory_space<vmem_shared>>)
        %dma_wait3A_1249 = arith.constant 0 : i32
        %dma_wait3A_1250 = tpu.memref_slice %arg8[%sub3A_1224, %dma_wait3A_1249] : memref<52x128xf32, #tpu.memory_space<vmem>> -> memref<1x128xf32, #tpu.memory_space<vmem>>
        %dma_wait3A_1251 = tpu.memref_squeeze %dma_wait3A_1250 : memref<1x128xf32, #tpu.memory_space<vmem>> -> memref<128xf32, #tpu.memory_space<vmem>>
        %dma_wait3A_1252 = arith.constant 0 : i32
        %dma_wait3A_1253 = tpu.memref_slice %arg6[%sub3A_1224, %dma_wait3A_1252] : memref<52x128xi32, #tpu.memory_space<vmem>> -> memref<1x128xi32, #tpu.memory_space<vmem>>
        %dma_wait3A_1254 = tpu.memref_squeeze %dma_wait3A_1253 : memref<1x128xi32, #tpu.memory_space<vmem>> -> memref<128xi32, #tpu.memory_space<vmem>>
        %dma_wait3A_1255 = arith.constant 0 : i32
        %dma_wait3A_1256 = tpu.memref_slice %arg33[%dma_wait3A_1255] : memref<100352xf32, #tpu.memory_space<vmem_shared>> -> memref<100352xf32, #tpu.memory_space<vmem_shared>>
        tpu.wait_indirect_dma semaphore(%arg38 : memref<!tpu.dma_semaphore, #tpu.memory_space<semaphore_mem>>) src(%dma_wait3A_1251 : memref<128xf32, #tpu.memory_space<vmem>>) dst(%dma_wait3A_1256 : memref<100352xf32, #tpu.memory_space<vmem_shared>>)
        %dma_wait3A_1257 = arith.constant 0 : i32
        %dma_wait3A_1258 = tpu.memref_slice %arg9[%sub3A_1224, %dma_wait3A_1257] : memref<52x128xf32, #tpu.memory_space<vmem>> -> memref<1x128xf32, #tpu.memory_space<vmem>>
        %dma_wait3A_1259 = tpu.memref_squeeze %dma_wait3A_1258 : memref<1x128xf32, #tpu.memory_space<vmem>> -> memref<128xf32, #tpu.memory_space<vmem>>
        %dma_wait3A_1260 = arith.constant 0 : i32
        %dma_wait3A_1261 = tpu.memref_slice %arg6[%sub3A_1224, %dma_wait3A_1260] : memref<52x128xi32, #tpu.memory_space<vmem>> -> memref<1x128xi32, #tpu.memory_space<vmem>>
        %dma_wait3A_1262 = tpu.memref_squeeze %dma_wait3A_1261 : memref<1x128xi32, #tpu.memory_space<vmem>> -> memref<128xi32, #tpu.memory_space<vmem>>
        %dma_wait3A_1263 = arith.constant 0 : i32
        %dma_wait3A_1264 = tpu.memref_slice %arg34[%dma_wait3A_1263] : memref<100352xf32, #tpu.memory_space<vmem_shared>> -> memref<100352xf32, #tpu.memory_space<vmem_shared>>
        tpu.wait_indirect_dma semaphore(%arg38 : memref<!tpu.dma_semaphore, #tpu.memory_space<semaphore_mem>>) src(%dma_wait3A_1259 : memref<128xf32, #tpu.memory_space<vmem>>) dst(%dma_wait3A_1264 : memref<100352xf32, #tpu.memory_space<vmem_shared>>)
        %dma_wait3A_1265 = arith.constant 0 : i32
        %dma_wait3A_1266 = tpu.memref_slice %arg10[%sub3A_1224, %dma_wait3A_1265] : memref<52x128xf32, #tpu.memory_space<vmem>> -> memref<1x128xf32, #tpu.memory_space<vmem>>
        %dma_wait3A_1267 = tpu.memref_squeeze %dma_wait3A_1266 : memref<1x128xf32, #tpu.memory_space<vmem>> -> memref<128xf32, #tpu.memory_space<vmem>>
        %dma_wait3A_1268 = arith.constant 0 : i32
        %dma_wait3A_1269 = tpu.memref_slice %arg6[%sub3A_1224, %dma_wait3A_1268] : memref<52x128xi32, #tpu.memory_space<vmem>> -> memref<1x128xi32, #tpu.memory_space<vmem>>
        %dma_wait3A_1270 = tpu.memref_squeeze %dma_wait3A_1269 : memref<1x128xi32, #tpu.memory_space<vmem>> -> memref<128xi32, #tpu.memory_space<vmem>>
        %dma_wait3A_1271 = arith.constant 0 : i32
        %dma_wait3A_1272 = tpu.memref_slice %arg35[%dma_wait3A_1271] : memref<100352xf32, #tpu.memory_space<vmem_shared>> -> memref<100352xf32, #tpu.memory_space<vmem_shared>>
        tpu.wait_indirect_dma semaphore(%arg38 : memref<!tpu.dma_semaphore, #tpu.memory_space<semaphore_mem>>) src(%dma_wait3A_1267 : memref<128xf32, #tpu.memory_space<vmem>>) dst(%dma_wait3A_1272 : memref<100352xf32, #tpu.memory_space<vmem_shared>>)
        %dma_wait3A_1273 = arith.constant 0 : i32
        %dma_wait3A_1274 = tpu.memref_slice %arg8[%sub3A_1224, %dma_wait3A_1273] : memref<52x128xf32, #tpu.memory_space<vmem>> -> memref<1x128xf32, #tpu.memory_space<vmem>>
        %dma_wait3A_1275 = tpu.memref_squeeze %dma_wait3A_1274 : memref<1x128xf32, #tpu.memory_space<vmem>> -> memref<128xf32, #tpu.memory_space<vmem>>
        %dma_wait3A_1276 = arith.constant 0 : i32
        %dma_wait3A_1277 = tpu.memref_slice %arg7[%sub3A_1224, %dma_wait3A_1276] : memref<52x128xi32, #tpu.memory_space<vmem>> -> memref<1x128xi32, #tpu.memory_space<vmem>>
        %dma_wait3A_1278 = tpu.memref_squeeze %dma_wait3A_1277 : memref<1x128xi32, #tpu.memory_space<vmem>> -> memref<128xi32, #tpu.memory_space<vmem>>
        %dma_wait3A_1279 = arith.constant 0 : i32
        %dma_wait3A_1280 = tpu.memref_slice %arg33[%dma_wait3A_1279] : memref<100352xf32, #tpu.memory_space<vmem_shared>> -> memref<100352xf32, #tpu.memory_space<vmem_shared>>
        tpu.wait_indirect_dma semaphore(%arg38 : memref<!tpu.dma_semaphore, #tpu.memory_space<semaphore_mem>>) src(%dma_wait3A_1275 : memref<128xf32, #tpu.memory_space<vmem>>) dst(%dma_wait3A_1280 : memref<100352xf32, #tpu.memory_space<vmem_shared>>)
        %dma_wait3A_1281 = arith.constant 0 : i32
        %dma_wait3A_1282 = tpu.memref_slice %arg9[%sub3A_1224, %dma_wait3A_1281] : memref<52x128xf32, #tpu.memory_space<vmem>> -> memref<1x128xf32, #tpu.memory_space<vmem>>
        %dma_wait3A_1283 = tpu.memref_squeeze %dma_wait3A_1282 : memref<1x128xf32, #tpu.memory_space<vmem>> -> memref<128xf32, #tpu.memory_space<vmem>>
        %dma_wait3A_1284 = arith.constant 0 : i32
        %dma_wait3A_1285 = tpu.memref_slice %arg7[%sub3A_1224, %dma_wait3A_1284] : memref<52x128xi32, #tpu.memory_space<vmem>> -> memref<1x128xi32, #tpu.memory_space<vmem>>
        %dma_wait3A_1286 = tpu.memref_squeeze %dma_wait3A_1285 : memref<1x128xi32, #tpu.memory_space<vmem>> -> memref<128xi32, #tpu.memory_space<vmem>>
        %dma_wait3A_1287 = arith.constant 0 : i32
        %dma_wait3A_1288 = tpu.memref_slice %arg34[%dma_wait3A_1287] : memref<100352xf32, #tpu.memory_space<vmem_shared>> -> memref<100352xf32, #tpu.memory_space<vmem_shared>>
        tpu.wait_indirect_dma semaphore(%arg38 : memref<!tpu.dma_semaphore, #tpu.memory_space<semaphore_mem>>) src(%dma_wait3A_1283 : memref<128xf32, #tpu.memory_space<vmem>>) dst(%dma_wait3A_1288 : memref<100352xf32, #tpu.memory_space<vmem_shared>>)
        %dma_wait3A_1289 = arith.constant 0 : i32
        %dma_wait3A_1290 = tpu.memref_slice %arg10[%sub3A_1224, %dma_wait3A_1289] : memref<52x128xf32, #tpu.memory_space<vmem>> -> memref<1x128xf32, #tpu.memory_space<vmem>>
        %dma_wait3A_1291 = tpu.memref_squeeze %dma_wait3A_1290 : memref<1x128xf32, #tpu.memory_space<vmem>> -> memref<128xf32, #tpu.memory_space<vmem>>
        %dma_wait3A_1292 = arith.constant 0 : i32
        %dma_wait3A_1293 = tpu.memref_slice %arg7[%sub3A_1224, %dma_wait3A_1292] : memref<52x128xi32, #tpu.memory_space<vmem>> -> memref<1x128xi32, #tpu.memory_space<vmem>>
        %dma_wait3A_1294 = tpu.memref_squeeze %dma_wait3A_1293 : memref<1x128xi32, #tpu.memory_space<vmem>> -> memref<128xi32, #tpu.memory_space<vmem>>
        %dma_wait3A_1295 = arith.constant 0 : i32
        %dma_wait3A_1296 = tpu.memref_slice %arg35[%dma_wait3A_1295] : memref<100352xf32, #tpu.memory_space<vmem_shared>> -> memref<100352xf32, #tpu.memory_space<vmem_shared>>
        tpu.wait_indirect_dma semaphore(%arg38 : memref<!tpu.dma_semaphore, #tpu.memory_space<semaphore_mem>>) src(%dma_wait3A_1291 : memref<128xf32, #tpu.memory_space<vmem>>) dst(%dma_wait3A_1296 : memref<100352xf32, #tpu.memory_space<vmem_shared>>)
      } else {
      }
    }
    %scan3A_73 = arith.constant 26 : i32
    %dma_wait3A = arith.constant 50 : i32
    %dma_wait3A_74 = arith.constant 50 : i32
    %dma_wait3A_75 = arith.constant 0 : i32
    %dma_wait3A_76 = tpu.memref_slice %arg8[%dma_wait3A, %dma_wait3A_75] : memref<52x128xf32, #tpu.memory_space<vmem>> -> memref<1x128xf32, #tpu.memory_space<vmem>>
    %dma_wait3A_77 = tpu.memref_squeeze %dma_wait3A_76 : memref<1x128xf32, #tpu.memory_space<vmem>> -> memref<128xf32, #tpu.memory_space<vmem>>
    %dma_wait3A_78 = arith.constant 0 : i32
    %dma_wait3A_79 = tpu.memref_slice %arg5[%dma_wait3A_74, %dma_wait3A_78] : memref<52x128xi32, #tpu.memory_space<vmem>> -> memref<1x128xi32, #tpu.memory_space<vmem>>
    %dma_wait3A_80 = tpu.memref_squeeze %dma_wait3A_79 : memref<1x128xi32, #tpu.memory_space<vmem>> -> memref<128xi32, #tpu.memory_space<vmem>>
    %dma_wait3A_81 = arith.constant 0 : i32
    %dma_wait3A_82 = tpu.memref_slice %arg33[%dma_wait3A_81] : memref<100352xf32, #tpu.memory_space<vmem_shared>> -> memref<100352xf32, #tpu.memory_space<vmem_shared>>
    tpu.wait_indirect_dma semaphore(%arg38 : memref<!tpu.dma_semaphore, #tpu.memory_space<semaphore_mem>>) src(%dma_wait3A_77 : memref<128xf32, #tpu.memory_space<vmem>>) dst(%dma_wait3A_82 : memref<100352xf32, #tpu.memory_space<vmem_shared>>)
    %dma_wait3A_83 = arith.constant 50 : i32
    %dma_wait3A_84 = arith.constant 50 : i32
    %dma_wait3A_85 = arith.constant 0 : i32
    %dma_wait3A_86 = tpu.memref_slice %arg9[%dma_wait3A_83, %dma_wait3A_85] : memref<52x128xf32, #tpu.memory_space<vmem>> -> memref<1x128xf32, #tpu.memory_space<vmem>>
    %dma_wait3A_87 = tpu.memref_squeeze %dma_wait3A_86 : memref<1x128xf32, #tpu.memory_space<vmem>> -> memref<128xf32, #tpu.memory_space<vmem>>
    %dma_wait3A_88 = arith.constant 0 : i32
    %dma_wait3A_89 = tpu.memref_slice %arg5[%dma_wait3A_84, %dma_wait3A_88] : memref<52x128xi32, #tpu.memory_space<vmem>> -> memref<1x128xi32, #tpu.memory_space<vmem>>
    %dma_wait3A_90 = tpu.memref_squeeze %dma_wait3A_89 : memref<1x128xi32, #tpu.memory_space<vmem>> -> memref<128xi32, #tpu.memory_space<vmem>>
    %dma_wait3A_91 = arith.constant 0 : i32
    %dma_wait3A_92 = tpu.memref_slice %arg34[%dma_wait3A_91] : memref<100352xf32, #tpu.memory_space<vmem_shared>> -> memref<100352xf32, #tpu.memory_space<vmem_shared>>
    tpu.wait_indirect_dma semaphore(%arg38 : memref<!tpu.dma_semaphore, #tpu.memory_space<semaphore_mem>>) src(%dma_wait3A_87 : memref<128xf32, #tpu.memory_space<vmem>>) dst(%dma_wait3A_92 : memref<100352xf32, #tpu.memory_space<vmem_shared>>)
    %dma_wait3A_93 = arith.constant 50 : i32
    %dma_wait3A_94 = arith.constant 50 : i32
    %dma_wait3A_95 = arith.constant 0 : i32
    %dma_wait3A_96 = tpu.memref_slice %arg10[%dma_wait3A_93, %dma_wait3A_95] : memref<52x128xf32, #tpu.memory_space<vmem>> -> memref<1x128xf32, #tpu.memory_space<vmem>>
    %dma_wait3A_97 = tpu.memref_squeeze %dma_wait3A_96 : memref<1x128xf32, #tpu.memory_space<vmem>> -> memref<128xf32, #tpu.memory_space<vmem>>
    %dma_wait3A_98 = arith.constant 0 : i32
    %dma_wait3A_99 = tpu.memref_slice %arg5[%dma_wait3A_94, %dma_wait3A_98] : memref<52x128xi32, #tpu.memory_space<vmem>> -> memref<1x128xi32, #tpu.memory_space<vmem>>
    %dma_wait3A_100 = tpu.memref_squeeze %dma_wait3A_99 : memref<1x128xi32, #tpu.memory_space<vmem>> -> memref<128xi32, #tpu.memory_space<vmem>>
    %dma_wait3A_101 = arith.constant 0 : i32
    %dma_wait3A_102 = tpu.memref_slice %arg35[%dma_wait3A_101] : memref<100352xf32, #tpu.memory_space<vmem_shared>> -> memref<100352xf32, #tpu.memory_space<vmem_shared>>
    tpu.wait_indirect_dma semaphore(%arg38 : memref<!tpu.dma_semaphore, #tpu.memory_space<semaphore_mem>>) src(%dma_wait3A_97 : memref<128xf32, #tpu.memory_space<vmem>>) dst(%dma_wait3A_102 : memref<100352xf32, #tpu.memory_space<vmem_shared>>)
    %dma_wait3A_103 = arith.constant 50 : i32
    %dma_wait3A_104 = arith.constant 50 : i32
    %dma_wait3A_105 = arith.constant 0 : i32
    %dma_wait3A_106 = tpu.memref_slice %arg8[%dma_wait3A_103, %dma_wait3A_105] : memref<52x128xf32, #tpu.memory_space<vmem>> -> memref<1x128xf32, #tpu.memory_space<vmem>>
    %dma_wait3A_107 = tpu.memref_squeeze %dma_wait3A_106 : memref<1x128xf32, #tpu.memory_space<vmem>> -> memref<128xf32, #tpu.memory_space<vmem>>
    %dma_wait3A_108 = arith.constant 0 : i32
    %dma_wait3A_109 = tpu.memref_slice %arg6[%dma_wait3A_104, %dma_wait3A_108] : memref<52x128xi32, #tpu.memory_space<vmem>> -> memref<1x128xi32, #tpu.memory_space<vmem>>
    %dma_wait3A_110 = tpu.memref_squeeze %dma_wait3A_109 : memref<1x128xi32, #tpu.memory_space<vmem>> -> memref<128xi32, #tpu.memory_space<vmem>>
    %dma_wait3A_111 = arith.constant 0 : i32
    %dma_wait3A_112 = tpu.memref_slice %arg33[%dma_wait3A_111] : memref<100352xf32, #tpu.memory_space<vmem_shared>> -> memref<100352xf32, #tpu.memory_space<vmem_shared>>
    tpu.wait_indirect_dma semaphore(%arg38 : memref<!tpu.dma_semaphore, #tpu.memory_space<semaphore_mem>>) src(%dma_wait3A_107 : memref<128xf32, #tpu.memory_space<vmem>>) dst(%dma_wait3A_112 : memref<100352xf32, #tpu.memory_space<vmem_shared>>)
    %dma_wait3A_113 = arith.constant 50 : i32
    %dma_wait3A_114 = arith.constant 50 : i32
    %dma_wait3A_115 = arith.constant 0 : i32
    %dma_wait3A_116 = tpu.memref_slice %arg9[%dma_wait3A_113, %dma_wait3A_115] : memref<52x128xf32, #tpu.memory_space<vmem>> -> memref<1x128xf32, #tpu.memory_space<vmem>>
    %dma_wait3A_117 = tpu.memref_squeeze %dma_wait3A_116 : memref<1x128xf32, #tpu.memory_space<vmem>> -> memref<128xf32, #tpu.memory_space<vmem>>
    %dma_wait3A_118 = arith.constant 0 : i32
    %dma_wait3A_119 = tpu.memref_slice %arg6[%dma_wait3A_114, %dma_wait3A_118] : memref<52x128xi32, #tpu.memory_space<vmem>> -> memref<1x128xi32, #tpu.memory_space<vmem>>
    %dma_wait3A_120 = tpu.memref_squeeze %dma_wait3A_119 : memref<1x128xi32, #tpu.memory_space<vmem>> -> memref<128xi32, #tpu.memory_space<vmem>>
    %dma_wait3A_121 = arith.constant 0 : i32
    %dma_wait3A_122 = tpu.memref_slice %arg34[%dma_wait3A_121] : memref<100352xf32, #tpu.memory_space<vmem_shared>> -> memref<100352xf32, #tpu.memory_space<vmem_shared>>
    tpu.wait_indirect_dma semaphore(%arg38 : memref<!tpu.dma_semaphore, #tpu.memory_space<semaphore_mem>>) src(%dma_wait3A_117 : memref<128xf32, #tpu.memory_space<vmem>>) dst(%dma_wait3A_122 : memref<100352xf32, #tpu.memory_space<vmem_shared>>)
    %dma_wait3A_123 = arith.constant 50 : i32
    %dma_wait3A_124 = arith.constant 50 : i32
    %dma_wait3A_125 = arith.constant 0 : i32
    %dma_wait3A_126 = tpu.memref_slice %arg10[%dma_wait3A_123, %dma_wait3A_125] : memref<52x128xf32, #tpu.memory_space<vmem>> -> memref<1x128xf32, #tpu.memory_space<vmem>>
    %dma_wait3A_127 = tpu.memref_squeeze %dma_wait3A_126 : memref<1x128xf32, #tpu.memory_space<vmem>> -> memref<128xf32, #tpu.memory_space<vmem>>
    %dma_wait3A_128 = arith.constant 0 : i32
    %dma_wait3A_129 = tpu.memref_slice %arg6[%dma_wait3A_124, %dma_wait3A_128] : memref<52x128xi32, #tpu.memory_space<vmem>> -> memref<1x128xi32, #tpu.memory_space<vmem>>
    %dma_wait3A_130 = tpu.memref_squeeze %dma_wait3A_129 : memref<1x128xi32, #tpu.memory_space<vmem>> -> memref<128xi32, #tpu.memory_space<vmem>>
    %dma_wait3A_131 = arith.constant 0 : i32
    %dma_wait3A_132 = tpu.memref_slice %arg35[%dma_wait3A_131] : memref<100352xf32, #tpu.memory_space<vmem_shared>> -> memref<100352xf32, #tpu.memory_space<vmem_shared>>
    tpu.wait_indirect_dma semaphore(%arg38 : memref<!tpu.dma_semaphore, #tpu.memory_space<semaphore_mem>>) src(%dma_wait3A_127 : memref<128xf32, #tpu.memory_space<vmem>>) dst(%dma_wait3A_132 : memref<100352xf32, #tpu.memory_space<vmem_shared>>)
    %dma_wait3A_133 = arith.constant 50 : i32
    %dma_wait3A_134 = arith.constant 50 : i32
    %dma_wait3A_135 = arith.constant 0 : i32
    %dma_wait3A_136 = tpu.memref_slice %arg8[%dma_wait3A_133, %dma_wait3A_135] : memref<52x128xf32, #tpu.memory_space<vmem>> -> memref<1x128xf32, #tpu.memory_space<vmem>>
    %dma_wait3A_137 = tpu.memref_squeeze %dma_wait3A_136 : memref<1x128xf32, #tpu.memory_space<vmem>> -> memref<128xf32, #tpu.memory_space<vmem>>
    %dma_wait3A_138 = arith.constant 0 : i32
    %dma_wait3A_139 = tpu.memref_slice %arg7[%dma_wait3A_134, %dma_wait3A_138] : memref<52x128xi32, #tpu.memory_space<vmem>> -> memref<1x128xi32, #tpu.memory_space<vmem>>
    %dma_wait3A_140 = tpu.memref_squeeze %dma_wait3A_139 : memref<1x128xi32, #tpu.memory_space<vmem>> -> memref<128xi32, #tpu.memory_space<vmem>>
    %dma_wait3A_141 = arith.constant 0 : i32
    %dma_wait3A_142 = tpu.memref_slice %arg33[%dma_wait3A_141] : memref<100352xf32, #tpu.memory_space<vmem_shared>> -> memref<100352xf32, #tpu.memory_space<vmem_shared>>
    tpu.wait_indirect_dma semaphore(%arg38 : memref<!tpu.dma_semaphore, #tpu.memory_space<semaphore_mem>>) src(%dma_wait3A_137 : memref<128xf32, #tpu.memory_space<vmem>>) dst(%dma_wait3A_142 : memref<100352xf32, #tpu.memory_space<vmem_shared>>)
    %dma_wait3A_143 = arith.constant 50 : i32
    %dma_wait3A_144 = arith.constant 50 : i32
    %dma_wait3A_145 = arith.constant 0 : i32
    %dma_wait3A_146 = tpu.memref_slice %arg9[%dma_wait3A_143, %dma_wait3A_145] : memref<52x128xf32, #tpu.memory_space<vmem>> -> memref<1x128xf32, #tpu.memory_space<vmem>>
    %dma_wait3A_147 = tpu.memref_squeeze %dma_wait3A_146 : memref<1x128xf32, #tpu.memory_space<vmem>> -> memref<128xf32, #tpu.memory_space<vmem>>
    %dma_wait3A_148 = arith.constant 0 : i32
    %dma_wait3A_149 = tpu.memref_slice %arg7[%dma_wait3A_144, %dma_wait3A_148] : memref<52x128xi32, #tpu.memory_space<vmem>> -> memref<1x128xi32, #tpu.memory_space<vmem>>
    %dma_wait3A_150 = tpu.memref_squeeze %dma_wait3A_149 : memref<1x128xi32, #tpu.memory_space<vmem>> -> memref<128xi32, #tpu.memory_space<vmem>>
    %dma_wait3A_151 = arith.constant 0 : i32
    %dma_wait3A_152 = tpu.memref_slice %arg34[%dma_wait3A_151] : memref<100352xf32, #tpu.memory_space<vmem_shared>> -> memref<100352xf32, #tpu.memory_space<vmem_shared>>
    tpu.wait_indirect_dma semaphore(%arg38 : memref<!tpu.dma_semaphore, #tpu.memory_space<semaphore_mem>>) src(%dma_wait3A_147 : memref<128xf32, #tpu.memory_space<vmem>>) dst(%dma_wait3A_152 : memref<100352xf32, #tpu.memory_space<vmem_shared>>)
    %dma_wait3A_153 = arith.constant 50 : i32
    %dma_wait3A_154 = arith.constant 50 : i32
    %dma_wait3A_155 = arith.constant 0 : i32
    %dma_wait3A_156 = tpu.memref_slice %arg10[%dma_wait3A_153, %dma_wait3A_155] : memref<52x128xf32, #tpu.memory_space<vmem>> -> memref<1x128xf32, #tpu.memory_space<vmem>>
    %dma_wait3A_157 = tpu.memref_squeeze %dma_wait3A_156 : memref<1x128xf32, #tpu.memory_space<vmem>> -> memref<128xf32, #tpu.memory_space<vmem>>
    %dma_wait3A_158 = arith.constant 0 : i32
    %dma_wait3A_159 = tpu.memref_slice %arg7[%dma_wait3A_154, %dma_wait3A_158] : memref<52x128xi32, #tpu.memory_space<vmem>> -> memref<1x128xi32, #tpu.memory_space<vmem>>
    %dma_wait3A_160 = tpu.memref_squeeze %dma_wait3A_159 : memref<1x128xi32, #tpu.memory_space<vmem>> -> memref<128xi32, #tpu.memory_space<vmem>>
    %dma_wait3A_161 = arith.constant 0 : i32
    %dma_wait3A_162 = tpu.memref_slice %arg35[%dma_wait3A_161] : memref<100352xf32, #tpu.memory_space<vmem_shared>> -> memref<100352xf32, #tpu.memory_space<vmem_shared>>
    tpu.wait_indirect_dma semaphore(%arg38 : memref<!tpu.dma_semaphore, #tpu.memory_space<semaphore_mem>>) src(%dma_wait3A_157 : memref<128xf32, #tpu.memory_space<vmem>>) dst(%dma_wait3A_162 : memref<100352xf32, #tpu.memory_space<vmem_shared>>)
    %dma_wait3A_163 = arith.constant 51 : i32
    %dma_wait3A_164 = arith.constant 51 : i32
    %dma_wait3A_165 = arith.constant 0 : i32
    %dma_wait3A_166 = tpu.memref_slice %arg8[%dma_wait3A_163, %dma_wait3A_165] : memref<52x128xf32, #tpu.memory_space<vmem>> -> memref<1x128xf32, #tpu.memory_space<vmem>>
    %dma_wait3A_167 = tpu.memref_squeeze %dma_wait3A_166 : memref<1x128xf32, #tpu.memory_space<vmem>> -> memref<128xf32, #tpu.memory_space<vmem>>
    %dma_wait3A_168 = arith.constant 0 : i32
    %dma_wait3A_169 = tpu.memref_slice %arg5[%dma_wait3A_164, %dma_wait3A_168] : memref<52x128xi32, #tpu.memory_space<vmem>> -> memref<1x128xi32, #tpu.memory_space<vmem>>
    %dma_wait3A_170 = tpu.memref_squeeze %dma_wait3A_169 : memref<1x128xi32, #tpu.memory_space<vmem>> -> memref<128xi32, #tpu.memory_space<vmem>>
    %dma_wait3A_171 = arith.constant 0 : i32
    %dma_wait3A_172 = tpu.memref_slice %arg33[%dma_wait3A_171] : memref<100352xf32, #tpu.memory_space<vmem_shared>> -> memref<100352xf32, #tpu.memory_space<vmem_shared>>
    tpu.wait_indirect_dma semaphore(%arg38 : memref<!tpu.dma_semaphore, #tpu.memory_space<semaphore_mem>>) src(%dma_wait3A_167 : memref<128xf32, #tpu.memory_space<vmem>>) dst(%dma_wait3A_172 : memref<100352xf32, #tpu.memory_space<vmem_shared>>)
    %dma_wait3A_173 = arith.constant 51 : i32
    %dma_wait3A_174 = arith.constant 51 : i32
    %dma_wait3A_175 = arith.constant 0 : i32
    %dma_wait3A_176 = tpu.memref_slice %arg9[%dma_wait3A_173, %dma_wait3A_175] : memref<52x128xf32, #tpu.memory_space<vmem>> -> memref<1x128xf32, #tpu.memory_space<vmem>>
    %dma_wait3A_177 = tpu.memref_squeeze %dma_wait3A_176 : memref<1x128xf32, #tpu.memory_space<vmem>> -> memref<128xf32, #tpu.memory_space<vmem>>
    %dma_wait3A_178 = arith.constant 0 : i32
    %dma_wait3A_179 = tpu.memref_slice %arg5[%dma_wait3A_174, %dma_wait3A_178] : memref<52x128xi32, #tpu.memory_space<vmem>> -> memref<1x128xi32, #tpu.memory_space<vmem>>
    %dma_wait3A_180 = tpu.memref_squeeze %dma_wait3A_179 : memref<1x128xi32, #tpu.memory_space<vmem>> -> memref<128xi32, #tpu.memory_space<vmem>>
    %dma_wait3A_181 = arith.constant 0 : i32
    %dma_wait3A_182 = tpu.memref_slice %arg34[%dma_wait3A_181] : memref<100352xf32, #tpu.memory_space<vmem_shared>> -> memref<100352xf32, #tpu.memory_space<vmem_shared>>
    tpu.wait_indirect_dma semaphore(%arg38 : memref<!tpu.dma_semaphore, #tpu.memory_space<semaphore_mem>>) src(%dma_wait3A_177 : memref<128xf32, #tpu.memory_space<vmem>>) dst(%dma_wait3A_182 : memref<100352xf32, #tpu.memory_space<vmem_shared>>)
    %dma_wait3A_183 = arith.constant 51 : i32
    %dma_wait3A_184 = arith.constant 51 : i32
    %dma_wait3A_185 = arith.constant 0 : i32
    %dma_wait3A_186 = tpu.memref_slice %arg10[%dma_wait3A_183, %dma_wait3A_185] : memref<52x128xf32, #tpu.memory_space<vmem>> -> memref<1x128xf32, #tpu.memory_space<vmem>>
    %dma_wait3A_187 = tpu.memref_squeeze %dma_wait3A_186 : memref<1x128xf32, #tpu.memory_space<vmem>> -> memref<128xf32, #tpu.memory_space<vmem>>
    %dma_wait3A_188 = arith.constant 0 : i32
    %dma_wait3A_189 = tpu.memref_slice %arg5[%dma_wait3A_184, %dma_wait3A_188] : memref<52x128xi32, #tpu.memory_space<vmem>> -> memref<1x128xi32, #tpu.memory_space<vmem>>
    %dma_wait3A_190 = tpu.memref_squeeze %dma_wait3A_189 : memref<1x128xi32, #tpu.memory_space<vmem>> -> memref<128xi32, #tpu.memory_space<vmem>>
    %dma_wait3A_191 = arith.constant 0 : i32
    %dma_wait3A_192 = tpu.memref_slice %arg35[%dma_wait3A_191] : memref<100352xf32, #tpu.memory_space<vmem_shared>> -> memref<100352xf32, #tpu.memory_space<vmem_shared>>
    tpu.wait_indirect_dma semaphore(%arg38 : memref<!tpu.dma_semaphore, #tpu.memory_space<semaphore_mem>>) src(%dma_wait3A_187 : memref<128xf32, #tpu.memory_space<vmem>>) dst(%dma_wait3A_192 : memref<100352xf32, #tpu.memory_space<vmem_shared>>)
    %dma_wait3A_193 = arith.constant 51 : i32
    %dma_wait3A_194 = arith.constant 51 : i32
    %dma_wait3A_195 = arith.constant 0 : i32
    %dma_wait3A_196 = tpu.memref_slice %arg8[%dma_wait3A_193, %dma_wait3A_195] : memref<52x128xf32, #tpu.memory_space<vmem>> -> memref<1x128xf32, #tpu.memory_space<vmem>>
    %dma_wait3A_197 = tpu.memref_squeeze %dma_wait3A_196 : memref<1x128xf32, #tpu.memory_space<vmem>> -> memref<128xf32, #tpu.memory_space<vmem>>
    %dma_wait3A_198 = arith.constant 0 : i32
    %dma_wait3A_199 = tpu.memref_slice %arg6[%dma_wait3A_194, %dma_wait3A_198] : memref<52x128xi32, #tpu.memory_space<vmem>> -> memref<1x128xi32, #tpu.memory_space<vmem>>
    %dma_wait3A_200 = tpu.memref_squeeze %dma_wait3A_199 : memref<1x128xi32, #tpu.memory_space<vmem>> -> memref<128xi32, #tpu.memory_space<vmem>>
    %dma_wait3A_201 = arith.constant 0 : i32
    %dma_wait3A_202 = tpu.memref_slice %arg33[%dma_wait3A_201] : memref<100352xf32, #tpu.memory_space<vmem_shared>> -> memref<100352xf32, #tpu.memory_space<vmem_shared>>
    tpu.wait_indirect_dma semaphore(%arg38 : memref<!tpu.dma_semaphore, #tpu.memory_space<semaphore_mem>>) src(%dma_wait3A_197 : memref<128xf32, #tpu.memory_space<vmem>>) dst(%dma_wait3A_202 : memref<100352xf32, #tpu.memory_space<vmem_shared>>)
    %dma_wait3A_203 = arith.constant 51 : i32
    %dma_wait3A_204 = arith.constant 51 : i32
    %dma_wait3A_205 = arith.constant 0 : i32
    %dma_wait3A_206 = tpu.memref_slice %arg9[%dma_wait3A_203, %dma_wait3A_205] : memref<52x128xf32, #tpu.memory_space<vmem>> -> memref<1x128xf32, #tpu.memory_space<vmem>>
    %dma_wait3A_207 = tpu.memref_squeeze %dma_wait3A_206 : memref<1x128xf32, #tpu.memory_space<vmem>> -> memref<128xf32, #tpu.memory_space<vmem>>
    %dma_wait3A_208 = arith.constant 0 : i32
    %dma_wait3A_209 = tpu.memref_slice %arg6[%dma_wait3A_204, %dma_wait3A_208] : memref<52x128xi32, #tpu.memory_space<vmem>> -> memref<1x128xi32, #tpu.memory_space<vmem>>
    %dma_wait3A_210 = tpu.memref_squeeze %dma_wait3A_209 : memref<1x128xi32, #tpu.memory_space<vmem>> -> memref<128xi32, #tpu.memory_space<vmem>>
    %dma_wait3A_211 = arith.constant 0 : i32
    %dma_wait3A_212 = tpu.memref_slice %arg34[%dma_wait3A_211] : memref<100352xf32, #tpu.memory_space<vmem_shared>> -> memref<100352xf32, #tpu.memory_space<vmem_shared>>
    tpu.wait_indirect_dma semaphore(%arg38 : memref<!tpu.dma_semaphore, #tpu.memory_space<semaphore_mem>>) src(%dma_wait3A_207 : memref<128xf32, #tpu.memory_space<vmem>>) dst(%dma_wait3A_212 : memref<100352xf32, #tpu.memory_space<vmem_shared>>)
    %dma_wait3A_213 = arith.constant 51 : i32
    %dma_wait3A_214 = arith.constant 51 : i32
    %dma_wait3A_215 = arith.constant 0 : i32
    %dma_wait3A_216 = tpu.memref_slice %arg10[%dma_wait3A_213, %dma_wait3A_215] : memref<52x128xf32, #tpu.memory_space<vmem>> -> memref<1x128xf32, #tpu.memory_space<vmem>>
    %dma_wait3A_217 = tpu.memref_squeeze %dma_wait3A_216 : memref<1x128xf32, #tpu.memory_space<vmem>> -> memref<128xf32, #tpu.memory_space<vmem>>
    %dma_wait3A_218 = arith.constant 0 : i32
    %dma_wait3A_219 = tpu.memref_slice %arg6[%dma_wait3A_214, %dma_wait3A_218] : memref<52x128xi32, #tpu.memory_space<vmem>> -> memref<1x128xi32, #tpu.memory_space<vmem>>
    %dma_wait3A_220 = tpu.memref_squeeze %dma_wait3A_219 : memref<1x128xi32, #tpu.memory_space<vmem>> -> memref<128xi32, #tpu.memory_space<vmem>>
    %dma_wait3A_221 = arith.constant 0 : i32
    %dma_wait3A_222 = tpu.memref_slice %arg35[%dma_wait3A_221] : memref<100352xf32, #tpu.memory_space<vmem_shared>> -> memref<100352xf32, #tpu.memory_space<vmem_shared>>
    tpu.wait_indirect_dma semaphore(%arg38 : memref<!tpu.dma_semaphore, #tpu.memory_space<semaphore_mem>>) src(%dma_wait3A_217 : memref<128xf32, #tpu.memory_space<vmem>>) dst(%dma_wait3A_222 : memref<100352xf32, #tpu.memory_space<vmem_shared>>)
    %dma_wait3A_223 = arith.constant 51 : i32
    %dma_wait3A_224 = arith.constant 51 : i32
    %dma_wait3A_225 = arith.constant 0 : i32
    %dma_wait3A_226 = tpu.memref_slice %arg8[%dma_wait3A_223, %dma_wait3A_225] : memref<52x128xf32, #tpu.memory_space<vmem>> -> memref<1x128xf32, #tpu.memory_space<vmem>>
    %dma_wait3A_227 = tpu.memref_squeeze %dma_wait3A_226 : memref<1x128xf32, #tpu.memory_space<vmem>> -> memref<128xf32, #tpu.memory_space<vmem>>
    %dma_wait3A_228 = arith.constant 0 : i32
    %dma_wait3A_229 = tpu.memref_slice %arg7[%dma_wait3A_224, %dma_wait3A_228] : memref<52x128xi32, #tpu.memory_space<vmem>> -> memref<1x128xi32, #tpu.memory_space<vmem>>
    %dma_wait3A_230 = tpu.memref_squeeze %dma_wait3A_229 : memref<1x128xi32, #tpu.memory_space<vmem>> -> memref<128xi32, #tpu.memory_space<vmem>>
    %dma_wait3A_231 = arith.constant 0 : i32
    %dma_wait3A_232 = tpu.memref_slice %arg33[%dma_wait3A_231] : memref<100352xf32, #tpu.memory_space<vmem_shared>> -> memref<100352xf32, #tpu.memory_space<vmem_shared>>
    tpu.wait_indirect_dma semaphore(%arg38 : memref<!tpu.dma_semaphore, #tpu.memory_space<semaphore_mem>>) src(%dma_wait3A_227 : memref<128xf32, #tpu.memory_space<vmem>>) dst(%dma_wait3A_232 : memref<100352xf32, #tpu.memory_space<vmem_shared>>)
    %dma_wait3A_233 = arith.constant 51 : i32
    %dma_wait3A_234 = arith.constant 51 : i32
    %dma_wait3A_235 = arith.constant 0 : i32
    %dma_wait3A_236 = tpu.memref_slice %arg9[%dma_wait3A_233, %dma_wait3A_235] : memref<52x128xf32, #tpu.memory_space<vmem>> -> memref<1x128xf32, #tpu.memory_space<vmem>>
    %dma_wait3A_237 = tpu.memref_squeeze %dma_wait3A_236 : memref<1x128xf32, #tpu.memory_space<vmem>> -> memref<128xf32, #tpu.memory_space<vmem>>
    %dma_wait3A_238 = arith.constant 0 : i32
    %dma_wait3A_239 = tpu.memref_slice %arg7[%dma_wait3A_234, %dma_wait3A_238] : memref<52x128xi32, #tpu.memory_space<vmem>> -> memref<1x128xi32, #tpu.memory_space<vmem>>
    %dma_wait3A_240 = tpu.memref_squeeze %dma_wait3A_239 : memref<1x128xi32, #tpu.memory_space<vmem>> -> memref<128xi32, #tpu.memory_space<vmem>>
    %dma_wait3A_241 = arith.constant 0 : i32
    %dma_wait3A_242 = tpu.memref_slice %arg34[%dma_wait3A_241] : memref<100352xf32, #tpu.memory_space<vmem_shared>> -> memref<100352xf32, #tpu.memory_space<vmem_shared>>
    tpu.wait_indirect_dma semaphore(%arg38 : memref<!tpu.dma_semaphore, #tpu.memory_space<semaphore_mem>>) src(%dma_wait3A_237 : memref<128xf32, #tpu.memory_space<vmem>>) dst(%dma_wait3A_242 : memref<100352xf32, #tpu.memory_space<vmem_shared>>)
    %dma_wait3A_243 = arith.constant 51 : i32
    %dma_wait3A_244 = arith.constant 51 : i32
    %dma_wait3A_245 = arith.constant 0 : i32
    %dma_wait3A_246 = tpu.memref_slice %arg10[%dma_wait3A_243, %dma_wait3A_245] : memref<52x128xf32, #tpu.memory_space<vmem>> -> memref<1x128xf32, #tpu.memory_space<vmem>>
    %dma_wait3A_247 = tpu.memref_squeeze %dma_wait3A_246 : memref<1x128xf32, #tpu.memory_space<vmem>> -> memref<128xf32, #tpu.memory_space<vmem>>
    %dma_wait3A_248 = arith.constant 0 : i32
    %dma_wait3A_249 = tpu.memref_slice %arg7[%dma_wait3A_244, %dma_wait3A_248] : memref<52x128xi32, #tpu.memory_space<vmem>> -> memref<1x128xi32, #tpu.memory_space<vmem>>
    %dma_wait3A_250 = tpu.memref_squeeze %dma_wait3A_249 : memref<1x128xi32, #tpu.memory_space<vmem>> -> memref<128xi32, #tpu.memory_space<vmem>>
    %dma_wait3A_251 = arith.constant 0 : i32
    %dma_wait3A_252 = tpu.memref_slice %arg35[%dma_wait3A_251] : memref<100352xf32, #tpu.memory_space<vmem_shared>> -> memref<100352xf32, #tpu.memory_space<vmem_shared>>
    tpu.wait_indirect_dma semaphore(%arg38 : memref<!tpu.dma_semaphore, #tpu.memory_space<semaphore_mem>>) src(%dma_wait3A_247 : memref<128xf32, #tpu.memory_space<vmem>>) dst(%dma_wait3A_252 : memref<100352xf32, #tpu.memory_space<vmem_shared>>)
    %barrier3A_253 = arith.constant 0 : index
    tpu.barrier barrier_id(%barrier3A_253)
    %mul3A_254 = arith.constant 3 : i32
    %mul3A_255 = arith.muli %arg0, %mul3A_254 : i32
    %add3A_256 = arith.constant 0 : i32
    %add3A_257 = arith.addi %mul3A_255, %add3A_256 : i32
    %mul3A_258 = arith.constant 100352 : i32
    %mul3A_259 = arith.muli %add3A_257, %mul3A_258 : i32
    %add3A_260 = arith.addi %mul3A_259, %mul3A_2 : i32
    "tpu.region"() ({
      %run_scoped3A_275 = tpu.sem_alloc : memref<!tpu.dma_semaphore, #tpu.memory_space<semaphore_mem>>
      %dma_start3A_276 = tpu.memref_slice %arg4[%add3A_260] : memref<602112xf32, #tpu.memory_space<hbm>> -> memref<6272xf32, #tpu.memory_space<hbm>>
      %dma_start3A_277 = tpu.memref_slice %arg33[%mul3A_2] : memref<100352xf32, #tpu.memory_space<vmem_shared>> -> memref<6272xf32, #tpu.memory_space<vmem_shared>>
      tpu.enqueue_dma source(%dma_start3A_277 : memref<6272xf32, #tpu.memory_space<vmem_shared>>) target(%dma_start3A_276 : memref<6272xf32, #tpu.memory_space<hbm>>) target_semaphore(%run_scoped3A_275 : memref<!tpu.dma_semaphore, #tpu.memory_space<semaphore_mem>>)
      %dma_wait3A_278 = tpu.memref_slice %arg4[%add3A_260] : memref<602112xf32, #tpu.memory_space<hbm>> -> memref<6272xf32, #tpu.memory_space<hbm>>
      %dma_wait3A_279 = tpu.memref_slice %arg33[%mul3A_2] : memref<100352xf32, #tpu.memory_space<vmem_shared>> -> memref<6272xf32, #tpu.memory_space<vmem_shared>>
      tpu.wait_dma2 semaphore(%run_scoped3A_275 : memref<!tpu.dma_semaphore, #tpu.memory_space<semaphore_mem>>) src(%dma_wait3A_279 : memref<6272xf32, #tpu.memory_space<vmem_shared>>) dst(%dma_wait3A_278 : memref<6272xf32, #tpu.memory_space<hbm>>)
      tpu.yield
    }) : () -> ()
    %mul3A_261 = arith.constant 3 : i32
    %mul3A_262 = arith.muli %arg0, %mul3A_261 : i32
    %add3A_263 = arith.constant 1 : i32
    %add3A_264 = arith.addi %mul3A_262, %add3A_263 : i32
    %mul3A_265 = arith.constant 100352 : i32
    %mul3A_266 = arith.muli %add3A_264, %mul3A_265 : i32
    %add3A_267 = arith.addi %mul3A_266, %mul3A_2 : i32
    "tpu.region"() ({
      %run_scoped3A_275 = tpu.sem_alloc : memref<!tpu.dma_semaphore, #tpu.memory_space<semaphore_mem>>
      %dma_start3A_276 = tpu.memref_slice %arg4[%add3A_267] : memref<602112xf32, #tpu.memory_space<hbm>> -> memref<6272xf32, #tpu.memory_space<hbm>>
      %dma_start3A_277 = tpu.memref_slice %arg34[%mul3A_2] : memref<100352xf32, #tpu.memory_space<vmem_shared>> -> memref<6272xf32, #tpu.memory_space<vmem_shared>>
      tpu.enqueue_dma source(%dma_start3A_277 : memref<6272xf32, #tpu.memory_space<vmem_shared>>) target(%dma_start3A_276 : memref<6272xf32, #tpu.memory_space<hbm>>) target_semaphore(%run_scoped3A_275 : memref<!tpu.dma_semaphore, #tpu.memory_space<semaphore_mem>>)
      %dma_wait3A_278 = tpu.memref_slice %arg4[%add3A_267] : memref<602112xf32, #tpu.memory_space<hbm>> -> memref<6272xf32, #tpu.memory_space<hbm>>
      %dma_wait3A_279 = tpu.memref_slice %arg34[%mul3A_2] : memref<100352xf32, #tpu.memory_space<vmem_shared>> -> memref<6272xf32, #tpu.memory_space<vmem_shared>>
      tpu.wait_dma2 semaphore(%run_scoped3A_275 : memref<!tpu.dma_semaphore, #tpu.memory_space<semaphore_mem>>) src(%dma_wait3A_279 : memref<6272xf32, #tpu.memory_space<vmem_shared>>) dst(%dma_wait3A_278 : memref<6272xf32, #tpu.memory_space<hbm>>)
      tpu.yield
    }) : () -> ()
    %mul3A_268 = arith.constant 3 : i32
    %mul3A_269 = arith.muli %arg0, %mul3A_268 : i32
    %add3A_270 = arith.constant 2 : i32
    %add3A_271 = arith.addi %mul3A_269, %add3A_270 : i32
    %mul3A_272 = arith.constant 100352 : i32
    %mul3A_273 = arith.muli %add3A_271, %mul3A_272 : i32
    %add3A_274 = arith.addi %mul3A_273, %mul3A_2 : i32
    "tpu.region"() ({
      %run_scoped3A_275 = tpu.sem_alloc : memref<!tpu.dma_semaphore, #tpu.memory_space<semaphore_mem>>
      %dma_start3A_276 = tpu.memref_slice %arg4[%add3A_274] : memref<602112xf32, #tpu.memory_space<hbm>> -> memref<6272xf32, #tpu.memory_space<hbm>>
      %dma_start3A_277 = tpu.memref_slice %arg35[%mul3A_2] : memref<100352xf32, #tpu.memory_space<vmem_shared>> -> memref<6272xf32, #tpu.memory_space<vmem_shared>>
      tpu.enqueue_dma source(%dma_start3A_277 : memref<6272xf32, #tpu.memory_space<vmem_shared>>) target(%dma_start3A_276 : memref<6272xf32, #tpu.memory_space<hbm>>) target_semaphore(%run_scoped3A_275 : memref<!tpu.dma_semaphore, #tpu.memory_space<semaphore_mem>>)
      %dma_wait3A_278 = tpu.memref_slice %arg4[%add3A_274] : memref<602112xf32, #tpu.memory_space<hbm>> -> memref<6272xf32, #tpu.memory_space<hbm>>
      %dma_wait3A_279 = tpu.memref_slice %arg35[%mul3A_2] : memref<100352xf32, #tpu.memory_space<vmem_shared>> -> memref<6272xf32, #tpu.memory_space<vmem_shared>>
      tpu.wait_dma2 semaphore(%run_scoped3A_275 : memref<!tpu.dma_semaphore, #tpu.memory_space<semaphore_mem>>) src(%dma_wait3A_279 : memref<6272xf32, #tpu.memory_space<vmem_shared>>) dst(%dma_wait3A_278 : memref<6272xf32, #tpu.memory_space<hbm>>)
      tpu.yield
    }) : () -> ()
    return
  }
}

module attributes {stable_mosaic.version = 14 : i64} {
  func.func @_tc_norm(%arg0: memref<2x3x100352xf32, #tpu.memory_space<vmem>>, %arg1: memref<3x100000xf32, #tpu.memory_space<vmem>>) attributes {dimension_semantics = [], scalar_prefetch = 0 : i64, scratch_operands = 0 : i64, tpu.core_type = #tpu.core_type<tc>} {
    %get3A = arith.constant 0 : index
    %get3A_0 = arith.constant 0 : index
    %get3A_1 = arith.constant 0 : index
    %get3A_2 = vector.load %arg0[%get3A, %get3A_0, %get3A_1] : memref<2x3x100352xf32, #tpu.memory_space<vmem>>, vector<1x3x100352xf32>
    %get3A_3 = vector.shape_cast %get3A_2 : vector<1x3x100352xf32> to vector<3x100352xf32>
    %get3A_4 = arith.constant 1 : index
    %get3A_5 = arith.constant 0 : index
    %get3A_6 = arith.constant 0 : index
    %get3A_7 = vector.load %arg0[%get3A_4, %get3A_5, %get3A_6] : memref<2x3x100352xf32, #tpu.memory_space<vmem>>, vector<1x3x100352xf32>
    %get3A_8 = vector.shape_cast %get3A_7 : vector<1x3x100352xf32> to vector<3x100352xf32>
    %add3A = arith.addf %get3A_3, %get3A_8 : vector<3x100352xf32>
    %mul3A = arith.mulf %add3A, %add3A : vector<3x100352xf32>
    %reduce_sum3A = arith.constant dense<0.000000e+00> : vector<100352xf32>
    %reduce_sum3A_9 = vector.multi_reduction <add>, %mul3A, %reduce_sum3A [0] : vector<3x100352xf32> to vector<100352xf32>
    %broadcast_in_dim3A = vector.shape_cast %reduce_sum3A_9 : vector<100352xf32> to vector<1x100352xf32>
    %sqrt3A = math.sqrt %broadcast_in_dim3A : vector<1x100352xf32>
    %max3A = arith.constant 9.99999997E-7 : f32
    %max3A_10 = vector.broadcast %max3A : f32 to vector<1x100352xf32>
    %max3A_11 = arith.maximumf %sqrt3A, %max3A_10 : vector<1x100352xf32>
    %div3A = arith.constant 1.000000e+00 : f32
    %div3A_12 = vector.broadcast %div3A : f32 to vector<1x100352xf32>
    %div3A_13 = arith.divf %div3A_12, %max3A_11 : vector<1x100352xf32>
    %mul3A_14 = vector.broadcast %div3A_13 : vector<1x100352xf32> to vector<3x100352xf32>
    %mul3A_15 = arith.mulf %add3A, %mul3A_14 : vector<3x100352xf32>
    %slice3A = vector.extract_strided_slice %mul3A_15 {offsets = [0, 0], sizes = [3, 100000], strides = [1, 1]} : vector<3x100352xf32> to vector<3x100000xf32>
    %swap3A = arith.constant 0 : index
    %swap3A_16 = arith.constant 0 : index
    %swap3A_17 = vector.load %arg1[%swap3A, %swap3A_16] : memref<3x100000xf32, #tpu.memory_space<vmem>>, vector<3x100000xf32>
    tpu.vector_store %arg1[%swap3A, %swap3A_16], %slice3A {strides = array<i32>} : memref<3x100000xf32, #tpu.memory_space<vmem>>, vector<3x100000xf32>,
    return
  }
}

</mosaic_0001>

<sc_bundles>
// kernel: kernel.4.cloned.1.call-start
scs
__scs_entry_jumppad:
0x0: {  	(pc) =	sbr.rel $0x88, $3  }
0x1: {  	(tag) =	ssettag $0x0;
	lr =	simm.s32 $0x1  }
0x2: {  	[smem:$0x3F9F] =	sst lr;
	_ =	strace $0xD0000000  }
0x3: {  	_ = 	snop  }
0x4: {  	_ = 	snop  }
0x5: {  	_ = 	snop  }
0x6: {  	_ = 	snop  }
0x7: {  	_ = 	snop  }
__scs_overlays_trampoline_lowered:
0x8: {  	[smem:$0x3FAE] =	sst s0  }
0x9: {  	[smem:$0x3FAF] =	sst s1  }
0xa: {  	[smem:$0x3FB0] =	sst s2  }
0xb: {  	[smem:$0x3FB1] =	sst s3  }
0xc: {  	[smem:$0x3FB2] =	sst s4  }
0xd: {  	[smem:$0x3FB3] =	sst s5  }
0xe: {  	[smem:$0x3FB4] =	sst s6  }
0xf: {  	[smem:$0x3FB5] =	sst s7  }
0x10: {  	[smem:$0x3FB6] =	sst s8  }
0x11: {  	[smem:$0x3FB7] =	sst s9;
	s0 =	simm.s32 @!p0 $0x0  }
0x12: {  	s1 =	sld [smem:$0x3F9D];
	s0 =	simm.s32 @p0 $0x1  }
0x13: {  	[smem:$0x3FB8] =	sst s0;
	s0 =	simm.s32 @!p1 $0x0  }
0x14: {  	s2 =	sld [smem:$0x3F9C];
	s0 =	simm.s32 @p1 $0x1  }
0x15: {  	[smem:$0x3FB9] =	sst s0;
	s0 =	simm.s32 @!p2 $0x0  }
0x16: {  	s3 =	sld [smem:$0x3FDB];
	s0 =	simm.s32 @p2 $0x1  }
0x17: {  	s4 =	simm.s32 $0x1BF5;
	[smem:$0x3FBB] =	sst s0  }
0x18: {  	s0 =	sld [smem:$0x3F9E];
	_ =	swait.ge [sflag:s4], $0x0  }
0x19: {  	s7 =	sld [smem:$0x3F9F]  }
0x1a: {  	s8 =	sadd.s32 $0xFFFFE003, lr  }
0x1b: {  	s9 =	sadd.s32 $0xFFFFFEF7, lr;
	s5 =	simm.s32 $0xFFFFFFFF;
	p2 =	slt.u32 s8, $0xFFFFF086  }
0x1c: {  	p1 =	slt.u32 s9, $0xF7A;
	s5 =	simm.s32 @!p2 $0x0  }
0x1d: {  	s5 =	simm.s32 @p1 $0x1;
	p0 =	seq.s32 s7, s2  }
0x1e: {  	s7 =	smul.u32 @!p0 $0xF7A, s2;
	p2 =	seq.s32 @!p0 s5, $0x0  }
0x1f: {  	s9 =	smul.u32 $0xF7A, s1;
	s8 =	simm.s32 @!p0 $0x1BF5;
	p2 =	por !p2, p0  }
0x20: {  	[sflag:s8] =	ssyncset.s32 @!p0 $0xFFFFF086;
	s6 =	sadd.s32 @!p0 s3, s7;
	s7 =	simm.s32 @!p0 $0x108  }
0x21: {  	s3 =	sadd.s32 s3, s9;
	s6 =	sadd.s32 @!p0 $0x88, s6;
	s7 =	simm.s32 @p2 $0x1082  }
0x22: {  	[simem:s7], [sflag:s8] =	dma.local @!p0 [hbm:s6], $0xF7A  }
0x23: {  	s9 =	sor.u32 $0xD0000000, s2;
	s6 =	simm.s32 $0x108;
	_ =	swait.ge @!p0 [sflag:s8], $0x0  }
0x24: {  	s3 =	sadd.s32 $0x88, s3;
	s6 =	simm.s32 @!p1 $0x1082;
	[sflag:s4] =	ssyncset.s32 $0xFFFFF086  }
0x25: {  	[simem:s6], [sflag:s4] =	dma.local [hbm:s3], $0xF7A  }
0x26: {  	[smem:$0x3F9F] =	sst s1;
	(tag) =	ssettag s2;
	_ =	strace s9  }
0x27: {  	s1 =	sld [smem:$0x3FAF]  }
0x28: {  	s2 =	sld [smem:$0x3FB0]  }
0x29: {  	s4 =	sld [smem:$0x3FB2]  }
0x2a: {  	p0 =	seq.s32 s5, $0x0;
	s5 =	sld [smem:$0x3FB3]  }
0x2b: {  	s6 =	sld [smem:$0x3FB4]  }
0x2c: {  	s7 =	sld [smem:$0x3FB5]  }
0x2d: {  	s3 =	simm.s32 $0x108;
	s8 =	sld [smem:$0x3FB6]  }
0x2e: {  	s3 =	simm.s32 @!p0 $0x1082;
	s9 =	sld [smem:$0x3FB7]  }
0x2f: {  	lr =	sadd.s32 s0, s3;
	s0 =	sld [smem:$0x3FAE]  }
0x30: {  	s3 =	sld [smem:$0x3FB1]  }
0x31: {  	[smem:$0x3FBA] =	sst s10  }
0x32: {  	s10 =	sld [smem:$0x3FB8];
	_ =	sdelay $0x3  }
0x33: {  	p0 =	seq.s32 s10, $0x1;
	s10 =	sld [smem:$0x3FBA];
	_ =	sdelay $0x3  }
0x34: {  	[smem:$0x3FBA] =	sst s10  }
0x35: {  	s10 =	sld [smem:$0x3FB9];
	_ =	sdelay $0x3  }
0x36: {  	p1 =	seq.s32 s10, $0x1;
	s10 =	sld [smem:$0x3FBA];
	_ =	sdelay $0x3  }
0x37: {  	[smem:$0x3FBA] =	sst s10  }
0x38: {  	s10 =	sld [smem:$0x3FBB]  }
0x39: {  	_ = 	snop;
	(pc) =	sbr.ind lr, $3  }
0x3a: {  	_ = 	snop  }
0x3b: {  	_ = 	snop  }
0x3c: {  	p2 =	seq.s32 s10, $0x1;
	s10 =	sld [smem:$0x3FBA]  }
0x3d: {  	_ =	shalt  }
0x3e: {  	_ =	shalt  }
0x3f: {  	_ =	shalt  }
0x40: {  	_ =	shalt  }
0x41: {  	_ =	shalt  }
0x42: {  	_ =	shalt  }
0x43: {  	_ =	shalt  }
0x44: {  	_ =	shalt  }
0x45: {  	_ =	shalt  }
0x46: {  	_ =	shalt  }
0x47: {  	_ =	shalt  }
0x48: {  	_ =	shalt  }
0x49: {  	_ =	shalt  }
0x4a: {  	_ =	shalt  }
0x4b: {  	_ =	shalt  }
0x4c: {  	_ =	shalt  }
0x4d: {  	_ =	shalt  }
0x4e: {  	_ =	shalt  }
0x4f: {  	_ =	shalt  }
0x50: {  	_ =	shalt  }
0x51: {  	_ =	shalt  }
0x52: {  	_ =	shalt  }
0x53: {  	_ =	shalt  }
0x54: {  	_ =	shalt  }
0x55: {  	_ =	shalt  }
0x56: {  	_ =	shalt  }
0x57: {  	_ =	shalt  }
0x58: {  	_ =	shalt  }
0x59: {  	_ =	shalt  }
0x5a: {  	_ =	shalt  }
0x5b: {  	_ =	shalt  }
0x5c: {  	_ =	shalt  }
0x5d: {  	_ =	shalt  }
0x5e: {  	_ =	shalt  }
0x5f: {  	_ =	shalt  }
0x60: {  	_ =	shalt  }
0x61: {  	_ =	shalt  }
0x62: {  	_ =	shalt  }
0x63: {  	_ =	shalt  }
0x64: {  	_ =	shalt  }
0x65: {  	_ =	shalt  }
0x66: {  	_ =	shalt  }
0x67: {  	_ =	shalt  }
0x68: {  	_ =	shalt  }
0x69: {  	_ =	shalt  }
0x6a: {  	_ =	shalt  }
0x6b: {  	_ =	shalt  }
0x6c: {  	_ =	shalt  }
0x6d: {  	_ =	shalt  }
0x6e: {  	_ =	shalt  }
0x6f: {  	_ =	shalt  }
0x70: {  	_ =	shalt  }
0x71: {  	_ =	shalt  }
0x72: {  	_ =	shalt  }
0x73: {  	_ =	shalt  }
0x74: {  	_ =	shalt  }
0x75: {  	_ =	shalt  }
0x76: {  	_ =	shalt  }
0x77: {  	_ =	shalt  }
0x78: {  	_ =	shalt  }
0x79: {  	_ =	shalt  }
0x7a: {  	_ =	shalt  }
0x7b: {  	_ =	shalt  }
0x7c: {  	_ =	shalt  }
0x7d: {  	_ =	shalt  }
0x7e: {  	_ =	shalt  }
0x7f: {  	_ =	shalt  }
0x80: {  	_ =	shalt  }
0x81: {  	_ =	shalt  }
0x82: {  	_ =	shalt  }
0x83: {  	_ =	shalt  }
0x84: {  	_ =	shalt  }
0x85: {  	_ =	shalt  }
0x86: {  	_ =	shalt  }
0x87: {  	_ =	shalt  }
.Lfunc_end0:
.L_simem_size_0:
called_computation_lowered:
.L_overlay_start_0:
0x88: {  	s2 =	sld [smem:$0x3FD9]  }
0x89: {  	s3 =	sld [smem:$0x3FFE];
	_ =	sdelay $0x1  }
0x8a: {  	s1 =	srdreg.scid  }
0x8b: {  	s0 =	sand.u32 $0x1, s1  }
0x8c: {  	s17 =	sshll.u32 s0, $0xA;
	s2 =	sadd.s32 s3, s2  }
0x8d: {  	s2 =	sadd.s32 s2, s17  }
0x8e: {  	[smem:$0x3FC6] =	sst s2  }
0x8f: {  	_ = 	snop  }
0x90: {  	s2 =	sld [smem:$0x3FD0];
	(tm) =	ssettm $0x1  }
0x91: {  	s18 =	sld [smem:$0x3FFB];
	_ =	sdelay $0x3  }
0x92: {  	_ =	strace s18  }
0x93: {  	s3 =	sld [smem:$0x3FFC];
	_ =	sdelay $0x3  }
0x94: {  	_ =	strace s3  }
0x95: {  	s3 =	sld [smem:$0x3FFD];
	_ =	sdelay $0x3  }
0x96: {  	_ =	strace s3  }
0x97: {  	_ =	strace $0x8FFFFFFF  }
0x98: {  	s19 =	sld [smem:$0x3FDB];
	_ =	sdelay $0x1  }
0x99: {  	s4 =	simm.s32 $_scs_section_size  }
0x9a: {  	s5 =	simm.s32 $_size__tile_overlayer_lowered;
	s6 =	simm.s32 $_tile_overlayer_lowered  }
0x9b: {  	s22 =	simm.s32 $0x1BFF;
	s21 =	sshll.u32 s6, $0x1;
	s3 =	sadd.s32 s4, s19  }
0x9c: {  	s7 =	simm.s32 $0x0;
	s20 =	sshll.u32 s5, $0x1;
	s5 =	sadd.s32 s21, s3  }
0x9d: {  	[timem:s7], [sflag:s22] =	dma.local [hbm:s5], s20  }
0x9e: {  	_ =	swait.ge [sflag:s22], s20  }
0x9f: {  	s4 =	ssub.s32 $0x0, s20;
	[sflag:s22] =	ssyncset.done $0x0  }
0xa0: {  	[sflag:s22] =	ssyncadd.s32 s4;
	_ =	sdelay $0x1  }
0xa1: {  	s23 =	simm.s32 $0x1B8B  }
0xa2: {  	_ =	swait.ge [sflag:s23], $0x1  }
0xa3: {  	[sflag:s23] =	ssyncset.done $0x0  }
0xa4: {  	s25 =	simm.s32 $0x1B8E;
	s24 =	sld [smem:$0x3FFE];
	[sflag:s23] =	ssyncadd.s32 $0xFFFFFFFF  }
0xa5: {  	s26 =	simm.s32 $execute0_lowered;
	[smem:$0x3FD2] =	sst s25  }
0xa6: {  	s5 =	sshll.u32 s26, $0x1;
	_ =	strace $0x80000046;
	[dreg:$0x1] =	wrdreg $0xFFFFFFFF  }
0xa7: {  	s28 =	simm.s32 $_size_execute0_lowered;
	s3 =	sadd.s32 s3, s5;
	[dreg:$0x0] =	wrdreg $0x0  }
0xa8: {  	s5 =	sshll.u32 s28, $0x1;
	[dreg:$0x2] =	wrdreg s3  }
0xa9: {  	[dreg:$0x3] =	wrdreg s5  }
0xaa: {  	[dreg:$0x4] =	wrdreg $0xC0  }
0xab: {  	_ =	task [dreg:s7], $0x5FFFF  }
0xac: {  	[dreg:$0x1] =	wrdreg $0xFFFFFFFF  }
0xad: {  	[dreg:$0x0] =	wrdreg $0x60  }
0xae: {  	[dreg:$0x2] =	wrdreg s2  }
0xaf: {  	[dreg:$0x3] =	wrdreg s24  }
0xb0: {  	[dreg:$0x4] =	wrdreg $0x113000  }
0xb1: {  	[dreg:$0x5] =	wrdreg $0x12B800  }
0xb2: {  	[dreg:$0x6] =	wrdreg $0x144000  }
0xb3: {  	[dreg:$0x7] =	wrdreg $0xC9800  }
0xb4: {  	[dreg:$0x8] =	wrdreg $0xE2000  }
0xb5: {  	[dreg:$0x9] =	wrdreg $0xFA800  }
0xb6: {  	[dreg:$0xa] =	wrdreg $0x9  }
0xb7: {  	_ =	task.clear_ibuf [dreg:s7], $0xBFFFF;
	_ =	strace $0x90000046  }
0xb8: {  	s29 =	simm.s32 $0x9;
	_ =	strace $0x80000048  }
0xb9: {  	_ =	swait.ge [sflag:s29], $0x1  }
0xba: {  	[sflag:s29] =	ssyncadd.s32 $0xFFFFFFFF  }
0xbb: {  	_ =	strace $0x90000048  }
0xbc: {  	_ =	sfence  }
0xbd: {  	s30 =	sld [smem:$0x0];
	_ =	sdelay $0x2  }
0xbe: {  	s31 =	sshll.u32 s1, $0xD;
	s1 =	sshrl.u32 s1, $0x2  }
0xbf: {  	s3 =	sand.u32 $0x4000, s31;
	s1 =	sadd.s32 s1, s30  }
0xc0: {  	s0 =	sor.u32 s3, s0;
	s1 =	sshll.u32 s1, $0x11  }
0xc1: {  	s0 =	sor.u32 s1, s0  }
0xc2: {  	s0 =	sadd.s32 $0x8F2B, s0  }
0xc3: {  	[sflag:s0] =	ssyncadd.remote.s32 $0x1  }
0xc4: {  	_ =	sfence.sel $0xFFFF  }
0xc5: {  	[dreg:$0x0] =	wrdreg $0xFFFFFFFF;
	(pc) =	sbr.abs _section_cstart, $3  }
0xc6: {  	[dreg:$0x1] =	wrdreg $0xFFFFFFFF  }
0xc7: {  	_ =	task.clear_ibuf [dreg:s7], $0x2FFFF;
	_ =	strace $0x9FFFFFFF  }
0xc8: {  	(tm) =	ssettm $0x7FFFFFFF  }
0xc9: {  	_ =	shalt  }
tec
execute0_lowered:
.L_overlay_start_1:
0x0: {  	(tag) =	ssettag $0x1  }
0x1: {  	s2 =	rddreg [dreg:$0x0]  }
0x2: {  	s5 =	rddreg [dreg:$0x1]  }
0x3: {  	s0 =	rddreg [dreg:$0x2]  }
0x4: {  	s1 =	rddreg [dreg:$0x3];
	s4 =	srdreg.scid  }
0x5: {  	s3 =	rddreg [dreg:$0x4];
	s11 =	stileid.u32  }
0x6: {  	s6 =	rddreg [dreg:$0x6];
	s9 =	sand.u32 $0x1, s4;
	s12 =	smul.u32 $0x1880, s11  }
0x7: {  	s4 =	rddreg [dreg:$0x5];
	s7 =	sshll.u32 s9, $0x4;
	s19 =	smul.u32 $0x49800, s9  }
0x8: {  	s8 =	sor.u32 s11, s7;
	s7 =	rddreg [dreg:$0x7];
	s15 =	sshrl.u32 s12, $0x3  }
0x9: {  	s10 =	smul.u32 $0x1C00, s8;
	s8 =	simm.s32 $0x0;
	s22 =	sadd.s32 s2, s15  }
0xa: {  	s9 =	ssub.s32 $0x2, s9;
	[smem:$0x7FF] =	sst s8;
	s15 =	sadd.s32 $0x3100, s22  }
0xb: {  	s21 =	sshrl.u32 s9, $0x1;
	_ =	strace $0x80000047;
	[dreg:$0x14] =	wrdreg s15  }
0xc: {  	s14 =	ssub.s32 s9, s21;
	s9 =	sadd.s32 $0x6200, s22;
	[dreg:$0x13] =	wrdreg s22  }
0xd: {  	s23 =	simm.s32 $0xAC80;
	[dreg:$0x15] =	wrdreg s9  }
0xe: {  	s24 =	simm.s32 $0xAD00;
	[dreg:$0x9] =	wrdreg s23  }
0xf: {  	s26 =	simm.s32 $0xAD80;
	[dreg:$0xa] =	wrdreg s24  }
0x10: {  	s29 =	simm.s32 $0xAE00;
	[dreg:$0xb] =	wrdreg s26  }
0x11: {  	s11 =	sadd.s32 s12, s19;
	s19 =	simm.s32 $0xAE80;
	[dreg:$0xc] =	wrdreg s29  }
0x12: {  	s2 =	sadd.s32 s12, s6;
	s21 =	simm.s32 $0xAF00;
	[dreg:$0xd] =	wrdreg s19  }
0x13: {  	s30 =	simm.s32 $0x80;
	s2 =	sshrl.u32 s2, $0x3;
	[dreg:$0xe] =	wrdreg s21  }
0x14: {  	s31 =	simm.s32 $0x1;
	s17 =	sadd.s32 s12, s3;
	[dreg:$0x1e] =	wrdreg s2  }
0x15: {  	s16 =	sadd.s32 s12, s4;
	s23 =	simm.s32 $0xAF80;
	[dreg:$0x12] =	wrdreg s17  }
0x16: {  	s10 =	sshrl.u32 s10, $0x3;
	s24 =	simm.s32 $0xB000;
	[dreg:$0xf] =	wrdreg s23  }
0x17: {  	s26 =	simm.s32 $0xB080;
	s13 =	sadd.s32 s10, s5;
	[dreg:$0x10] =	wrdreg s24  }
0x18: {  	s20 =	sshrl.u32 s11, $0x3;
	[dreg:$0x11] =	wrdreg s26;
	s25 =	sadd.s32 $0x200, s13  }
0x19: {  	s11 =	sadd.s32 s12, s1;
	s28 =	sadd.s32 $0x7200, s13;
	[dreg:$0x16] =	wrdreg s25  }
0x1a: {  	s5 =	sadd.s32 s20, s5;
	s18 =	sadd.s32 $0xE200, s13;
	[dreg:$0x17] =	wrdreg s28  }
0x1b: {  	s2 =	simm.s32 $0x7000;
	s20 =	sadd.s32 $0x15200, s5;
	[dreg:$0x18] =	wrdreg s18  }
0x1c: {  	s10 =	sadd.s32 s12, s0;
	s22 =	sadd.s32 $0x18300, s5;
	[dreg:$0x19] =	wrdreg s20  }
0x1d: {  	s12 =	sadd.s32 s12, s7;
	s5 =	sadd.s32 $0x1B400, s5;
	[dreg:$0x1a] =	wrdreg s22  }
0x1e: {  	v0 =	vlaneseq.u32;
	s15 =	simm.s32 $0x3;
	s29 =	sshrl.u32 s12, $0x3;
	[dreg:$0x1b] =	wrdreg s5  }
0x1f: {  	v1 =	vimm.f32 $0.0e+00;
	v2 =	vor.u32 $0x10, v0;
	s26 =	simm.s32 $0x4;
	s25 =	smax.u32 s14, $0x1;
	[dreg:$0x1f] =	wrdreg s29  }
0x20: {  	v3 =	vor.u32 $0x20, v0;
	v4 =	vor.u32 $0x30, v0;
	v5 =	vor.u32 $0x40, v0;
	s13 =	simm.s32 $0x8C00;
	s28 =	sshrl.u32 s16, $0x3;
	[dreg:$0x1c] =	wrdreg s25  }
0x21: {  	v6 =	vor.u32 $0x50, v0;
	v7 =	vor.u32 $0x60, v0;
	v8 =	vor.u32 $0x70, v0;
	s5 =	simm.s32 $0x5400;
	s14 =	simm.s32 $0x2;
	[dreg:$0x1d] =	wrdreg s28  }
.LBB2_1:
0x22: {  	s12 =	simm.s32 $0x40;
	s16 =	simm.s32 $0x0  }
.LBB2_2:
0x23: {  	p0 =	sne.s32 s12, $0x61C0;
	[tilespmem:s16+$0xB100] =	vst v1;
	s16 =	smov.u32 s12;
	s12 =	sadd.s32 $0x40, s12  }
.Ltmp0:
0x24: {  	(pc) =	sbr.rel @p0 .LBB2_2-.Ltmp0, $2  }
0x25: {  	_ =	sdelay $0x2  }
0x26: {  	s16 =	sshra.s32 s16, $0x2  }
0x27: {  	[tilespmem:s16+$0xB100] =	vst v1;
	s9 =	simm.s32 $0xB100  }
0x28: {  	[spmem:s10] =	stream.linear.scatter [tilespmem:s9], [sflag:$0x4], $0x1880, $0x38;
	[tilespmem:$0x15C80] =	vst v63  }
0x29: {  	_ =	swait.ge [sflag:s26], $0x1880  }
0x2a: {  	[sflag:s26] =	ssyncset.done $0x0  }
0x2b: {  	[sflag:s26] =	ssyncadd.s32 $0xFFFFE780  }
0x2c: {  	[spmem:s11] =	stream.linear.scatter [tilespmem:s9], [sflag:$0x4], $0x1880, $0x38;
	[tilespmem:$0x15C80] =	vst v63  }
0x2d: {  	_ =	swait.ge [sflag:s26], $0x1880  }
0x2e: {  	[sflag:s26] =	ssyncset.done $0x0  }
0x2f: {  	s29 =	smov.u32 s11;
	s11 =	stileid.u32;
	[sflag:s26] =	ssyncadd.s32 $0xFFFFE780  }
0x30: {  	[spmem:s17] =	stream.linear.scatter [tilespmem:s9], [sflag:$0x4], $0x1880, $0x38;
	[tilespmem:$0x15C80] =	vst v63  }
0x31: {  	s12 =	sshll.u32 s11, $0x6;
	_ =	swait.ge [sflag:s26], $0x1880  }
0x32: {  	s16 =	sor.u32 $0x1C04, s12;
	[sflag:s26] =	ssyncset.done $0x0;
	s12 =	rddreg [dreg:$0x13]  }
0x33: {  	s17 =	rddreg [dreg:$0x1d];
	[sflag:s26] =	ssyncadd.s32 $0xFFFFE780  }
0x34: {  	[spmem:s17], [sflag:s16] =	dma.local [hbm:s12], $0x310  }
0x35: {  	_ =	swait.ge [sflag:s26], $0x310  }
0x36: {  	[sflag:s26] =	ssyncset.done $0x0;
	s18 =	rddreg [dreg:$0x14]  }
0x37: {  	s19 =	rddreg [dreg:$0x1e];
	[sflag:s26] =	ssyncadd.s32 $0xFFFFFCF0  }
0x38: {  	[spmem:s19], [sflag:s16] =	dma.local [hbm:s18], $0x310  }
0x39: {  	_ =	swait.ge [sflag:s26], $0x310  }
0x3a: {  	[sflag:s26] =	ssyncset.done $0x0;
	s20 =	rddreg [dreg:$0x15]  }
0x3b: {  	s21 =	rddreg [dreg:$0x1f];
	[sflag:s26] =	ssyncadd.s32 $0xFFFFFCF0  }
0x3c: {  	[spmem:s21], [sflag:s16] =	dma.local [hbm:s20], $0x310  }
0x3d: {  	_ =	swait.ge [sflag:s26], $0x310  }
0x3e: {  	[sflag:s26] =	ssyncset.done $0x0  }
0x3f: {  	s17 =	simm.s32 $0x0;
	s22 =	rddreg [dreg:$0x16];
	[sflag:s26] =	ssyncadd.s32 $0xFFFFFCF0  }
0x40: {  	[tilespmem:s17], [sflag:$0x4] =	stream.linear.gather [hbm4b:s22+s17], $0x1A00, $0x38;
	[tilespmem:$0x15C80] =	vst v63  }
0x41: {  	_ =	swait.ge [sflag:s26], $0x1A00  }
0x42: {  	[sflag:s26] =	ssyncset.done $0x0  }
0x43: {  	s24 =	simm.s32 $0x1C00;
	s23 =	rddreg [dreg:$0x17];
	[sflag:s26] =	ssyncadd.s32 $0xFFFFE600  }
0x44: {  	[tilespmem:s24], [sflag:$0x4] =	stream.linear.gather [hbm4b:s23+s17], $0x1A00, $0x38;
	[tilespmem:$0x15C80] =	vst v63  }
0x45: {  	_ =	swait.ge [sflag:s26], $0x1A00  }
0x46: {  	[sflag:s26] =	ssyncset.done $0x0  }
0x47: {  	s11 =	simm.s32 $0x3800;
	s25 =	rddreg [dreg:$0x18];
	[sflag:s26] =	ssyncadd.s32 $0xFFFFE600  }
0x48: {  	[tilespmem:s11], [sflag:$0x4] =	stream.linear.gather [hbm4b:s25+s17], $0x1A00, $0x38;
	[tilespmem:$0x15C80] =	vst v63  }
0x49: {  	_ =	swait.ge [sflag:s26], $0x1A00  }
0x4a: {  	[sflag:s26] =	ssyncset.done $0x0  }
0x4b: {  	[sflag:s26] =	ssyncadd.s32 $0xFFFFE600  }
0x4c: {  	s12 =	simm.s32 $0xA800;
	[bflag:$0x0] =	sbarrier.arrive $0xFFFF  }
0x4d: {  	[tilespmem:s12], [sflag:$0x1] =	stream.indirect.gather [spmem:s4], $0x1, s17, s30, $0xb8;
	[tilespmem:$0x15C80] =	vst v63  }
0x4e: {  	s18 =	simm.s32 $0xA880  }
0x4f: {  	[tilespmem:s18], [sflag:$0x1] =	stream.indirect.gather [spmem:s6], $0x1, s17, s30, $0xb8;
	[tilespmem:$0x15C80] =	vst v63  }
0x50: {  	s19 =	simm.s32 $0xA900  }
0x51: {  	[tilespmem:s19], [sflag:$0x1] =	stream.indirect.gather [spmem:s7], $0x1, s17, s30, $0xb8;
	[tilespmem:$0x15C80] =	vst v63  }
0x52: {  	s20 =	simm.s32 $0xA980  }
0x53: {  	[tilespmem:s20], [sflag:$0x1] =	stream.indirect.gather [spmem:s4], $0x1, s24, s30, $0xb8;
	[tilespmem:$0x15C80] =	vst v63  }
0x54: {  	s21 =	simm.s32 $0xAA00  }
0x55: {  	[tilespmem:s21], [sflag:$0x1] =	stream.indirect.gather [spmem:s6], $0x1, s24, s30, $0xb8;
	[tilespmem:$0x15C80] =	vst v63  }
0x56: {  	s22 =	simm.s32 $0xAA80  }
0x57: {  	[tilespmem:s22], [sflag:$0x1] =	stream.indirect.gather [spmem:s7], $0x1, s24, s30, $0xb8;
	[tilespmem:$0x15C80] =	vst v63  }
0x58: {  	s23 =	simm.s32 $0xAB00  }
0x59: {  	[tilespmem:s23], [sflag:$0x1] =	stream.indirect.gather [spmem:s4], $0x1, s11, s30, $0xb8;
	[tilespmem:$0x15C80] =	vst v63  }
0x5a: {  	s28 =	smov.u32 s10;
	s24 =	simm.s32 $0xAB80  }
0x5b: {  	[tilespmem:s24], [sflag:$0x1] =	stream.indirect.gather [spmem:s6], $0x1, s11, s30, $0xb8;
	[tilespmem:$0x15C80] =	vst v63  }
0x5c: {  	s25 =	simm.s32 $0xAC00;
	s18 =	simm.s32 $0x1;
	s19 =	simm.s32 $0x0  }
0x5d: {  	[tilespmem:s25], [sflag:$0x1] =	stream.indirect.gather [spmem:s7], $0x1, s11, s30, $0xb8;
	[tilespmem:$0x15C80] =	vst v63  }
.LBB2_4:
0x5e: {  	s21 =	sshra.s32 s19, $0x2  }
0x5f: {  	s12 =	rddreg [dreg:$0x9];
	s20 =	sadd.s32 $0x80, s21  }
0x60: {  	[tilespmem:s12], [sflag:$0x2] =	stream.indirect.gather [spmem:s4], $0x1, s20, s30, $0xb8;
	[tilespmem:$0x15C80] =	vst v63  }
0x61: {  	s23 =	rddreg [dreg:$0xa]  }
0x62: {  	[tilespmem:s23], [sflag:$0x2] =	stream.indirect.gather [spmem:s6], $0x1, s20, s30, $0xb8;
	[tilespmem:$0x15C80] =	vst v63  }
0x63: {  	s11 =	rddreg [dreg:$0xb]  }
0x64: {  	[tilespmem:s11], [sflag:$0x2] =	stream.indirect.gather [spmem:s7], $0x1, s20, s30, $0xb8;
	[tilespmem:$0x15C80] =	vst v63  }
0x65: {  	s24 =	rddreg [dreg:$0xc];
	s23 =	sadd.s32 $0x1C80, s21  }
0x66: {  	[tilespmem:s24], [sflag:$0x2] =	stream.indirect.gather [spmem:s4], $0x1, s23, s30, $0xb8;
	[tilespmem:$0x15C80] =	vst v63  }
0x67: {  	s22 =	rddreg [dreg:$0xd]  }
0x68: {  	[tilespmem:s22], [sflag:$0x2] =	stream.indirect.gather [spmem:s6], $0x1, s23, s30, $0xb8;
	[tilespmem:$0x15C80] =	vst v63  }
0x69: {  	s25 =	rddreg [dreg:$0xe]  }
0x6a: {  	[tilespmem:s25], [sflag:$0x2] =	stream.indirect.gather [spmem:s7], $0x1, s23, s30, $0xb8;
	[tilespmem:$0x15C80] =	vst v63  }
0x6b: {  	s9 =	rddreg [dreg:$0xf];
	s24 =	sadd.s32 $0x3880, s21  }
0x6c: {  	[tilespmem:s9], [sflag:$0x2] =	stream.indirect.gather [spmem:s4], $0x1, s24, s30, $0xb8;
	[tilespmem:$0x15C80] =	vst v63  }
0x6d: {  	s25 =	rddreg [dreg:$0x10]  }
0x6e: {  	[tilespmem:s25], [sflag:$0x2] =	stream.indirect.gather [spmem:s6], $0x1, s24, s30, $0xb8;
	[tilespmem:$0x15C80] =	vst v63  }
0x6f: {  	s10 =	rddreg [dreg:$0x11]  }
0x70: {  	[tilespmem:s10], [sflag:$0x2] =	stream.indirect.gather [spmem:s7], $0x1, s24, s30, $0xb8;
	[tilespmem:$0x15C80] =	vst v63  }
0x71: {  	_ =	swait.ge [sflag:s31], $0x80  }
0x72: {  	[sflag:s31] =	ssyncset.done $0x0  }
0x73: {  	[sflag:s31] =	ssyncadd.s32 $0xFFFFFF80  }
0x74: {  	_ =	swait.ge [sflag:s31], $0x80  }
0x75: {  	[sflag:s31] =	ssyncset.done $0x0  }
0x76: {  	[sflag:s31] =	ssyncadd.s32 $0xFFFFFF80  }
0x77: {  	_ =	swait.ge [sflag:s31], $0x80  }
0x78: {  	[sflag:s31] =	ssyncset.done $0x0  }
0x79: {  	[sflag:s31] =	ssyncadd.s32 $0xFFFFFF80  }
0x7a: {  	_ =	swait.ge [sflag:s31], $0x80  }
0x7b: {  	[sflag:s31] =	ssyncset.done $0x0  }
0x7c: {  	[sflag:s31] =	ssyncadd.s32 $0xFFFFFF80  }
0x7d: {  	_ =	swait.ge [sflag:s31], $0x80  }
0x7e: {  	[sflag:s31] =	ssyncset.done $0x0  }
0x7f: {  	[sflag:s31] =	ssyncadd.s32 $0xFFFFFF80  }
0x80: {  	_ =	swait.ge [sflag:s31], $0x80  }
0x81: {  	[sflag:s31] =	ssyncset.done $0x0  }
0x82: {  	[sflag:s31] =	ssyncadd.s32 $0xFFFFFF80  }
0x83: {  	_ =	swait.ge [sflag:s31], $0x80  }
0x84: {  	[sflag:s31] =	ssyncset.done $0x0  }
0x85: {  	[sflag:s31] =	ssyncadd.s32 $0xFFFFFF80  }
0x86: {  	_ =	swait.ge [sflag:s31], $0x80  }
0x87: {  	[sflag:s31] =	ssyncset.done $0x0  }
0x88: {  	[sflag:s31] =	ssyncadd.s32 $0xFFFFFF80  }
0x89: {  	_ =	swait.ge [sflag:s31], $0x80  }
0x8a: {  	[sflag:s31] =	ssyncset.done $0x0  }
0x8b: {  	[sflag:s31] =	ssyncadd.s32 $0xFFFFFF80  }
0x8c: {  	v9 =	vld [tilespmem:$0xA800]  }
0x8d: {  	v10 =	vld [tilespmem:$0xA880]  }
0x8e: {  	v11 =	vld [tilespmem:$0xA900]  }
0x8f: {  	v12 =	vld [tilespmem:$0xAA00]  }
0x90: {  	v13 =	vld [tilespmem:$0xAA80]  }
0x91: {  	v14 =	vld [tilespmem:$0xAB80]  }
0x92: {  	v15 =	vld [tilespmem:$0xAC00]  }
0x93: {  	v16 =	vld [tilespmem:$0xA980]  }
0x94: {  	v17 =	vld [tilespmem:$0xAB00];
	_ =	sdelay $0x2  }
0x95: {  	s25 =	sshll.u32 s18, $0x7;
	v14 =	vsub.f32 v14, v12;
	v15 =	vsub.f32 v15, v13  }
0x96: {  	s11 =	sadd.s32 $0xFFFFFF80, s25;
	v10 =	vsub.f32 v10, v12;
	v11 =	vsub.f32 v11, v13  }
0x97: {  	v27 =	vor.u32 s11, v0;
	v26 =	vsub.f32 v17, v16;
	v9 =	vsub.f32 v9, v16  }
0x98: {  	v28 =	vmul.f32 v14, v11;
	v29 =	vmul.f32 v15, v10  }
0x99: {  	v15 =	vmul.f32 v15, v9;
	v11 =	vmul.f32 v26, v11  }
0x9a: {  	v10 =	vmul.f32 v26, v10;
	v9 =	vmul.f32 v14, v9;
	v16 =	vsub.f32 v28, v29  }
0x9b: {  	v11 =	vsub.f32 v15, v11  }
0x9c: {  	v9 =	vsub.f32 v10, v9;
	[tilespmem:v27+s5+$0x0] =	vst.idx.msk $0xffff, v16  }
0x9d: {  	[tilespmem:v27+s2+$0x0] =	vst.idx.msk $0xffff, v11  }
0x9e: {  	[tilespmem:v27+s13+$0x0] =	vst.idx.msk $0xffff, v9  }
0x9f: {  	v9 =	vld [tilespmem:$0xA810]  }
0xa0: {  	v10 =	vld [tilespmem:$0xA890]  }
0xa1: {  	v11 =	vld [tilespmem:$0xA910]  }
0xa2: {  	v30 =	vld [tilespmem:$0xAA10]  }
0xa3: {  	v13 =	vld [tilespmem:$0xAA90]  }
0xa4: {  	v31 =	vld [tilespmem:$0xAB90]  }
0xa5: {  	v32 =	vld [tilespmem:$0xAC10]  }
0xa6: {  	v16 =	vld [tilespmem:$0xA990]  }
0xa7: {  	v33 =	vld [tilespmem:$0xAB10];
	_ =	sdelay $0x2  }
0xa8: {  	v14 =	vsub.f32 v31, v30;
	v15 =	vsub.f32 v32, v13  }
0xa9: {  	v10 =	vsub.f32 v10, v30;
	v11 =	vsub.f32 v11, v13  }
0xaa: {  	v35 =	vor.u32 s11, v2;
	v34 =	vsub.f32 v33, v16;
	v9 =	vsub.f32 v9, v16  }
0xab: {  	v36 =	vmul.f32 v14, v11;
	v37 =	vmul.f32 v15, v10  }
0xac: {  	v15 =	vmul.f32 v15, v9;
	v11 =	vmul.f32 v34, v11  }
0xad: {  	v10 =	vmul.f32 v34, v10;
	v9 =	vmul.f32 v14, v9;
	v16 =	vsub.f32 v36, v37  }
0xae: {  	v11 =	vsub.f32 v15, v11  }
0xaf: {  	v9 =	vsub.f32 v10, v9;
	[tilespmem:v35+s5+$0x0] =	vst.idx.msk $0xffff, v16  }
0xb0: {  	[tilespmem:v35+s2+$0x0] =	vst.idx.msk $0xffff, v11  }
0xb1: {  	[tilespmem:v35+s13+$0x0] =	vst.idx.msk $0xffff, v9  }
0xb2: {  	v9 =	vld [tilespmem:$0xA820]  }
0xb3: {  	v10 =	vld [tilespmem:$0xA8A0]  }
0xb4: {  	v11 =	vld [tilespmem:$0xA920]  }
0xb5: {  	v38 =	vld [tilespmem:$0xAA20]  }
0xb6: {  	v13 =	vld [tilespmem:$0xAAA0]  }
0xb7: {  	v39 =	vld [tilespmem:$0xABA0]  }
0xb8: {  	v40 =	vld [tilespmem:$0xAC20]  }
0xb9: {  	v16 =	vld [tilespmem:$0xA9A0]  }
0xba: {  	v41 =	vld [tilespmem:$0xAB20];
	_ =	sdelay $0x2  }
0xbb: {  	v14 =	vsub.f32 v39, v38;
	v15 =	vsub.f32 v40, v13  }
0xbc: {  	v10 =	vsub.f32 v10, v38;
	v11 =	vsub.f32 v11, v13  }
0xbd: {  	v43 =	vor.u32 s11, v3;
	v42 =	vsub.f32 v41, v16;
	v9 =	vsub.f32 v9, v16  }
0xbe: {  	v44 =	vmul.f32 v14, v11;
	v45 =	vmul.f32 v15, v10  }
0xbf: {  	v15 =	vmul.f32 v15, v9;
	v11 =	vmul.f32 v42, v11  }
0xc0: {  	v10 =	vmul.f32 v42, v10;
	v9 =	vmul.f32 v14, v9;
	v16 =	vsub.f32 v44, v45  }
0xc1: {  	v11 =	vsub.f32 v15, v11  }
0xc2: {  	v9 =	vsub.f32 v10, v9;
	[tilespmem:v43+s5+$0x0] =	vst.idx.msk $0xffff, v16  }
0xc3: {  	[tilespmem:v43+s2+$0x0] =	vst.idx.msk $0xffff, v11  }
0xc4: {  	[tilespmem:v43+s13+$0x0] =	vst.idx.msk $0xffff, v9  }
0xc5: {  	v9 =	vld [tilespmem:$0xA830]  }
0xc6: {  	v10 =	vld [tilespmem:$0xA8B0]  }
0xc7: {  	v11 =	vld [tilespmem:$0xA930]  }
0xc8: {  	v46 =	vld [tilespmem:$0xAA30]  }
0xc9: {  	v13 =	vld [tilespmem:$0xAAB0]  }
0xca: {  	v47 =	vld [tilespmem:$0xABB0]  }
0xcb: {  	v48 =	vld [tilespmem:$0xAC30]  }
0xcc: {  	v16 =	vld [tilespmem:$0xA9B0]  }
0xcd: {  	v49 =	vld [tilespmem:$0xAB30];
	_ =	sdelay $0x2  }
0xce: {  	v14 =	vsub.f32 v47, v46;
	v15 =	vsub.f32 v48, v13  }
0xcf: {  	v10 =	vsub.f32 v10, v46;
	v11 =	vsub.f32 v11, v13  }
0xd0: {  	v51 =	vor.u32 s11, v4;
	v50 =	vsub.f32 v49, v16;
	v9 =	vsub.f32 v9, v16  }
0xd1: {  	v52 =	vmul.f32 v14, v11;
	v53 =	vmul.f32 v15, v10  }
0xd2: {  	v15 =	vmul.f32 v15, v9;
	v11 =	vmul.f32 v50, v11  }
0xd3: {  	v10 =	vmul.f32 v50, v10;
	v9 =	vmul.f32 v14, v9;
	v16 =	vsub.f32 v52, v53  }
0xd4: {  	v11 =	vsub.f32 v15, v11  }
0xd5: {  	v9 =	vsub.f32 v10, v9;
	[tilespmem:v51+s5+$0x0] =	vst.idx.msk $0xffff, v16  }
0xd6: {  	[tilespmem:v51+s2+$0x0] =	vst.idx.msk $0xffff, v11  }
0xd7: {  	[tilespmem:v51+s13+$0x0] =	vst.idx.msk $0xffff, v9  }
0xd8: {  	v9 =	vld [tilespmem:$0xA840]  }
0xd9: {  	v10 =	vld [tilespmem:$0xA8C0]  }
0xda: {  	v11 =	vld [tilespmem:$0xA940]  }
0xdb: {  	v54 =	vld [tilespmem:$0xAA40]  }
0xdc: {  	v13 =	vld [tilespmem:$0xAAC0]  }
0xdd: {  	v55 =	vld [tilespmem:$0xABC0]  }
0xde: {  	v56 =	vld [tilespmem:$0xAC40]  }
0xdf: {  	v16 =	vld [tilespmem:$0xA9C0]  }
0xe0: {  	v57 =	vld [tilespmem:$0xAB40];
	_ =	sdelay $0x2  }
0xe1: {  	v14 =	vsub.f32 v55, v54;
	v15 =	vsub.f32 v56, v13  }
0xe2: {  	v10 =	vsub.f32 v10, v54;
	v11 =	vsub.f32 v11, v13  }
0xe3: {  	v59 =	vor.u32 s11, v5;
	v58 =	vsub.f32 v57, v16;
	v9 =	vsub.f32 v9, v16  }
0xe4: {  	v60 =	vmul.f32 v14, v11;
	v61 =	vmul.f32 v15, v10  }
0xe5: {  	v15 =	vmul.f32 v15, v9;
	v11 =	vmul.f32 v58, v11  }
0xe6: {  	v10 =	vmul.f32 v58, v10;
	v9 =	vmul.f32 v14, v9;
	v16 =	vsub.f32 v60, v61  }
0xe7: {  	v11 =	vsub.f32 v15, v11  }
0xe8: {  	v9 =	vsub.f32 v10, v9;
	[tilespmem:v59+s5+$0x0] =	vst.idx.msk $0xffff, v16  }
0xe9: {  	[tilespmem:v59+s2+$0x0] =	vst.idx.msk $0xffff, v11  }
0xea: {  	[tilespmem:v59+s13+$0x0] =	vst.idx.msk $0xffff, v9  }
0xeb: {  	v9 =	vld [tilespmem:$0xA850]  }
0xec: {  	v10 =	vld [tilespmem:$0xA8D0]  }
0xed: {  	v11 =	vld [tilespmem:$0xA950]  }
0xee: {  	v62 =	vld [tilespmem:$0xAA50]  }
0xef: {  	v13 =	vld [tilespmem:$0xAAD0]  }
0xf0: {  	v63 =	vld [tilespmem:$0xABD0]  }
0xf1: {  	v20 =	vld [tilespmem:$0xAC50]  }
0xf2: {  	v16 =	vld [tilespmem:$0xA9D0]  }
0xf3: {  	v21 =	vld [tilespmem:$0xAB50];
	_ =	sdelay $0x2  }
0xf4: {  	v14 =	vsub.f32 v63, v62;
	v15 =	vsub.f32 v20, v13  }
0xf5: {  	v10 =	vsub.f32 v10, v62;
	v11 =	vsub.f32 v11, v13  }
0xf6: {  	v23 =	vor.u32 s11, v6;
	v22 =	vsub.f32 v21, v16;
	v9 =	vsub.f32 v9, v16  }
0xf7: {  	v24 =	vmul.f32 v14, v11;
	v25 =	vmul.f32 v15, v10  }
0xf8: {  	v15 =	vmul.f32 v15, v9;
	v11 =	vmul.f32 v22, v11  }
0xf9: {  	v10 =	vmul.f32 v22, v10;
	v9 =	vmul.f32 v14, v9;
	v16 =	vsub.f32 v24, v25  }
0xfa: {  	v11 =	vsub.f32 v15, v11  }
0xfb: {  	v9 =	vsub.f32 v10, v9;
	[tilespmem:v23+s5+$0x0] =	vst.idx.msk $0xffff, v16  }
0xfc: {  	[tilespmem:v23+s2+$0x0] =	vst.idx.msk $0xffff, v11  }
0xfd: {  	[tilespmem:v23+s13+$0x0] =	vst.idx.msk $0xffff, v9  }
0xfe: {  	v9 =	vld [tilespmem:$0xA860]  }
0xff: {  	v10 =	vld [tilespmem:$0xA8E0]  }
0x100: {  	v11 =	vld [tilespmem:$0xA960]  }
0x101: {  	v26 =	vld [tilespmem:$0xAA60]  }
0x102: {  	v13 =	vld [tilespmem:$0xAAE0]  }
0x103: {  	v27 =	vld [tilespmem:$0xABE0]  }
0x104: {  	v28 =	vld [tilespmem:$0xAC60]  }
0x105: {  	v16 =	vld [tilespmem:$0xA9E0]  }
0x106: {  	v29 =	vld [tilespmem:$0xAB60];
	_ =	sdelay $0x2  }
0x107: {  	v14 =	vsub.f32 v27, v26;
	v15 =	vsub.f32 v28, v13  }
0x108: {  	v10 =	vsub.f32 v10, v26;
	v11 =	vsub.f32 v11, v13  }
0x109: {  	v31 =	vor.u32 s11, v7;
	v30 =	vsub.f32 v29, v16;
	v9 =	vsub.f32 v9, v16  }
0x10a: {  	v32 =	vmul.f32 v14, v11;
	v33 =	vmul.f32 v15, v10  }
0x10b: {  	v15 =	vmul.f32 v15, v9;
	v11 =	vmul.f32 v30, v11  }
0x10c: {  	v10 =	vmul.f32 v30, v10;
	v9 =	vmul.f32 v14, v9;
	v16 =	vsub.f32 v32, v33  }
0x10d: {  	v11 =	vsub.f32 v15, v11  }
0x10e: {  	v9 =	vsub.f32 v10, v9;
	[tilespmem:v31+s5+$0x0] =	vst.idx.msk $0xffff, v16  }
0x10f: {  	[tilespmem:v31+s2+$0x0] =	vst.idx.msk $0xffff, v11  }
0x110: {  	[tilespmem:v31+s13+$0x0] =	vst.idx.msk $0xffff, v9  }
0x111: {  	v9 =	vld [tilespmem:$0xA870]  }
0x112: {  	v10 =	vld [tilespmem:$0xA8F0]  }
0x113: {  	v11 =	vld [tilespmem:$0xA970]  }
0x114: {  	v34 =	vld [tilespmem:$0xAA70]  }
0x115: {  	v13 =	vld [tilespmem:$0xAAF0]  }
0x116: {  	v35 =	vld [tilespmem:$0xABF0]  }
0x117: {  	v36 =	vld [tilespmem:$0xAC70]  }
0x118: {  	v16 =	vld [tilespmem:$0xA9F0]  }
0x119: {  	v37 =	vld [tilespmem:$0xAB70];
	_ =	sdelay $0x2  }
0x11a: {  	v14 =	vsub.f32 v35, v34;
	v15 =	vsub.f32 v36, v13  }
0x11b: {  	v10 =	vsub.f32 v10, v34;
	v11 =	vsub.f32 v11, v13  }
0x11c: {  	v39 =	vor.u32 s11, v8;
	v38 =	vsub.f32 v37, v16;
	v9 =	vsub.f32 v9, v16  }
0x11d: {  	v40 =	vmul.f32 v14, v11;
	v41 =	vmul.f32 v15, v10  }
0x11e: {  	v15 =	vmul.f32 v15, v9;
	v11 =	vmul.f32 v38, v11  }
0x11f: {  	v10 =	vmul.f32 v38, v10;
	v9 =	vmul.f32 v14, v9;
	v16 =	vsub.f32 v40, v41  }
0x120: {  	v11 =	vsub.f32 v15, v11  }
0x121: {  	p0 =	seq.s32 s19, $0x6400;
	v9 =	vsub.f32 v10, v9;
	[tilespmem:v39+s5+$0x0] =	vst.idx.msk $0xffff, v16  }
0x122: {  	s12 =	sshra.s32 @!p0 s19, $0x2;
	[tilespmem:v39+s2+$0x0] =	vst.idx.msk $0xffff, v11  }
0x123: {  	s22 =	sadd.s32 @!p0 $0x100, s12;
	s9 =	simm.s32 @!p0 $0x80;
	s10 =	simm.s32 @!p0 $0xA800;
	[tilespmem:v39+s13+$0x0] =	vst.idx.msk $0xffff, v9  }
0x124: {  	[tilespmem:s10], [sflag:$0x1] =	stream.indirect.gather @!p0 [spmem:s4], $0x1, s22, s9, $0xb8;
	[tilespmem:$0x15C80] =	vst v63  }
0x125: {  	s10 =	simm.s32 @!p0 $0xA880  }
0x126: {  	[tilespmem:s10], [sflag:$0x1] =	stream.indirect.gather @!p0 [spmem:s6], $0x1, s22, s9, $0xb8;
	[tilespmem:$0x15C80] =	vst v63  }
0x127: {  	s10 =	simm.s32 @!p0 $0xA900  }
0x128: {  	[tilespmem:s10], [sflag:$0x1] =	stream.indirect.gather @!p0 [spmem:s7], $0x1, s22, s9, $0xb8;
	[tilespmem:$0x15C80] =	vst v63  }
0x129: {  	s10 =	sadd.s32 @!p0 $0x1D00, s12;
	s22 =	simm.s32 @!p0 $0xA980  }
0x12a: {  	[tilespmem:s22], [sflag:$0x1] =	stream.indirect.gather @!p0 [spmem:s4], $0x1, s10, s9, $0xb8;
	[tilespmem:$0x15C80] =	vst v63  }
0x12b: {  	s22 =	simm.s32 @!p0 $0xAA00  }
0x12c: {  	[tilespmem:s22], [sflag:$0x1] =	stream.indirect.gather @!p0 [spmem:s6], $0x1, s10, s9, $0xb8;
	[tilespmem:$0x15C80] =	vst v63  }
0x12d: {  	s22 =	simm.s32 @!p0 $0xAA80  }
0x12e: {  	[tilespmem:s22], [sflag:$0x1] =	stream.indirect.gather @!p0 [spmem:s7], $0x1, s10, s9, $0xb8;
	[tilespmem:$0x15C80] =	vst v63  }
0x12f: {  	s10 =	sadd.s32 @!p0 $0x3900, s12;
	s12 =	simm.s32 @!p0 $0xAB00  }
0x130: {  	[tilespmem:s12], [sflag:$0x1] =	stream.indirect.gather @!p0 [spmem:s4], $0x1, s10, s9, $0xb8;
	[tilespmem:$0x15C80] =	vst v63  }
0x131: {  	s12 =	simm.s32 @!p0 $0xAB80  }
0x132: {  	[tilespmem:s12], [sflag:$0x1] =	stream.indirect.gather @!p0 [spmem:s6], $0x1, s10, s9, $0xb8;
	[tilespmem:$0x15C80] =	vst v63  }
0x133: {  	s12 =	simm.s32 @!p0 $0xAC00  }
0x134: {  	[tilespmem:s12], [sflag:$0x1] =	stream.indirect.gather @!p0 [spmem:s7], $0x1, s10, s9, $0xb8;
	[tilespmem:$0x15C80] =	vst v63  }
0x135: {  	s9 =	smov.u32 s17  }
0x136: {  	s9 =	simm.s32 @p0 $0x1900  }
0x137: {  	s10 =	sadd.s32 $0x5400, s9  }
0x138: {  	[spmem:s0] =	stream.indirect.scatter.add.f32 [tilespmem:s10], [sflag:$0x3], $0x1, s9, s30, $0xb8;
	[tilespmem:$0x15C80] =	vst v63  }
0x139: {  	s12 =	sadd.s32 $0x7000, s9  }
0x13a: {  	[spmem:s1] =	stream.indirect.scatter.add.f32 [tilespmem:s12], [sflag:$0x3], $0x1, s9, s30, $0xb8;
	[tilespmem:$0x15C80] =	vst v63  }
0x13b: {  	s22 =	sadd.s32 $0x8C00, s9  }
0x13c: {  	[spmem:s3] =	stream.indirect.scatter.add.f32 [tilespmem:s22], [sflag:$0x3], $0x1, s9, s30, $0xb8;
	[tilespmem:$0x15C80] =	vst v63  }
0x13d: {  	s11 =	sadd.s32 $0x1C00, s9  }
0x13e: {  	[spmem:s0] =	stream.indirect.scatter.add.f32 [tilespmem:s10], [sflag:$0x3], $0x1, s11, s30, $0xb8;
	[tilespmem:$0x15C80] =	vst v63  }
0x13f: {  	_ = 	snop  }
0x140: {  	[spmem:s1] =	stream.indirect.scatter.add.f32 [tilespmem:s12], [sflag:$0x3], $0x1, s11, s30, $0xb8;
	[tilespmem:$0x15C80] =	vst v63  }
0x141: {  	_ = 	snop  }
0x142: {  	[spmem:s3] =	stream.indirect.scatter.add.f32 [tilespmem:s22], [sflag:$0x3], $0x1, s11, s30, $0xb8;
	[tilespmem:$0x15C80] =	vst v63  }
0x143: {  	s9 =	sadd.s32 $0x3800, s9  }
0x144: {  	[spmem:s0] =	stream.indirect.scatter.add.f32 [tilespmem:s10], [sflag:$0x3], $0x1, s9, s30, $0xb8;
	[tilespmem:$0x15C80] =	vst v63  }
0x145: {  	_ = 	snop  }
0x146: {  	[spmem:s1] =	stream.indirect.scatter.add.f32 [tilespmem:s12], [sflag:$0x3], $0x1, s9, s30, $0xb8;
	[tilespmem:$0x15C80] =	vst v63  }
0x147: {  	_ = 	snop  }
0x148: {  	[spmem:s3] =	stream.indirect.scatter.add.f32 [tilespmem:s22], [sflag:$0x3], $0x1, s9, s30, $0xb8;
	[tilespmem:$0x15C80] =	vst v63  }
0x149: {  	_ =	swait.ge [sflag:s14], $0x80  }
0x14a: {  	[sflag:s14] =	ssyncset.done $0x0  }
0x14b: {  	[sflag:s14] =	ssyncadd.s32 $0xFFFFFF80  }
0x14c: {  	_ =	swait.ge [sflag:s14], $0x80  }
0x14d: {  	[sflag:s14] =	ssyncset.done $0x0  }
0x14e: {  	[sflag:s14] =	ssyncadd.s32 $0xFFFFFF80  }
0x14f: {  	_ =	swait.ge [sflag:s14], $0x80  }
0x150: {  	[sflag:s14] =	ssyncset.done $0x0  }
0x151: {  	[sflag:s14] =	ssyncadd.s32 $0xFFFFFF80  }
0x152: {  	_ =	swait.ge [sflag:s14], $0x80  }
0x153: {  	[sflag:s14] =	ssyncset.done $0x0  }
0x154: {  	[sflag:s14] =	ssyncadd.s32 $0xFFFFFF80  }
0x155: {  	_ =	swait.ge [sflag:s14], $0x80  }
0x156: {  	[sflag:s14] =	ssyncset.done $0x0  }
0x157: {  	[sflag:s14] =	ssyncadd.s32 $0xFFFFFF80  }
0x158: {  	_ =	swait.ge [sflag:s14], $0x80  }
0x159: {  	[sflag:s14] =	ssyncset.done $0x0  }
0x15a: {  	[sflag:s14] =	ssyncadd.s32 $0xFFFFFF80  }
0x15b: {  	_ =	swait.ge [sflag:s14], $0x80  }
0x15c: {  	[sflag:s14] =	ssyncset.done $0x0  }
0x15d: {  	[sflag:s14] =	ssyncadd.s32 $0xFFFFFF80  }
0x15e: {  	_ =	swait.ge [sflag:s14], $0x80  }
0x15f: {  	[sflag:s14] =	ssyncset.done $0x0  }
0x160: {  	[sflag:s14] =	ssyncadd.s32 $0xFFFFFF80  }
0x161: {  	_ =	swait.ge [sflag:s14], $0x80  }
0x162: {  	[sflag:s14] =	ssyncset.done $0x0  }
0x163: {  	[sflag:s14] =	ssyncadd.s32 $0xFFFFFF80  }
0x164: {  	v9 =	vld [tilespmem:$0xAC80]  }
0x165: {  	v10 =	vld [tilespmem:$0xAD00]  }
0x166: {  	v11 =	vld [tilespmem:$0xAD80]  }
0x167: {  	v42 =	vld [tilespmem:$0xAE80]  }
0x168: {  	v43 =	vld [tilespmem:$0xAF00]  }
0x169: {  	v44 =	vld [tilespmem:$0xB000]  }
0x16a: {  	v45 =	vld [tilespmem:$0xB080]  }
0x16b: {  	v46 =	vld [tilespmem:$0xAE00]  }
0x16c: {  	v47 =	vld [tilespmem:$0xAF80];
	_ =	sdelay $0x2  }
0x16d: {  	v14 =	vsub.f32 v44, v42;
	v15 =	vsub.f32 v45, v43  }
0x16e: {  	v10 =	vsub.f32 v10, v42;
	v11 =	vsub.f32 v11, v43  }
0x16f: {  	v49 =	vor.u32 s25, v0;
	v48 =	vsub.f32 v47, v46;
	v9 =	vsub.f32 v9, v46  }
0x170: {  	v50 =	vmul.f32 v14, v11;
	v51 =	vmul.f32 v15, v10  }
0x171: {  	v15 =	vmul.f32 v15, v9;
	v11 =	vmul.f32 v48, v11  }
0x172: {  	v10 =	vmul.f32 v48, v10;
	v9 =	vmul.f32 v14, v9;
	v16 =	vsub.f32 v50, v51  }
0x173: {  	v11 =	vsub.f32 v15, v11  }
0x174: {  	v9 =	vsub.f32 v10, v9;
	[tilespmem:v49+s5+$0x0] =	vst.idx.msk $0xffff, v16  }
0x175: {  	[tilespmem:v49+s2+$0x0] =	vst.idx.msk $0xffff, v11  }
0x176: {  	[tilespmem:v49+s13+$0x0] =	vst.idx.msk $0xffff, v9  }
0x177: {  	v9 =	vld [tilespmem:$0xAC90]  }
0x178: {  	v10 =	vld [tilespmem:$0xAD10]  }
0x179: {  	v11 =	vld [tilespmem:$0xAD90]  }
0x17a: {  	v52 =	vld [tilespmem:$0xAE90]  }
0x17b: {  	v13 =	vld [tilespmem:$0xAF10]  }
0x17c: {  	v53 =	vld [tilespmem:$0xB010]  }
0x17d: {  	v54 =	vld [tilespmem:$0xB090]  }
0x17e: {  	v16 =	vld [tilespmem:$0xAE10]  }
0x17f: {  	v55 =	vld [tilespmem:$0xAF90];
	_ =	sdelay $0x2  }
0x180: {  	v14 =	vsub.f32 v53, v52;
	v15 =	vsub.f32 v54, v13  }
0x181: {  	v10 =	vsub.f32 v10, v52;
	v11 =	vsub.f32 v11, v13  }
0x182: {  	v57 =	vor.u32 s25, v2;
	v56 =	vsub.f32 v55, v16;
	v9 =	vsub.f32 v9, v16  }
0x183: {  	v58 =	vmul.f32 v14, v11;
	v59 =	vmul.f32 v15, v10  }
0x184: {  	v15 =	vmul.f32 v15, v9;
	v11 =	vmul.f32 v56, v11  }
0x185: {  	v10 =	vmul.f32 v56, v10;
	v9 =	vmul.f32 v14, v9;
	v16 =	vsub.f32 v58, v59  }
0x186: {  	v11 =	vsub.f32 v15, v11  }
0x187: {  	v9 =	vsub.f32 v10, v9;
	[tilespmem:v57+s5+$0x0] =	vst.idx.msk $0xffff, v16  }
0x188: {  	[tilespmem:v57+s2+$0x0] =	vst.idx.msk $0xffff, v11  }
0x189: {  	[tilespmem:v57+s13+$0x0] =	vst.idx.msk $0xffff, v9  }
0x18a: {  	v9 =	vld [tilespmem:$0xACA0]  }
0x18b: {  	v10 =	vld [tilespmem:$0xAD20]  }
0x18c: {  	v11 =	vld [tilespmem:$0xADA0]  }
0x18d: {  	v60 =	vld [tilespmem:$0xAEA0]  }
0x18e: {  	v13 =	vld [tilespmem:$0xAF20]  }
0x18f: {  	v61 =	vld [tilespmem:$0xB020]  }
0x190: {  	v62 =	vld [tilespmem:$0xB0A0]  }
0x191: {  	v16 =	vld [tilespmem:$0xAE20]  }
0x192: {  	v63 =	vld [tilespmem:$0xAFA0];
	_ =	sdelay $0x2  }
0x193: {  	v14 =	vsub.f32 v61, v60;
	v15 =	vsub.f32 v62, v13  }
0x194: {  	v10 =	vsub.f32 v10, v60;
	v11 =	vsub.f32 v11, v13  }
0x195: {  	v21 =	vor.u32 s25, v3;
	v20 =	vsub.f32 v63, v16;
	v9 =	vsub.f32 v9, v16  }
0x196: {  	v22 =	vmul.f32 v14, v11;
	v23 =	vmul.f32 v15, v10  }
0x197: {  	v15 =	vmul.f32 v15, v9;
	v11 =	vmul.f32 v20, v11  }
0x198: {  	v10 =	vmul.f32 v20, v10;
	v9 =	vmul.f32 v14, v9;
	v16 =	vsub.f32 v22, v23  }
0x199: {  	v11 =	vsub.f32 v15, v11  }
0x19a: {  	v9 =	vsub.f32 v10, v9;
	[tilespmem:v21+s5+$0x0] =	vst.idx.msk $0xffff, v16  }
0x19b: {  	[tilespmem:v21+s2+$0x0] =	vst.idx.msk $0xffff, v11  }
0x19c: {  	[tilespmem:v21+s13+$0x0] =	vst.idx.msk $0xffff, v9  }
0x19d: {  	v9 =	vld [tilespmem:$0xACB0]  }
0x19e: {  	v10 =	vld [tilespmem:$0xAD30]  }
0x19f: {  	v11 =	vld [tilespmem:$0xADB0]  }
0x1a0: {  	v24 =	vld [tilespmem:$0xAEB0]  }
0x1a1: {  	v13 =	vld [tilespmem:$0xAF30]  }
0x1a2: {  	v25 =	vld [tilespmem:$0xB030]  }
0x1a3: {  	v26 =	vld [tilespmem:$0xB0B0]  }
0x1a4: {  	v16 =	vld [tilespmem:$0xAE30]  }
0x1a5: {  	v27 =	vld [tilespmem:$0xAFB0];
	_ =	sdelay $0x2  }
0x1a6: {  	v14 =	vsub.f32 v25, v24;
	v15 =	vsub.f32 v26, v13  }
0x1a7: {  	v10 =	vsub.f32 v10, v24;
	v11 =	vsub.f32 v11, v13  }
0x1a8: {  	v29 =	vor.u32 s25, v4;
	v28 =	vsub.f32 v27, v16;
	v9 =	vsub.f32 v9, v16  }
0x1a9: {  	v30 =	vmul.f32 v14, v11;
	v31 =	vmul.f32 v15, v10  }
0x1aa: {  	v15 =	vmul.f32 v15, v9;
	v11 =	vmul.f32 v28, v11  }
0x1ab: {  	v10 =	vmul.f32 v28, v10;
	v9 =	vmul.f32 v14, v9;
	v16 =	vsub.f32 v30, v31  }
0x1ac: {  	v11 =	vsub.f32 v15, v11  }
0x1ad: {  	v9 =	vsub.f32 v10, v9;
	[tilespmem:v29+s5+$0x0] =	vst.idx.msk $0xffff, v16  }
0x1ae: {  	[tilespmem:v29+s2+$0x0] =	vst.idx.msk $0xffff, v11  }
0x1af: {  	[tilespmem:v29+s13+$0x0] =	vst.idx.msk $0xffff, v9  }
0x1b0: {  	v9 =	vld [tilespmem:$0xACC0]  }
0x1b1: {  	v10 =	vld [tilespmem:$0xAD40]  }
0x1b2: {  	v11 =	vld [tilespmem:$0xADC0]  }
0x1b3: {  	v32 =	vld [tilespmem:$0xAEC0]  }
0x1b4: {  	v13 =	vld [tilespmem:$0xAF40]  }
0x1b5: {  	v33 =	vld [tilespmem:$0xB040]  }
0x1b6: {  	v34 =	vld [tilespmem:$0xB0C0]  }
0x1b7: {  	v16 =	vld [tilespmem:$0xAE40]  }
0x1b8: {  	v35 =	vld [tilespmem:$0xAFC0];
	_ =	sdelay $0x2  }
0x1b9: {  	v14 =	vsub.f32 v33, v32;
	v15 =	vsub.f32 v34, v13  }
0x1ba: {  	v10 =	vsub.f32 v10, v32;
	v11 =	vsub.f32 v11, v13  }
0x1bb: {  	v37 =	vor.u32 s25, v5;
	v36 =	vsub.f32 v35, v16;
	v9 =	vsub.f32 v9, v16  }
0x1bc: {  	v38 =	vmul.f32 v14, v11;
	v39 =	vmul.f32 v15, v10  }
0x1bd: {  	v15 =	vmul.f32 v15, v9;
	v11 =	vmul.f32 v36, v11  }
0x1be: {  	v10 =	vmul.f32 v36, v10;
	v9 =	vmul.f32 v14, v9;
	v16 =	vsub.f32 v38, v39  }
0x1bf: {  	v11 =	vsub.f32 v15, v11  }
0x1c0: {  	v9 =	vsub.f32 v10, v9;
	[tilespmem:v37+s5+$0x0] =	vst.idx.msk $0xffff, v16  }
0x1c1: {  	[tilespmem:v37+s2+$0x0] =	vst.idx.msk $0xffff, v11  }
0x1c2: {  	[tilespmem:v37+s13+$0x0] =	vst.idx.msk $0xffff, v9  }
0x1c3: {  	v9 =	vld [tilespmem:$0xACD0]  }
0x1c4: {  	v10 =	vld [tilespmem:$0xAD50]  }
0x1c5: {  	v11 =	vld [tilespmem:$0xADD0]  }
0x1c6: {  	v40 =	vld [tilespmem:$0xAED0]  }
0x1c7: {  	v13 =	vld [tilespmem:$0xAF50]  }
0x1c8: {  	v41 =	vld [tilespmem:$0xB050]  }
0x1c9: {  	v42 =	vld [tilespmem:$0xB0D0]  }
0x1ca: {  	v16 =	vld [tilespmem:$0xAE50]  }
0x1cb: {  	v43 =	vld [tilespmem:$0xAFD0];
	_ =	sdelay $0x2  }
0x1cc: {  	v14 =	vsub.f32 v41, v40;
	v15 =	vsub.f32 v42, v13  }
0x1cd: {  	v10 =	vsub.f32 v10, v40;
	v11 =	vsub.f32 v11, v13  }
0x1ce: {  	v45 =	vor.u32 s25, v6;
	v44 =	vsub.f32 v43, v16;
	v9 =	vsub.f32 v9, v16  }
0x1cf: {  	v46 =	vmul.f32 v14, v11;
	v47 =	vmul.f32 v15, v10  }
0x1d0: {  	v15 =	vmul.f32 v15, v9;
	v11 =	vmul.f32 v44, v11  }
0x1d1: {  	v10 =	vmul.f32 v44, v10;
	v9 =	vmul.f32 v14, v9;
	v16 =	vsub.f32 v46, v47  }
0x1d2: {  	v11 =	vsub.f32 v15, v11  }
0x1d3: {  	v9 =	vsub.f32 v10, v9;
	[tilespmem:v45+s5+$0x0] =	vst.idx.msk $0xffff, v16  }
0x1d4: {  	[tilespmem:v45+s2+$0x0] =	vst.idx.msk $0xffff, v11  }
0x1d5: {  	[tilespmem:v45+s13+$0x0] =	vst.idx.msk $0xffff, v9  }
0x1d6: {  	v9 =	vld [tilespmem:$0xACE0]  }
0x1d7: {  	v10 =	vld [tilespmem:$0xAD60]  }
0x1d8: {  	v11 =	vld [tilespmem:$0xADE0]  }
0x1d9: {  	v48 =	vld [tilespmem:$0xAEE0]  }
0x1da: {  	v13 =	vld [tilespmem:$0xAF60]  }
0x1db: {  	v49 =	vld [tilespmem:$0xB060]  }
0x1dc: {  	v50 =	vld [tilespmem:$0xB0E0]  }
0x1dd: {  	v16 =	vld [tilespmem:$0xAE60]  }
0x1de: {  	v51 =	vld [tilespmem:$0xAFE0];
	_ =	sdelay $0x2  }
0x1df: {  	v14 =	vsub.f32 v49, v48;
	v15 =	vsub.f32 v50, v13  }
0x1e0: {  	v10 =	vsub.f32 v10, v48;
	v11 =	vsub.f32 v11, v13  }
0x1e1: {  	v53 =	vor.u32 s25, v7;
	v52 =	vsub.f32 v51, v16;
	v9 =	vsub.f32 v9, v16  }
0x1e2: {  	v54 =	vmul.f32 v14, v11;
	v55 =	vmul.f32 v15, v10  }
0x1e3: {  	v15 =	vmul.f32 v15, v9;
	v11 =	vmul.f32 v52, v11  }
0x1e4: {  	v10 =	vmul.f32 v52, v10;
	v9 =	vmul.f32 v14, v9;
	v16 =	vsub.f32 v54, v55  }
0x1e5: {  	v11 =	vsub.f32 v15, v11  }
0x1e6: {  	v9 =	vsub.f32 v10, v9;
	[tilespmem:v53+s5+$0x0] =	vst.idx.msk $0xffff, v16  }
0x1e7: {  	[tilespmem:v53+s2+$0x0] =	vst.idx.msk $0xffff, v11  }
0x1e8: {  	[tilespmem:v53+s13+$0x0] =	vst.idx.msk $0xffff, v9  }
0x1e9: {  	v9 =	vld [tilespmem:$0xACF0]  }
0x1ea: {  	v10 =	vld [tilespmem:$0xAD70]  }
0x1eb: {  	v11 =	vld [tilespmem:$0xADF0]  }
0x1ec: {  	v56 =	vld [tilespmem:$0xAEF0]  }
0x1ed: {  	v13 =	vld [tilespmem:$0xAF70]  }
0x1ee: {  	v57 =	vld [tilespmem:$0xB070]  }
0x1ef: {  	v58 =	vld [tilespmem:$0xB0F0]  }
0x1f0: {  	v16 =	vld [tilespmem:$0xAE70]  }
0x1f1: {  	v59 =	vld [tilespmem:$0xAFF0];
	_ =	sdelay $0x2  }
0x1f2: {  	v14 =	vsub.f32 v57, v56;
	v15 =	vsub.f32 v58, v13  }
0x1f3: {  	v10 =	vsub.f32 v10, v56;
	v11 =	vsub.f32 v11, v13  }
0x1f4: {  	v61 =	vor.u32 s25, v8;
	v60 =	vsub.f32 v59, v16;
	v9 =	vsub.f32 v9, v16  }
0x1f5: {  	v62 =	vmul.f32 v14, v11;
	v63 =	vmul.f32 v15, v10  }
0x1f6: {  	v15 =	vmul.f32 v15, v9;
	v11 =	vmul.f32 v60, v11  }
0x1f7: {  	v10 =	vmul.f32 v60, v10;
	v9 =	vmul.f32 v14, v9;
	v16 =	vsub.f32 v62, v63  }
0x1f8: {  	v11 =	vsub.f32 v15, v11  }
0x1f9: {  	v9 =	vsub.f32 v10, v9;
	[tilespmem:v61+s5+$0x0] =	vst.idx.msk $0xffff, v16  }
0x1fa: {  	[tilespmem:v61+s2+$0x0] =	vst.idx.msk $0xffff, v11  }
0x1fb: {  	s12 =	sadd.s32 $0x5480, s21;
	[tilespmem:v61+s13+$0x0] =	vst.idx.msk $0xffff, v9  }
0x1fc: {  	[spmem:s0] =	stream.indirect.scatter.add.f32 [tilespmem:s12], [sflag:$0x3], $0x1, s20, s30, $0xb8;
	[tilespmem:$0x15C80] =	vst v63  }
0x1fd: {  	s22 =	sadd.s32 $0x7080, s21  }
0x1fe: {  	[spmem:s1] =	stream.indirect.scatter.add.f32 [tilespmem:s22], [sflag:$0x3], $0x1, s20, s30, $0xb8;
	[tilespmem:$0x15C80] =	vst v63  }
0x1ff: {  	s25 =	sadd.s32 $0x8C80, s21  }
0x200: {  	[spmem:s3] =	stream.indirect.scatter.add.f32 [tilespmem:s25], [sflag:$0x3], $0x1, s20, s30, $0xb8;
	[tilespmem:$0x15C80] =	vst v63  }
0x201: {  	_ = 	snop  }
0x202: {  	[spmem:s0] =	stream.indirect.scatter.add.f32 [tilespmem:s12], [sflag:$0x3], $0x1, s23, s30, $0xb8;
	[tilespmem:$0x15C80] =	vst v63  }
0x203: {  	_ = 	snop  }
0x204: {  	[spmem:s1] =	stream.indirect.scatter.add.f32 [tilespmem:s22], [sflag:$0x3], $0x1, s23, s30, $0xb8;
	[tilespmem:$0x15C80] =	vst v63  }
0x205: {  	_ = 	snop  }
0x206: {  	[spmem:s3] =	stream.indirect.scatter.add.f32 [tilespmem:s25], [sflag:$0x3], $0x1, s23, s30, $0xb8;
	[tilespmem:$0x15C80] =	vst v63  }
0x207: {  	_ = 	snop  }
0x208: {  	[spmem:s0] =	stream.indirect.scatter.add.f32 [tilespmem:s12], [sflag:$0x3], $0x1, s24, s30, $0xb8;
	[tilespmem:$0x15C80] =	vst v63  }
0x209: {  	p0 =	seq.s32 s19, $0x0  }
0x20a: {  	[spmem:s1] =	stream.indirect.scatter.add.f32 [tilespmem:s22], [sflag:$0x3], $0x1, s24, s30, $0xb8;
	[tilespmem:$0x15C80] =	vst v63  }
0x20b: {  	s9 =	simm.s32 @!p0 $0x3  }
0x20c: {  	[spmem:s3] =	stream.indirect.scatter.add.f32 [tilespmem:s25], [sflag:$0x3], $0x1, s24, s30, $0xb8;
	[tilespmem:$0x15C80] =	vst v63  }
0x20d: {  	_ =	swait.ge @!p0 [sflag:s9], $0x80  }
0x20e: {  	[sflag:s9] =	ssyncset.done @!p0 $0x0  }
0x20f: {  	[sflag:s9] =	ssyncadd.s32 @!p0 $0xFFFFFF80  }
0x210: {  	_ =	swait.ge @!p0 [sflag:s9], $0x80  }
0x211: {  	[sflag:s9] =	ssyncset.done @!p0 $0x0  }
0x212: {  	[sflag:s9] =	ssyncadd.s32 @!p0 $0xFFFFFF80  }
0x213: {  	_ =	swait.ge @!p0 [sflag:s9], $0x80  }
0x214: {  	[sflag:s9] =	ssyncset.done @!p0 $0x0  }
0x215: {  	[sflag:s9] =	ssyncadd.s32 @!p0 $0xFFFFFF80  }
0x216: {  	_ =	swait.ge @!p0 [sflag:s9], $0x80  }
0x217: {  	[sflag:s9] =	ssyncset.done @!p0 $0x0  }
0x218: {  	[sflag:s9] =	ssyncadd.s32 @!p0 $0xFFFFFF80  }
0x219: {  	_ =	swait.ge @!p0 [sflag:s9], $0x80  }
0x21a: {  	[sflag:s9] =	ssyncset.done @!p0 $0x0  }
0x21b: {  	[sflag:s9] =	ssyncadd.s32 @!p0 $0xFFFFFF80  }
0x21c: {  	_ =	swait.ge @!p0 [sflag:s9], $0x80  }
0x21d: {  	[sflag:s9] =	ssyncset.done @!p0 $0x0  }
0x21e: {  	[sflag:s9] =	ssyncadd.s32 @!p0 $0xFFFFFF80  }
0x21f: {  	_ =	swait.ge @!p0 [sflag:s9], $0x80  }
0x220: {  	[sflag:s9] =	ssyncset.done @!p0 $0x0  }
0x221: {  	[sflag:s9] =	ssyncadd.s32 @!p0 $0xFFFFFF80  }
0x222: {  	_ =	swait.ge @!p0 [sflag:s9], $0x80  }
0x223: {  	[sflag:s9] =	ssyncset.done @!p0 $0x0  }
0x224: {  	[sflag:s9] =	ssyncadd.s32 @!p0 $0xFFFFFF80  }
0x225: {  	_ =	swait.ge @!p0 [sflag:s9], $0x80  }
0x226: {  	[sflag:s9] =	ssyncset.done @!p0 $0x0  }
0x227: {  	[sflag:s9] =	ssyncadd.s32 @!p0 $0xFFFFFF80  }
0x228: {  	_ =	swait.ge @!p0 [sflag:s9], $0x80  }
0x229: {  	[sflag:s9] =	ssyncset.done @!p0 $0x0  }
0x22a: {  	[sflag:s9] =	ssyncadd.s32 @!p0 $0xFFFFFF80  }
0x22b: {  	_ =	swait.ge @!p0 [sflag:s9], $0x80  }
0x22c: {  	[sflag:s9] =	ssyncset.done @!p0 $0x0  }
0x22d: {  	[sflag:s9] =	ssyncadd.s32 @!p0 $0xFFFFFF80  }
0x22e: {  	_ =	swait.ge @!p0 [sflag:s9], $0x80  }
0x22f: {  	[sflag:s9] =	ssyncset.done @!p0 $0x0  }
0x230: {  	[sflag:s9] =	ssyncadd.s32 @!p0 $0xFFFFFF80  }
0x231: {  	_ =	swait.ge @!p0 [sflag:s9], $0x80  }
0x232: {  	[sflag:s9] =	ssyncset.done @!p0 $0x0  }
0x233: {  	[sflag:s9] =	ssyncadd.s32 @!p0 $0xFFFFFF80  }
0x234: {  	_ =	swait.ge @!p0 [sflag:s9], $0x80  }
0x235: {  	[sflag:s9] =	ssyncset.done @!p0 $0x0  }
0x236: {  	[sflag:s9] =	ssyncadd.s32 @!p0 $0xFFFFFF80  }
0x237: {  	_ =	swait.ge @!p0 [sflag:s9], $0x80  }
0x238: {  	[sflag:s9] =	ssyncset.done @!p0 $0x0  }
0x239: {  	[sflag:s9] =	ssyncadd.s32 @!p0 $0xFFFFFF80  }
0x23a: {  	_ =	swait.ge @!p0 [sflag:s9], $0x80  }
0x23b: {  	[sflag:s9] =	ssyncset.done @!p0 $0x0  }
0x23c: {  	s19 =	sadd.s32 $0x400, s19;
	[sflag:s9] =	ssyncadd.s32 @!p0 $0xFFFFFF80  }
0x23d: {  	p1 =	sne.s32 s19, $0x6800;
	_ =	swait.ge @!p0 [sflag:s9], $0x80  }
.Ltmp1:
0x23e: {  	[sflag:s9] =	ssyncset.done @!p0 $0x0;
	(pc) =	sbr.rel @p1 .LBB2_4-.Ltmp1, $4  }
0x23f: {  	[sflag:s9] =	ssyncadd.s32 @!p0 $0xFFFFFF80  }
0x240: {  	_ =	swait.ge @!p0 [sflag:s9], $0x80  }
0x241: {  	[sflag:s9] =	ssyncset.done @!p0 $0x0  }
0x242: {  	s18 =	sadd.s32 $0x2, s18;
	s17 =	sadd.s32 $0x100, s17;
	[sflag:s9] =	ssyncadd.s32 @!p0 $0xFFFFFF80  }
0x243: {  	_ =	swait.ge [sflag:s15], $0x80  }
0x244: {  	[sflag:s15] =	ssyncset.done $0x0  }
0x245: {  	[sflag:s15] =	ssyncadd.s32 $0xFFFFFF80  }
0x246: {  	_ =	swait.ge [sflag:s15], $0x80  }
0x247: {  	[sflag:s15] =	ssyncset.done $0x0  }
0x248: {  	[sflag:s15] =	ssyncadd.s32 $0xFFFFFF80  }
0x249: {  	_ =	swait.ge [sflag:s15], $0x80  }
0x24a: {  	[sflag:s15] =	ssyncset.done $0x0  }
0x24b: {  	[sflag:s15] =	ssyncadd.s32 $0xFFFFFF80  }
0x24c: {  	_ =	swait.ge [sflag:s15], $0x80  }
0x24d: {  	[sflag:s15] =	ssyncset.done $0x0  }
0x24e: {  	[sflag:s15] =	ssyncadd.s32 $0xFFFFFF80  }
0x24f: {  	_ =	swait.ge [sflag:s15], $0x80  }
0x250: {  	[sflag:s15] =	ssyncset.done $0x0  }
0x251: {  	[sflag:s15] =	ssyncadd.s32 $0xFFFFFF80  }
0x252: {  	_ =	swait.ge [sflag:s15], $0x80  }
0x253: {  	[sflag:s15] =	ssyncset.done $0x0  }
0x254: {  	[sflag:s15] =	ssyncadd.s32 $0xFFFFFF80  }
0x255: {  	_ =	swait.ge [sflag:s15], $0x80  }
0x256: {  	[sflag:s15] =	ssyncset.done $0x0  }
0x257: {  	[sflag:s15] =	ssyncadd.s32 $0xFFFFFF80  }
0x258: {  	_ =	swait.ge [sflag:s15], $0x80  }
0x259: {  	[sflag:s15] =	ssyncset.done $0x0  }
0x25a: {  	[sflag:s15] =	ssyncadd.s32 $0xFFFFFF80  }
0x25b: {  	_ =	swait.ge [sflag:s15], $0x80  }
0x25c: {  	[sflag:s15] =	ssyncset.done $0x0  }
0x25d: {  	[sflag:s15] =	ssyncadd.s32 $0xFFFFFF80  }
0x25e: {  	_ =	swait.ge [sflag:s15], $0x80  }
0x25f: {  	[sflag:s15] =	ssyncset.done $0x0  }
0x260: {  	[sflag:s15] =	ssyncadd.s32 $0xFFFFFF80  }
0x261: {  	_ =	swait.ge [sflag:s15], $0x80  }
0x262: {  	[sflag:s15] =	ssyncset.done $0x0  }
0x263: {  	[sflag:s15] =	ssyncadd.s32 $0xFFFFFF80  }
0x264: {  	_ =	swait.ge [sflag:s15], $0x80  }
0x265: {  	[sflag:s15] =	ssyncset.done $0x0  }
0x266: {  	[sflag:s15] =	ssyncadd.s32 $0xFFFFFF80  }
0x267: {  	_ =	swait.ge [sflag:s15], $0x80  }
0x268: {  	[sflag:s15] =	ssyncset.done $0x0  }
0x269: {  	[sflag:s15] =	ssyncadd.s32 $0xFFFFFF80  }
0x26a: {  	_ =	swait.ge [sflag:s15], $0x80  }
0x26b: {  	[sflag:s15] =	ssyncset.done $0x0  }
0x26c: {  	[sflag:s15] =	ssyncadd.s32 $0xFFFFFF80  }
0x26d: {  	_ =	swait.ge [sflag:s15], $0x80  }
0x26e: {  	[sflag:s15] =	ssyncset.done $0x0  }
0x26f: {  	[sflag:s15] =	ssyncadd.s32 $0xFFFFFF80  }
0x270: {  	_ =	swait.ge [sflag:s15], $0x80  }
0x271: {  	[sflag:s15] =	ssyncset.done $0x0  }
0x272: {  	[sflag:s15] =	ssyncadd.s32 $0xFFFFFF80  }
0x273: {  	_ =	swait.ge [sflag:s15], $0x80  }
0x274: {  	[sflag:s15] =	ssyncset.done $0x0  }
0x275: {  	[sflag:s15] =	ssyncadd.s32 $0xFFFFFF80  }
0x276: {  	_ =	swait.ge [sflag:s15], $0x80  }
0x277: {  	[sflag:s15] =	ssyncset.done $0x0  }
0x278: {  	[sflag:s15] =	ssyncadd.s32 $0xFFFFFF80  }
0x279: {  	[bflag:$0x0] =	sbarrier.arrive $0xFFFF  }
0x27a: {  	s9 =	sshrl.u32 s28, $0x3;
	s11 =	rddreg [dreg:$0x19]  }
0x27b: {  	[hbm:s11], [sflag:s16] =	dma.local [spmem:s9], $0x310  }
0x27c: {  	_ =	swait.ge [sflag:s26], $0x310  }
0x27d: {  	[sflag:s26] =	ssyncset.done $0x0  }
0x27e: {  	s24 =	sshrl.u32 s29, $0x3;
	s12 =	rddreg [dreg:$0x1a];
	[sflag:s26] =	ssyncadd.s32 $0xFFFFFCF0  }
0x27f: {  	[hbm:s12], [sflag:s16] =	dma.local [spmem:s24], $0x310  }
0x280: {  	_ =	swait.ge [sflag:s26], $0x310  }
0x281: {  	s10 =	smov.u32 s28;
	[sflag:s26] =	ssyncset.done $0x0;
	s17 =	rddreg [dreg:$0x12]  }
0x282: {  	s28 =	rddreg [dreg:$0x1b];
	[sflag:s26] =	ssyncadd.s32 $0xFFFFFCF0;
	s25 =	sshrl.u32 s17, $0x3  }
0x283: {  	[hbm:s28], [sflag:s16] =	dma.local [spmem:s25], $0x310  }
0x284: {  	_ =	swait.ge [sflag:s26], $0x310  }
0x285: {  	s8 =	sadd.s32 $0x1, s8;
	s11 =	smov.u32 s29;
	s29 =	rddreg [dreg:$0x1c]  }
0x286: {  	p0 =	sne.s32 s8, s29  }
.Ltmp2:
0x287: {  	_ = 	snop;
	(pc) =	sbr.rel @p0 .LBB2_1-.Ltmp2, $3  }
0x288: {  	_ =	sdelay $0x1  }
0x289: {  	[sflag:s26] =	ssyncset.done $0x0  }
0x28a: {  	[sflag:s26] =	ssyncadd.s32 $0xFFFFFCF0  }
0x28b: {  	_ =	sfence.sel $0x180000  }
0x28c: {  	[bflag:$0x0] =	sbarrier.arrive $0xFFFF  }
0x28d: {  	_ =	strace $0x90000047  }
0x28e: {  	s0 =	stileid.u32;
	[bflag:$0x2] =	sbarrier.arrive $0xFFFF  }
0x28f: {  	p0 =	sne.s32 s0, $0x0;
	s0 =	rddreg [dreg:$0x8]  }
0x290: {  	s0 =	sadd.s32 @!p0 $0x100000, s0  }
0x291: {  	[sflag:s0] =	ssyncadd.tile.s32 @!p0 $0x1;
	_ =	shalt  }
.Lfunc_end2:
_tile_overlayer_lowered:
.L_overlay_start_2:
0x292: {  	(tag) =	ssettag $0x2  }
0x293: {  	s0 =	rddreg [dreg:$0x0];
	s2 =	stileid.u32  }
0x294: {  	s1 =	rddreg [dreg:$0x1];
	p0 =	sne.s32 s2, $0x0  }
0x295: {  	s3 =	rddreg [dreg:$0x2];
	[bflag:$0x3] =	sbarrier.arrive $0xFFFF;
	s2 =	simm.s32 @!p0 $0x1C04  }
0x296: {  	[timem:s3], [sflag:s2] =	dma.local @!p0 [hbm:s0], s1  }
0x297: {  	s0 =	simm.s32 @!p0 $0x4  }
0x298: {  	_ =	swait.ge @!p0 [sflag:s0], s1  }
0x299: {  	s1 =	ssub.s32 @!p0 $0x0, s1;
	[sflag:s0] =	ssyncset.done @!p0 $0x0  }
0x29a: {  	[sflag:s0] =	ssyncadd.s32 @!p0 s1  }
0x29b: {  	[bflag:$0x3] =	sbarrier.arrive $0xFFFF  }
0x29c: {  	_ =	shalt  }

</sc_bundles>
